<compile_context>
chip_gen: v7x
topology: tpu7x:2x2x1
jax: 0.10.2.dev20260603
libtpu: 0.0.44.dev20260713+nightly
codegen_flags: <defaults>
</compile_context>

<pallas_src>
import functools
import jax
import jax.numpy as jnp
from jax import lax
from jax.experimental import pallas as pl
from jax.experimental.pallas import tpu as pltpu, tpu_sc as plsc

N = 10000
E = 160000
F = 128
NP = 10240
EP = 163840
G = 64
H = 4
A = 16
NCLS = 10
CHUNK = 128
NSUB = 16
NCORE = 2
NWORK = NCORE * NSUB
CH_PER_W = EP // (CHUNK * NWORK)
ROWS_PER_SUB = NP // NSUB
BN = 1024
NBLK = NP // BN

def _get_mesh():
    return plsc.VectorSubcoreMesh(core_axis_name="c", subcore_axis_name="s",
                                  num_cores=NCORE, num_subcores=NSUB)



def _sc_agg_deg(x_hbm, srcp, dstp, z2d, z1d, ones_hbm):
    @functools.partial(
        pl.kernel,
        out_type=(jax.ShapeDtypeStruct((NCORE, NP, F), jnp.float32),
                  jax.ShapeDtypeStruct((NCORE, NP), jnp.float32)),
        mesh=_get_mesh(),
        scratch_types=[
            pltpu.VMEM((CHUNK,), jnp.int32),
            pltpu.VMEM((CHUNK,), jnp.int32),
            pltpu.VMEM((CHUNK, F), jnp.float32),
            pltpu.VMEM((CHUNK,), jnp.float32),
            pltpu.VMEM_SHARED((NP, F), jnp.float32),
            pltpu.VMEM_SHARED((NP,), jnp.float32),
            pltpu.SemaphoreType.DMA,
        ],
    )
    def k(x_r, src_r, dst_r, z2d_r, z1d_r, ones_r, out_r, outd_r,
          idx_s, idx_d, rows, ones_v, acc, accd, sem):
        c = lax.axis_index("c")
        s = lax.axis_index("s")
        w = s * NCORE + c
        r0 = s * ROWS_PER_SUB
        pltpu.sync_copy(z2d_r, acc.at[pl.ds(r0, ROWS_PER_SUB)])
        pltpu.sync_copy(z1d_r, accd.at[pl.ds(r0, ROWS_PER_SUB)])
        pltpu.sync_copy(ones_r, ones_v)
        plsc.subcore_barrier()
        base = w * (CH_PER_W * CHUNK)

        def step(t, _):
            off = base + t * CHUNK
            pltpu.sync_copy(src_r.at[pl.ds(off, CHUNK)], idx_s)
            pltpu.sync_copy(dst_r.at[pl.ds(off, CHUNK)], idx_d)
            pltpu.async_copy(x_r.at[idx_s], rows, sem).wait()
            pltpu.sync_copy(rows, acc.at[idx_d], add=True)
            pltpu.sync_copy(ones_v, accd.at[idx_d], add=True)
            return _

        lax.fori_loop(0, CH_PER_W, step, None)
        plsc.subcore_barrier()
        pltpu.sync_copy(acc.at[pl.ds(r0, ROWS_PER_SUB)],
                        out_r.at[c, pl.ds(r0, ROWS_PER_SUB)])
        pltpu.sync_copy(accd.at[pl.ds(r0, ROWS_PER_SUB)],
                        outd_r.at[c, pl.ds(r0, ROWS_PER_SUB)])

    return k(x_hbm, srcp, dstp, z2d, z1d, ones_hbm)


def _sc_agg(x_hbm, srcp, dstp, z2d):
    @functools.partial(
        pl.kernel,
        out_type=jax.ShapeDtypeStruct((NCORE, NP, F), jnp.float32),
        mesh=_get_mesh(),
        scratch_types=[
            pltpu.VMEM((CHUNK,), jnp.int32),
            pltpu.VMEM((CHUNK,), jnp.int32),
            pltpu.VMEM((CHUNK, F), jnp.float32),
            pltpu.VMEM_SHARED((NP, F), jnp.float32),
            pltpu.SemaphoreType.DMA,
        ],
    )
    def k(x_r, src_r, dst_r, z2d_r, out_r, idx_s, idx_d, rows, acc, sem):
        c = lax.axis_index("c")
        s = lax.axis_index("s")
        w = s * NCORE + c
        r0 = s * ROWS_PER_SUB
        pltpu.sync_copy(z2d_r, acc.at[pl.ds(r0, ROWS_PER_SUB)])
        plsc.subcore_barrier()
        base = w * (CH_PER_W * CHUNK)

        def step(t, _):
            off = base + t * CHUNK
            pltpu.sync_copy(src_r.at[pl.ds(off, CHUNK)], idx_s)
            pltpu.sync_copy(dst_r.at[pl.ds(off, CHUNK)], idx_d)
            pltpu.async_copy(x_r.at[idx_s], rows, sem).wait()
            pltpu.sync_copy(rows, acc.at[idx_d], add=True)
            return _

        lax.fori_loop(0, CH_PER_W, step, None)
        plsc.subcore_barrier()
        pltpu.sync_copy(acc.at[pl.ds(r0, ROWS_PER_SUB)],
                        out_r.at[c, pl.ds(r0, ROWS_PER_SUB)])

    return k(x_hbm, srcp, dstp, z2d)


def _sc_mask(assign, srcp, dstp):
    @functools.partial(
        pl.kernel,
        out_type=(jax.ShapeDtypeStruct((EP,), jnp.int32),
                  jax.ShapeDtypeStruct((EP,), jnp.int32)),
        mesh=_get_mesh(),
        scratch_types=[
            pltpu.VMEM((CHUNK,), jnp.int32),
            pltpu.VMEM((CHUNK,), jnp.int32),
            pltpu.VMEM((CHUNK,), jnp.int32),
            pltpu.VMEM((CHUNK,), jnp.int32),
            pltpu.VMEM((CHUNK,), jnp.int32),
            pltpu.VMEM((CHUNK,), jnp.int32),
            pltpu.SemaphoreType.DMA,
        ],
    )
    def k(asg_r, src_r, dst_r, src2_r, dst2_r, bs, bd, a1, a2, bs2, bd2, sem):
        c = lax.axis_index("c")
        s = lax.axis_index("s")
        w = s * NCORE + c
        base = w * (CH_PER_W * CHUNK)
        lane = jax.lax.iota(jnp.int32, 16)

        def step(t, _):
            off = base + t * CHUNK
            pltpu.sync_copy(src_r.at[pl.ds(off, CHUNK)], bs)
            pltpu.sync_copy(dst_r.at[pl.ds(off, CHUNK)], bd)
            cp1 = pltpu.async_copy(asg_r.at[bs], a1, sem)
            cp2 = pltpu.async_copy(asg_r.at[bd], a2, sem)
            cp1.wait()
            cp2.wait()
            for j in range(CHUNK // 16):
                si = bs[pl.ds(j * 16, 16)]
                di = bd[pl.ds(j * 16, 16)]
                eq = a1[pl.ds(j * 16, 16)] == a2[pl.ds(j * 16, 16)]
                dummy = N + jnp.remainder(off + j * 16 + lane, NP - N)
                bs2[pl.ds(j * 16, 16)] = jnp.where(eq, si, dummy)
                bd2[pl.ds(j * 16, 16)] = jnp.where(eq, di, dummy)
            pltpu.sync_copy(bs2, src2_r.at[pl.ds(off, CHUNK)])
            pltpu.sync_copy(bd2, dst2_r.at[pl.ds(off, CHUNK)])
            return _

        lax.fori_loop(0, CH_PER_W, step, None)

    return k(assign, srcp, dstp)



def _rowspec(bn=BN, w=F):
    return pl.BlockSpec((bn, w), lambda i: (i, 0))


def _fullspec(shape):
    nd = len(shape)
    return pl.BlockSpec(shape, lambda i: (0,) * nd)


def _tc_enc1(x, p0, p1, d0, d1, W, b):
    def body(x_r, p0_r, p1_r, d0_r, d1_r, W_r, b_r, h_r, inv_r):
        deg = jnp.maximum(d0_r[...] + d1_r[...], 1.0)
        inv = 1.0 / deg
        agg = (p0_r[...] + p1_r[...]) * inv
        h_r[...] = jnp.maximum(
            jnp.dot(x_r[...] + agg, W_r[...],
                    preferred_element_type=jnp.float32) + b_r[...], 0.0)
        inv_r[...] = inv

    return pl.pallas_call(
        body,
        grid=(NBLK,),
        in_specs=[_rowspec(), _rowspec(), _rowspec(),
                  _rowspec(w=1), _rowspec(w=1),
                  _fullspec((F, F)), _fullspec((1, F))],
        out_specs=[_rowspec(), _rowspec(w=1)],
        out_shape=[jax.ShapeDtypeStruct((NP, F), jnp.float32),
                   jax.ShapeDtypeStruct((NP, 1), jnp.float32)],
    )(x, p0, p1, d0, d1, W, b)


def _tc_enc2(h1, q0, q1, inv, W, b, dTp):
    def body(h1_r, q0_r, q1_r, inv_r, W_r, b_r, dT_r, h_r, asg_r):
        agg = (q0_r[...] + q1_r[...]) * inv_r[...]
        h = jnp.maximum(
            jnp.dot(h1_r[...] + agg, W_r[...],
                    preferred_element_type=jnp.float32) + b_r[...], 0.0)
        h_r[...] = h
        lg = jnp.dot(h, dT_r[...], preferred_element_type=jnp.float32)
        col = lax.broadcasted_iota(jnp.int32, (BN, F), 1)
        lgm = jnp.where(col < A, lg, -1e30)
        m = jnp.max(lgm, axis=1, keepdims=True)
        asg_r[...] = jnp.min(jnp.where(lgm >= m, col, F), axis=1, keepdims=True)

    return pl.pallas_call(
        body,
        grid=(NBLK,),
        in_specs=[_rowspec(), _rowspec(), _rowspec(), _rowspec(w=1),
                  _fullspec((F, F)), _fullspec((1, F)), _fullspec((F, F))],
        out_specs=[_rowspec(), _rowspec(w=1)],
        out_shape=[jax.ShapeDtypeStruct((NP, F), jnp.float32),
                   jax.ShapeDtypeStruct((NP, 1), jnp.int32)],
    )(h1, q0, q1, inv, W, b, dTp)


def _tc_gconv(xin, r0, r1, Wself, Wk, b):
    def body(x_r, r0_r, r1_r, Ws_r, Wk_r, b_r, out_r):
        aggk = r0_r[...] + r1_r[...]
        Wk = Wk_r[...]
        ek = (jnp.dot(aggk, Wk[0], preferred_element_type=jnp.float32)
              + jnp.dot(aggk, Wk[1], preferred_element_type=jnp.float32)
              + jnp.dot(aggk, Wk[2], preferred_element_type=jnp.float32))
        out_r[...] = jnp.maximum(
            jnp.dot(x_r[...], Ws_r[...], preferred_element_type=jnp.float32)
            + ek / 3.0 + b_r[...], 0.0)

    return pl.pallas_call(
        body,
        grid=(NBLK,),
        in_specs=[_rowspec(), _rowspec(), _rowspec(),
                  _fullspec((F, F)), _fullspec((3, F, F)), _fullspec((1, F))],
        out_specs=_rowspec(),
        out_shape=jax.ShapeDtypeStruct((NP, F), jnp.float32),
    )(xin, r0, r1, Wself, Wk, b)


def _tc_pool1(x1, x2, x3, pp, awTp, batch2d):
    def body(x1_r, x2_r, x3_r, pp_r, aw_r, b_r, xc_r, gate_r, gm_r, mscr):
        i = pl.program_id(0)
        pp = pp_r[...]
        pn = pp * (1.0 / (jnp.sqrt(jnp.sum(pp * pp)) + 1e-9))
        x1v, x2v, x3v = x1_r[...], x2_r[...], x3_r[...]
        hi = lax.Precision.HIGHEST
        s1 = jnp.tanh(jnp.dot(x1v, pn, precision=hi,
                              preferred_element_type=jnp.float32))
        s2 = jnp.tanh(jnp.dot(x2v, pn, precision=hi,
                              preferred_element_type=jnp.float32))
        s3 = jnp.tanh(jnp.dot(x3v, pn, precision=hi,
                              preferred_element_type=jnp.float32))
        m = jnp.maximum(jnp.maximum(s1, s2), s3)
        e1 = jnp.exp(s1 - m)
        e2 = jnp.exp(s2 - m)
        e3 = jnp.exp(s3 - m)
        es = e1 + e2 + e3
        xc = (e1 / es) * x1v + (e2 / es) * x2v + (e3 / es) * x3v
        xc_r[...] = xc
        gate = jnp.dot(xc, aw_r[...], preferred_element_type=jnp.float32)
        row = lax.broadcasted_iota(jnp.int32, (BN, F), 0) + i * BN
        col = lax.broadcasted_iota(jnp.int32, (BN, F), 1)
        gate = jnp.where((row < N) & (col < H), gate, -1e30)
        gate_r[...] = gate

        @pl.when(i == 0)
        def _():
            mscr[...] = jnp.full((8, G), -1e30, jnp.float32)

        oh = b_r[...] == lax.broadcasted_iota(jnp.int32, (BN, G), 1)
        for h in range(H):
            tmp = jnp.where(oh, jnp.broadcast_to(gate[:, h:h + 1], (BN, G)),
                            -1e30)
            mh = jnp.max(tmp, axis=0, keepdims=True)
            mscr[h:h + 1, :] = jnp.maximum(mscr[h:h + 1, :], mh)
        gm_r[...] = mscr[...]

    return pl.pallas_call(
        body,
        grid=(NBLK,),
        in_specs=[_rowspec(), _rowspec(), _rowspec(),
                  _fullspec((F, 1)), _fullspec((F, F)), _rowspec(w=1)],
        out_specs=[_rowspec(), _rowspec(), pl.BlockSpec((8, G), lambda i: (0, 0))],
        out_shape=[jax.ShapeDtypeStruct((NP, F), jnp.float32),
                   jax.ShapeDtypeStruct((NP, F), jnp.float32),
                   jax.ShapeDtypeStruct((8, G), jnp.float32)],
        scratch_shapes=[pltpu.VMEM((8, G), jnp.float32)],
    )(x1, x2, x3, pp, awTp, batch2d)


def _tc_pool2(gate, gmaxp, batch2d):
    def body(gate_r, gm_r, b_r, eg_r, den_r, accden):
        i = pl.program_id(0)
        oh = (b_r[...] == lax.broadcasted_iota(jnp.int32, (BN, G), 1)
              ).astype(jnp.float32)
        gmb = jnp.dot(oh, gm_r[...], precision=lax.Precision.HIGHEST,
                      preferred_element_type=jnp.float32)
        eg = jnp.exp(gate_r[...] - gmb)
        eg_r[...] = eg

        @pl.when(i == 0)
        def _():
            accden[...] = jnp.zeros((G, F), jnp.float32)

        accden[...] += lax.dot_general(oh, eg, (((0,), (0,)), ((), ())),
                                       precision=lax.Precision.HIGHEST,
                                       preferred_element_type=jnp.float32)
        den_r[...] = accden[...]

    return pl.pallas_call(
        body,
        grid=(NBLK,),
        in_specs=[_rowspec(), pl.BlockSpec((G, F), lambda i: (0, 0)),
                  _rowspec(w=1)],
        out_specs=[_rowspec(), pl.BlockSpec((G, F), lambda i: (0, 0))],
        out_shape=[jax.ShapeDtypeStruct((NP, F), jnp.float32),
                   jax.ShapeDtypeStruct((G, F), jnp.float32)],
        scratch_shapes=[pltpu.VMEM((G, F), jnp.float32)],
    )(gate, gmaxp, batch2d)


def _tc_pool3(eg, den, xc, batch2d, W1, b1, W2p, b2p):
    def body(eg_r, den_r, xc_r, b_r, W1_r, b1_r, W2_r, b2_r,
             gf_r, lg_r, accgf):
        i = pl.program_id(0)
        oh = (b_r[...] == lax.broadcasted_iota(jnp.int32, (BN, G), 1)
              ).astype(jnp.float32)
        denb = jnp.dot(oh, den_r[...], precision=lax.Precision.HIGHEST,
                       preferred_element_type=jnp.float32)
        att = eg_r[...] / (denb + 1e-9)
        attbar = jnp.sum(att, axis=1, keepdims=True) * (1.0 / H)

        @pl.when(i == 0)
        def _():
            accgf[...] = jnp.zeros((G, F), jnp.float32)

        accgf[...] += lax.dot_general(oh, attbar * xc_r[...],
                                      (((0,), (0,)), ((), ())),
                                      precision=lax.Precision.HIGHEST,
                                      preferred_element_type=jnp.float32)

        @pl.when(i == NBLK - 1)
        def _():
            gf = accgf[...]
            gf_r[...] = gf
            z = jnp.maximum(
                jnp.dot(gf, W1_r[...], preferred_element_type=jnp.float32)
                + b1_r[...], 0.0)
            u = jnp.dot(z, W2_r[...], preferred_element_type=jnp.float32) \
                + b2_r[...]
            col = lax.broadcasted_iota(jnp.int32, (G, F), 1)
            um = jnp.where(col < NCLS, u, -1e30)
            m = jnp.max(um, axis=1, keepdims=True)
            esum = jnp.sum(jnp.where(col < NCLS, jnp.exp(um - m), 0.0),
                           axis=1, keepdims=True)
            lg_r[...] = jnp.where(col < NCLS, u - m - jnp.log(esum), 0.0)

    return pl.pallas_call(
        body,
        grid=(NBLK,),
        in_specs=[_rowspec(), pl.BlockSpec((G, F), lambda i: (0, 0)),
                  _rowspec(), _rowspec(w=1),
                  _fullspec((F, F)), _fullspec((1, F)),
                  _fullspec((F, F)), _fullspec((1, F))],
        out_specs=[pl.BlockSpec((G, F), lambda i: (0, 0)),
                   pl.BlockSpec((G, F), lambda i: (0, 0))],
        out_shape=[jax.ShapeDtypeStruct((G, F), jnp.float32),
                   jax.ShapeDtypeStruct((G, F), jnp.float32)],
        scratch_shapes=[pltpu.VMEM((G, F), jnp.float32)],
    )(eg, den, xc, batch2d, W1, b1, W2p, b2p)



def kernel(x, edge_index, batch, enc_W1, enc_b1, enc_W2, enc_b2, dictionary,
           g1_Wself, g1_Wk, g1_b, g2_Wself, g2_Wk, g2_b, g3_Wself, g3_Wk, g3_b,
           pool_p, att_w, cls_W1, cls_b1, cls_W2, cls_b2):
    f32 = jnp.float32
    x_ext = jnp.concatenate([x, jnp.zeros((NP - N, F), f32)], axis=0)
    padi = jnp.full((EP - E,), N, jnp.int32)
    srcp = jnp.concatenate([edge_index[0], padi])
    dstp = jnp.concatenate([edge_index[1], padi])
    z2d = jnp.zeros((ROWS_PER_SUB, F), f32)
    z1d = jnp.zeros((ROWS_PER_SUB,), f32)
    ones_c = jnp.ones((CHUNK,), f32)

    part, degp = _sc_agg_deg(x_ext, srcp, dstp, z2d, z1d, ones_c)
    d0 = degp[0].reshape(NP, 1)
    d1 = degp[1].reshape(NP, 1)
    h1, inv = _tc_enc1(x_ext, part[0], part[1], d0, d1,
                       enc_W1, enc_b1.reshape(1, F))

    q = _sc_agg(h1, srcp, dstp, z2d)
    dTp = jnp.zeros((F, F), f32).at[:, :A].set(dictionary.T)
    h2, asg = _tc_enc2(h1, q[0], q[1], inv, enc_W2, enc_b2.reshape(1, F), dTp)
    src2, dst2 = _sc_mask(asg.reshape(NP), srcp, dstp)

    r = _sc_agg(h2, src2, dst2, z2d)
    x1 = _tc_gconv(h2, r[0], r[1], g1_Wself, g1_Wk, g1_b.reshape(1, F))
    r = _sc_agg(x1, src2, dst2, z2d)
    x2 = _tc_gconv(x1, r[0], r[1], g2_Wself, g2_Wk, g2_b.reshape(1, F))
    r = _sc_agg(x2, src2, dst2, z2d)
    x3 = _tc_gconv(x2, r[0], r[1], g3_Wself, g3_Wk, g3_b.reshape(1, F))

    awTp = jnp.zeros((F, F), f32).at[:, :H].set(att_w.T)
    batch2d = jnp.concatenate([batch, jnp.full((NP - N,), G - 1, jnp.int32)]
                              ).reshape(NP, 1)
    xc, gate, gmax8 = _tc_pool1(x1, x2, x3, pool_p.reshape(F, 1), awTp, batch2d)

    gm4 = gmax8[:H]
    gm4 = jnp.where(gm4 > -1e29, gm4, 0.0)
    gmaxp = jnp.zeros((G, F), f32).at[:, :H].set(gm4.T)
    eg, den = _tc_pool2(gate, gmaxp, batch2d)

    W2p = jnp.zeros((F, F), f32).at[:, :NCLS].set(cls_W2)
    b2p = jnp.zeros((1, F), f32).at[:, :NCLS].set(cls_b2)
    gf, lgfull = _tc_pool3(eg, den, xc, batch2d,
                           cls_W1, cls_b1.reshape(1, F), W2p, b2p)
    return (lgfull[:, :NCLS], gf)

# --- scband reference (transcript-rebuilt; emitter-appended) ---
"""Pipeline reference for scband-net-35725537968348 (READ-ONLY COPY).

The authoritative reference and input builder live on the scoring server;
editing this copy changes nothing except your own understanding.
"""

import jax, jax.numpy as jnp
import numpy as np

N = 10000
E = 160000
F_IN = 128
NHID = 128
KERNELS = 3
NUM_ATOMS = 16
NUM_HEADS = 4
NUM_CLASSES = 10
NUM_GRAPHS = 64


def _glorot(k, shape):
    fan_in = shape[-2] if len(shape) >= 2 else shape[-1]
    fan_out = shape[-1]
    s = jnp.sqrt(2.0 / (fan_in + fan_out))
    return jax.random.normal(k, shape, jnp.float32) * s


def setup_inputs(seed: int = 0):
    key = jax.random.key(seed)
    ks = jax.random.split(key, 32)
    inp = {}
    inp['x'] = jax.random.normal(ks[0], (N, F_IN), jnp.float32)
    inp['edge_index'] = jax.random.randint(ks[1], (2, E), 0, N, dtype=jnp.int32)
    inp['batch'] = jnp.sort(jax.random.randint(ks[2], (N,), 0, NUM_GRAPHS, dtype=jnp.int32))
    inp['enc_W1'] = _glorot(ks[3], (F_IN, NHID))
    inp['enc_b1'] = jnp.zeros((NHID,), jnp.float32)
    inp['enc_W2'] = _glorot(ks[4], (NHID, NHID))
    inp['enc_b2'] = jnp.zeros((NHID,), jnp.float32)
    inp['dictionary'] = jax.random.normal(ks[5], (NUM_ATOMS, NHID), jnp.float32)
    inp['g1_Wself'] = _glorot(ks[6], (NHID, NHID))
    inp['g1_Wk'] = _glorot(ks[7], (KERNELS, NHID, NHID))
    inp['g1_b'] = jnp.zeros((NHID,), jnp.float32)
    inp['g2_Wself'] = _glorot(ks[8], (NHID, NHID))
    inp['g2_Wk'] = _glorot(ks[9], (KERNELS, NHID, NHID))
    inp['g2_b'] = jnp.zeros((NHID,), jnp.float32)
    inp['g3_Wself'] = _glorot(ks[10], (NHID, NHID))
    inp['g3_Wk'] = _glorot(ks[11], (KERNELS, NHID, NHID))
    inp['g3_b'] = jnp.zeros((NHID,), jnp.float32)
    inp['pool_p'] = jax.random.normal(ks[12], (NHID,), jnp.float32)
    inp['att_w'] = _glorot(ks[13], (NUM_HEADS, NHID))
    inp['cls_W1'] = _glorot(ks[14], (NHID, NHID))
    inp['cls_b1'] = jnp.zeros((NHID,), jnp.float32)
    inp['cls_W2'] = _glorot(ks[15], (NHID, NUM_CLASSES))
    inp['cls_b2'] = jnp.zeros((NUM_CLASSES,), jnp.float32)
    return inp


def reference(x, edge_index, batch, enc_W1, enc_b1, enc_W2, enc_b2, dictionary,
              g1_Wself, g1_Wk, g1_b, g2_Wself, g2_Wk, g2_b, g3_Wself, g3_Wk, g3_b,
              pool_p, att_w, cls_W1, cls_b1, cls_W2, cls_b2):
    src = edge_index[0]
    dst = edge_index[1]
    # NodeEncoder: 2-layer mean-aggregation graph conv (dropout is eval-mode identity)
    deg = jax.ops.segment_sum(jnp.ones((E,), jnp.float32), dst, num_segments=N)
    inv_deg = 1.0 / jnp.maximum(deg, 1.0)
    agg = jax.ops.segment_sum(x[src], dst, num_segments=N) * inv_deg[:, None]
    h = jax.nn.relu((x + agg) @ enc_W1 + enc_b1)
    agg2 = jax.ops.segment_sum(h[src], dst, num_segments=N) * inv_deg[:, None]
    h = jax.nn.relu((h + agg2) @ enc_W2 + enc_b2)
    # DictionaryModule: soft assignment over atoms
    coeff = jax.nn.softmax(h @ dictionary.T, axis=1)
    assign = jnp.argmax(coeff, axis=1)
    # subgraph edge mask (same-cluster edges); expressed as edge weights to keep shapes static
    emask = (assign[src] == assign[dst]).astype(jnp.float32)

    def gconv(xin, Wself, Wk, b):
        aggk = jax.ops.segment_sum(xin[src] * emask[:, None], dst, num_segments=N)
        out = xin @ Wself + jnp.einsum('nd,kdh->nh', aggk, Wk) / KERNELS + b
        return jax.nn.relu(out)

    x1 = gconv(h, g1_Wself, g1_Wk, g1_b)
    x2 = gconv(x1, g2_Wself, g2_Wk, g2_b)
    x3 = gconv(x2, g3_Wself, g3_Wk, g3_b)

    # Topk_pool score per node, shared module across the 3 calls
    pn = pool_p / (jnp.linalg.norm(pool_p) + 1e-9)

    def score(xin):
        return jnp.tanh(xin @ pn)[:, None]

    w = jax.nn.softmax(jnp.concatenate([score(x1), score(x2), score(x3)], axis=-1), axis=-1)
    xc = w[:, 0:1] * x1 + w[:, 1:2] * x2 + w[:, 2:3] * x3

    # GraphPooling: multi-head attention global pooling per graph
    gate = xc @ att_w.T  # [N, H]
    gmax = jax.ops.segment_max(gate, batch, num_segments=NUM_GRAPHS)
    gmax = jnp.where(jnp.isfinite(gmax), gmax, 0.0)
    eg = jnp.exp(gate - gmax[batch])
    den = jax.ops.segment_sum(eg, batch, num_segments=NUM_GRAPHS)
    att = eg / (den[batch] + 1e-9)
    pooled = jax.ops.segment_sum(att[:, :, None] * xc[:, None, :], batch, num_segments=NUM_GRAPHS)
    graph_feature = pooled.mean(axis=1)

    # Classifier
    z = jax.nn.relu(graph_feature @ cls_W1 + cls_b1)
    logits = jax.nn.log_softmax(z @ cls_W2 + cls_b2, axis=-1)
    return (logits, graph_feature)

if __name__ == "__main__":
    import jax
    _d = setup_inputs()
    print(jax.jit(kernel)(*tuple(_d.values())))

</pallas_src>

<mosaic_0001>
#map = affine_map<(d0, d1) -> (0)>
module attributes {stable_mosaic.version = 14 : i64} {
  func.func @k(%arg0: i32, %arg1: i32, %arg2: memref<10240xi32, #tpu.memory_space<hbm>>, %arg3: memref<163840xi32, #tpu.memory_space<hbm>>, %arg4: memref<163840xi32, #tpu.memory_space<hbm>>, %arg5: memref<163840xi32, #tpu.memory_space<hbm>>, %arg6: memref<163840xi32, #tpu.memory_space<hbm>>, %arg7: memref<128xi32, #tpu.memory_space<vmem>>, %arg8: memref<128xi32, #tpu.memory_space<vmem>>, %arg9: memref<128xi32, #tpu.memory_space<vmem>>, %arg10: memref<128xi32, #tpu.memory_space<vmem>>, %arg11: memref<128xi32, #tpu.memory_space<vmem>>, %arg12: memref<128xi32, #tpu.memory_space<vmem>>, %arg13: memref<!tpu.dma_semaphore, #tpu.memory_space<semaphore_mem>>) attributes {dimension_semantics = [#tpu.dimension_semantics<core_parallel>, #tpu.dimension_semantics<subcore_parallel>], iteration_bounds = array<i64: 2, 16>, scalar_prefetch = 0 : i64, scratch_operands = 7 : i64, tpu.core_type = #tpu.core_type<sc_vector_subcore>, window_params = [{transform_indices = #map}, {transform_indices = #map}, {transform_indices = #map}, {transform_indices = #map}, {transform_indices = #map}]} {
    %mul3A = arith.constant 2 : i32
    %mul3A_0 = arith.muli %arg1, %mul3A : i32
    %add3A = arith.addi %mul3A_0, %arg0 : i32
    %mul3A_1 = arith.constant 5120 : i32
    %mul3A_2 = arith.muli %add3A, %mul3A_1 : i32
    %iota3A = tpu.iota {dimensions = array<i32: 0>} : vector<16xi32>
    %scan3A = arith.constant 0 : i32
    %scan3A_3 = arith.constant 40 : i32
    %scan3A_4 = arith.addi %scan3A, %scan3A_3 : i32
    %scan3A_5 = arith.constant 1 : i32
    scf.for %scan3A_7 = %scan3A to %scan3A_4 step %scan3A_5  : i32 {
      %mul3A_8 = arith.constant 128 : i32
      %mul3A_9 = arith.muli %scan3A_7, %mul3A_8 : i32
      %add3A_10 = arith.addi %mul3A_2, %mul3A_9 : i32
      "tpu.region"() ({
        %run_scoped3A = tpu.sem_alloc : memref<!tpu.dma_semaphore, #tpu.memory_space<semaphore_mem>>
        %dma_start3A_424 = tpu.memref_slice %arg3[%add3A_10] : memref<163840xi32, #tpu.memory_space<hbm>> -> memref<128xi32, #tpu.memory_space<hbm>>
        %dma_start3A_425 = tpu.memref_slice %arg3[%add3A_10] : memref<163840xi32, #tpu.memory_space<hbm>> -> memref<128xi32, #tpu.memory_space<hbm>>
        tpu.enqueue_dma source(%dma_start3A_425 : memref<128xi32, #tpu.memory_space<hbm>>) target(%arg7 : memref<128xi32, #tpu.memory_space<vmem>>) target_semaphore(%run_scoped3A : memref<!tpu.dma_semaphore, #tpu.memory_space<semaphore_mem>>)
        %dma_wait3A_426 = tpu.memref_slice %arg3[%add3A_10] : memref<163840xi32, #tpu.memory_space<hbm>> -> memref<128xi32, #tpu.memory_space<hbm>>
        %dma_wait3A_427 = tpu.memref_slice %arg3[%add3A_10] : memref<163840xi32, #tpu.memory_space<hbm>> -> memref<128xi32, #tpu.memory_space<hbm>>
        tpu.wait_dma2 semaphore(%run_scoped3A : memref<!tpu.dma_semaphore, #tpu.memory_space<semaphore_mem>>) src(%dma_wait3A_427 : memref<128xi32, #tpu.memory_space<hbm>>) dst(%arg7 : memref<128xi32, #tpu.memory_space<vmem>>)
        tpu.yield
      }) : () -> ()
      "tpu.region"() ({
        %run_scoped3A = tpu.sem_alloc : memref<!tpu.dma_semaphore, #tpu.memory_space<semaphore_mem>>
        %dma_start3A_424 = tpu.memref_slice %arg4[%add3A_10] : memref<163840xi32, #tpu.memory_space<hbm>> -> memref<128xi32, #tpu.memory_space<hbm>>
        %dma_start3A_425 = tpu.memref_slice %arg4[%add3A_10] : memref<163840xi32, #tpu.memory_space<hbm>> -> memref<128xi32, #tpu.memory_space<hbm>>
        tpu.enqueue_dma source(%dma_start3A_425 : memref<128xi32, #tpu.memory_space<hbm>>) target(%arg8 : memref<128xi32, #tpu.memory_space<vmem>>) target_semaphore(%run_scoped3A : memref<!tpu.dma_semaphore, #tpu.memory_space<semaphore_mem>>)
        %dma_wait3A_426 = tpu.memref_slice %arg4[%add3A_10] : memref<163840xi32, #tpu.memory_space<hbm>> -> memref<128xi32, #tpu.memory_space<hbm>>
        %dma_wait3A_427 = tpu.memref_slice %arg4[%add3A_10] : memref<163840xi32, #tpu.memory_space<hbm>> -> memref<128xi32, #tpu.memory_space<hbm>>
        tpu.wait_dma2 semaphore(%run_scoped3A : memref<!tpu.dma_semaphore, #tpu.memory_space<semaphore_mem>>) src(%dma_wait3A_427 : memref<128xi32, #tpu.memory_space<hbm>>) dst(%arg8 : memref<128xi32, #tpu.memory_space<vmem>>)
        tpu.yield
      }) : () -> ()
      %dma_start3A = arith.constant 0 : i32
      %dma_start3A_11 = tpu.memref_slice %arg2[%dma_start3A] : memref<10240xi32, #tpu.memory_space<hbm>> -> memref<10240xi32, #tpu.memory_space<hbm>>
      tpu.enqueue_indirect_dma source(%dma_start3A_11 : memref<10240xi32, #tpu.memory_space<hbm>>) target(%arg9 : memref<128xi32, #tpu.memory_space<vmem>>) offsets(%arg7 : memref<128xi32, #tpu.memory_space<vmem>>) semaphore(%arg13 : memref<!tpu.dma_semaphore, #tpu.memory_space<semaphore_mem>>)
      %dma_start3A_12 = arith.constant 0 : i32
      %dma_start3A_13 = tpu.memref_slice %arg2[%dma_start3A_12] : memref<10240xi32, #tpu.memory_space<hbm>> -> memref<10240xi32, #tpu.memory_space<hbm>>
      tpu.enqueue_indirect_dma source(%dma_start3A_13 : memref<10240xi32, #tpu.memory_space<hbm>>) target(%arg10 : memref<128xi32, #tpu.memory_space<vmem>>) offsets(%arg8 : memref<128xi32, #tpu.memory_space<vmem>>) semaphore(%arg13 : memref<!tpu.dma_semaphore, #tpu.memory_space<semaphore_mem>>)
      %dma_wait3A = arith.constant 0 : i32
      %dma_wait3A_14 = tpu.memref_slice %arg2[%dma_wait3A] : memref<10240xi32, #tpu.memory_space<hbm>> -> memref<10240xi32, #tpu.memory_space<hbm>>
      tpu.wait_indirect_dma semaphore(%arg13 : memref<!tpu.dma_semaphore, #tpu.memory_space<semaphore_mem>>) src(%dma_wait3A_14 : memref<10240xi32, #tpu.memory_space<hbm>>) dst(%arg9 : memref<128xi32, #tpu.memory_space<vmem>>)
      %dma_wait3A_15 = arith.constant 0 : i32
      %dma_wait3A_16 = tpu.memref_slice %arg2[%dma_wait3A_15] : memref<10240xi32, #tpu.memory_space<hbm>> -> memref<10240xi32, #tpu.memory_space<hbm>>
      tpu.wait_indirect_dma semaphore(%arg13 : memref<!tpu.dma_semaphore, #tpu.memory_space<semaphore_mem>>) src(%dma_wait3A_16 : memref<10240xi32, #tpu.memory_space<hbm>>) dst(%arg10 : memref<128xi32, #tpu.memory_space<vmem>>)
      %get3A = arith.constant 0 : index
      %get3A_17 = tpu.vector_load %arg7[%get3A] {strides = array<i32>} : memref<128xi32, #tpu.memory_space<vmem>>, vector<16xi32>,
      %get3A_18 = vector.shape_cast %get3A_17 : vector<16xi32> to vector<16xi32>
      %get3A_19 = arith.constant 0 : index
      %get3A_20 = tpu.vector_load %arg8[%get3A_19] {strides = array<i32>} : memref<128xi32, #tpu.memory_space<vmem>>, vector<16xi32>,
      %get3A_21 = vector.shape_cast %get3A_20 : vector<16xi32> to vector<16xi32>
      %get3A_22 = arith.constant 0 : index
      %get3A_23 = tpu.vector_load %arg9[%get3A_22] {strides = array<i32>} : memref<128xi32, #tpu.memory_space<vmem>>, vector<16xi32>,
      %get3A_24 = vector.shape_cast %get3A_23 : vector<16xi32> to vector<16xi32>
      %get3A_25 = arith.constant 0 : index
      %get3A_26 = tpu.vector_load %arg10[%get3A_25] {strides = array<i32>} : memref<128xi32, #tpu.memory_space<vmem>>, vector<16xi32>,
      %get3A_27 = vector.shape_cast %get3A_26 : vector<16xi32> to vector<16xi32>
      %eq3A = arith.cmpi eq, %get3A_24, %get3A_27 : vector<16xi32>
      %add3A_28 = arith.constant 0 : i32
      %add3A_29 = arith.addi %add3A_10, %add3A_28 : i32
      %add3A_30 = vector.broadcast %add3A_29 : i32 to vector<16xi32>
      %add3A_31 = arith.addi %add3A_30, %iota3A : vector<16xi32>
      %jit3A = arith.constant 240 : i32
      %eq3A_32 = arith.constant 0 : i32
      %eq3A_33 = arith.cmpi eq, %jit3A, %eq3A_32 : i32
      %jit3A_34 = arith.constant 1 : i32
      %select_n3A = arith.select %eq3A_33, %jit3A_34, %jit3A : i32
      %rem3A = vector.broadcast %select_n3A : i32 to vector<16xi32>
      %rem3A_35 = arith.remsi %add3A_31, %rem3A : vector<16xi32>
      %ne3A = arith.constant 0 : i32
      %ne3A_36 = vector.broadcast %ne3A : i32 to vector<16xi32>
      %ne3A_37 = arith.cmpi ne, %rem3A_35, %ne3A_36 : vector<16xi32>
      %lt3A = arith.constant 0 : i32
      %lt3A_38 = vector.broadcast %lt3A : i32 to vector<16xi32>
      %lt3A_39 = arith.cmpi slt, %rem3A_35, %lt3A_38 : vector<16xi32>
      %lt3A_40 = arith.constant 0 : i32
      %lt3A_41 = arith.cmpi slt, %select_n3A, %lt3A_40 : i32
      %ne3A_42 = vector.broadcast %lt3A_41 : i1 to vector<16xi1>
      %ne3A_43 = vector.broadcast %ne3A_42 : vector<16xi1> to vector<16xi1>
      %ne3A_44 = arith.xori %lt3A_39, %ne3A_43 : vector<16xi1>
      %and3A = arith.andi %ne3A_44, %ne3A_37 : vector<16xi1>
      %add3A_45 = vector.broadcast %select_n3A : i32 to vector<16xi32>
      %add3A_46 = arith.addi %rem3A_35, %add3A_45 : vector<16xi32>
      %select_n3A_47 = arith.select %and3A, %add3A_46, %rem3A_35 : vector<16xi1>, vector<16xi32>
      %add3A_48 = arith.constant 10000 : i32
      %add3A_49 = vector.broadcast %add3A_48 : i32 to vector<16xi32>
      %add3A_50 = arith.addi %add3A_49, %select_n3A_47 : vector<16xi32>
      %select_n3A_51 = arith.select %eq3A, %get3A_18, %add3A_50 : vector<16xi1>, vector<16xi32>
      %swap3A = arith.constant 0 : index
      %swap3A_52 = tpu.vector_load %arg11[%swap3A] {strides = array<i32>} : memref<128xi32, #tpu.memory_space<vmem>>, vector<16xi32>,
      %swap3A_53 = vector.shape_cast %swap3A_52 : vector<16xi32> to vector<16xi32>
      %swap3A_54 = vector.shape_cast %select_n3A_51 : vector<16xi32> to vector<16xi32>
      tpu.vector_store %arg11[%swap3A], %swap3A_54 {strides = array<i32>} : memref<128xi32, #tpu.memory_space<vmem>>, vector<16xi32>,
      %select_n3A_55 = arith.select %eq3A, %get3A_21, %add3A_50 : vector<16xi1>, vector<16xi32>
      %swap3A_56 = arith.constant 0 : index
      %swap3A_57 = tpu.vector_load %arg12[%swap3A_56] {strides = array<i32>} : memref<128xi32, #tpu.memory_space<vmem>>, vector<16xi32>,
      %swap3A_58 = vector.shape_cast %swap3A_57 : vector<16xi32> to vector<16xi32>
      %swap3A_59 = vector.shape_cast %select_n3A_55 : vector<16xi32> to vector<16xi32>
      tpu.vector_store %arg12[%swap3A_56], %swap3A_59 {strides = array<i32>} : memref<128xi32, #tpu.memory_space<vmem>>, vector<16xi32>,
      %get3A_60 = arith.constant 16 : index
      %get3A_61 = tpu.vector_load %arg7[%get3A_60] {strides = array<i32>} : memref<128xi32, #tpu.memory_space<vmem>>, vector<16xi32>,
      %get3A_62 = vector.shape_cast %get3A_61 : vector<16xi32> to vector<16xi32>
      %get3A_63 = arith.constant 16 : index
      %get3A_64 = tpu.vector_load %arg8[%get3A_63] {strides = array<i32>} : memref<128xi32, #tpu.memory_space<vmem>>, vector<16xi32>,
      %get3A_65 = vector.shape_cast %get3A_64 : vector<16xi32> to vector<16xi32>
      %get3A_66 = arith.constant 16 : index
      %get3A_67 = tpu.vector_load %arg9[%get3A_66] {strides = array<i32>} : memref<128xi32, #tpu.memory_space<vmem>>, vector<16xi32>,
      %get3A_68 = vector.shape_cast %get3A_67 : vector<16xi32> to vector<16xi32>
      %get3A_69 = arith.constant 16 : index
      %get3A_70 = tpu.vector_load %arg10[%get3A_69] {strides = array<i32>} : memref<128xi32, #tpu.memory_space<vmem>>, vector<16xi32>,
      %get3A_71 = vector.shape_cast %get3A_70 : vector<16xi32> to vector<16xi32>
      %eq3A_72 = arith.cmpi eq, %get3A_68, %get3A_71 : vector<16xi32>
      %add3A_73 = arith.constant 16 : i32
      %add3A_74 = arith.addi %add3A_10, %add3A_73 : i32
      %add3A_75 = vector.broadcast %add3A_74 : i32 to vector<16xi32>
      %add3A_76 = arith.addi %add3A_75, %iota3A : vector<16xi32>
      %jit3A_77 = arith.constant 240 : i32
      %eq3A_78 = arith.constant 0 : i32
      %eq3A_79 = arith.cmpi eq, %jit3A_77, %eq3A_78 : i32
      %jit3A_80 = arith.constant 1 : i32
      %select_n3A_81 = arith.select %eq3A_79, %jit3A_80, %jit3A_77 : i32
      %rem3A_82 = vector.broadcast %select_n3A_81 : i32 to vector<16xi32>
      %rem3A_83 = arith.remsi %add3A_76, %rem3A_82 : vector<16xi32>
      %ne3A_84 = arith.constant 0 : i32
      %ne3A_85 = vector.broadcast %ne3A_84 : i32 to vector<16xi32>
      %ne3A_86 = arith.cmpi ne, %rem3A_83, %ne3A_85 : vector<16xi32>
      %lt3A_87 = arith.constant 0 : i32
      %lt3A_88 = vector.broadcast %lt3A_87 : i32 to vector<16xi32>
      %lt3A_89 = arith.cmpi slt, %rem3A_83, %lt3A_88 : vector<16xi32>
      %lt3A_90 = arith.constant 0 : i32
      %lt3A_91 = arith.cmpi slt, %select_n3A_81, %lt3A_90 : i32
      %ne3A_92 = vector.broadcast %lt3A_91 : i1 to vector<16xi1>
      %ne3A_93 = vector.broadcast %ne3A_92 : vector<16xi1> to vector<16xi1>
      %ne3A_94 = arith.xori %lt3A_89, %ne3A_93 : vector<16xi1>
      %and3A_95 = arith.andi %ne3A_94, %ne3A_86 : vector<16xi1>
      %add3A_96 = vector.broadcast %select_n3A_81 : i32 to vector<16xi32>
      %add3A_97 = arith.addi %rem3A_83, %add3A_96 : vector<16xi32>
      %select_n3A_98 = arith.select %and3A_95, %add3A_97, %rem3A_83 : vector<16xi1>, vector<16xi32>
      %add3A_99 = arith.constant 10000 : i32
      %add3A_100 = vector.broadcast %add3A_99 : i32 to vector<16xi32>
      %add3A_101 = arith.addi %add3A_100, %select_n3A_98 : vector<16xi32>
      %select_n3A_102 = arith.select %eq3A_72, %get3A_62, %add3A_101 : vector<16xi1>, vector<16xi32>
      %swap3A_103 = arith.constant 16 : index
      %swap3A_104 = tpu.vector_load %arg11[%swap3A_103] {strides = array<i32>} : memref<128xi32, #tpu.memory_space<vmem>>, vector<16xi32>,
      %swap3A_105 = vector.shape_cast %swap3A_104 : vector<16xi32> to vector<16xi32>
      %swap3A_106 = vector.shape_cast %select_n3A_102 : vector<16xi32> to vector<16xi32>
      tpu.vector_store %arg11[%swap3A_103], %swap3A_106 {strides = array<i32>} : memref<128xi32, #tpu.memory_space<vmem>>, vector<16xi32>,
      %select_n3A_107 = arith.select %eq3A_72, %get3A_65, %add3A_101 : vector<16xi1>, vector<16xi32>
      %swap3A_108 = arith.constant 16 : index
      %swap3A_109 = tpu.vector_load %arg12[%swap3A_108] {strides = array<i32>} : memref<128xi32, #tpu.memory_space<vmem>>, vector<16xi32>,
      %swap3A_110 = vector.shape_cast %swap3A_109 : vector<16xi32> to vector<16xi32>
      %swap3A_111 = vector.shape_cast %select_n3A_107 : vector<16xi32> to vector<16xi32>
      tpu.vector_store %arg12[%swap3A_108], %swap3A_111 {strides = array<i32>} : memref<128xi32, #tpu.memory_space<vmem>>, vector<16xi32>,
      %get3A_112 = arith.constant 32 : index
      %get3A_113 = tpu.vector_load %arg7[%get3A_112] {strides = array<i32>} : memref<128xi32, #tpu.memory_space<vmem>>, vector<16xi32>,
      %get3A_114 = vector.shape_cast %get3A_113 : vector<16xi32> to vector<16xi32>
      %get3A_115 = arith.constant 32 : index
      %get3A_116 = tpu.vector_load %arg8[%get3A_115] {strides = array<i32>} : memref<128xi32, #tpu.memory_space<vmem>>, vector<16xi32>,
      %get3A_117 = vector.shape_cast %get3A_116 : vector<16xi32> to vector<16xi32>
      %get3A_118 = arith.constant 32 : index
      %get3A_119 = tpu.vector_load %arg9[%get3A_118] {strides = array<i32>} : memref<128xi32, #tpu.memory_space<vmem>>, vector<16xi32>,
      %get3A_120 = vector.shape_cast %get3A_119 : vector<16xi32> to vector<16xi32>
      %get3A_121 = arith.constant 32 : index
      %get3A_122 = tpu.vector_load %arg10[%get3A_121] {strides = array<i32>} : memref<128xi32, #tpu.memory_space<vmem>>, vector<16xi32>,
      %get3A_123 = vector.shape_cast %get3A_122 : vector<16xi32> to vector<16xi32>
      %eq3A_124 = arith.cmpi eq, %get3A_120, %get3A_123 : vector<16xi32>
      %add3A_125 = arith.constant 32 : i32
      %add3A_126 = arith.addi %add3A_10, %add3A_125 : i32
      %add3A_127 = vector.broadcast %add3A_126 : i32 to vector<16xi32>
      %add3A_128 = arith.addi %add3A_127, %iota3A : vector<16xi32>
      %jit3A_129 = arith.constant 240 : i32
      %eq3A_130 = arith.constant 0 : i32
      %eq3A_131 = arith.cmpi eq, %jit3A_129, %eq3A_130 : i32
      %jit3A_132 = arith.constant 1 : i32
      %select_n3A_133 = arith.select %eq3A_131, %jit3A_132, %jit3A_129 : i32
      %rem3A_134 = vector.broadcast %select_n3A_133 : i32 to vector<16xi32>
      %rem3A_135 = arith.remsi %add3A_128, %rem3A_134 : vector<16xi32>
      %ne3A_136 = arith.constant 0 : i32
      %ne3A_137 = vector.broadcast %ne3A_136 : i32 to vector<16xi32>
      %ne3A_138 = arith.cmpi ne, %rem3A_135, %ne3A_137 : vector<16xi32>
      %lt3A_139 = arith.constant 0 : i32
      %lt3A_140 = vector.broadcast %lt3A_139 : i32 to vector<16xi32>
      %lt3A_141 = arith.cmpi slt, %rem3A_135, %lt3A_140 : vector<16xi32>
      %lt3A_142 = arith.constant 0 : i32
      %lt3A_143 = arith.cmpi slt, %select_n3A_133, %lt3A_142 : i32
      %ne3A_144 = vector.broadcast %lt3A_143 : i1 to vector<16xi1>
      %ne3A_145 = vector.broadcast %ne3A_144 : vector<16xi1> to vector<16xi1>
      %ne3A_146 = arith.xori %lt3A_141, %ne3A_145 : vector<16xi1>
      %and3A_147 = arith.andi %ne3A_146, %ne3A_138 : vector<16xi1>
      %add3A_148 = vector.broadcast %select_n3A_133 : i32 to vector<16xi32>
      %add3A_149 = arith.addi %rem3A_135, %add3A_148 : vector<16xi32>
      %select_n3A_150 = arith.select %and3A_147, %add3A_149, %rem3A_135 : vector<16xi1>, vector<16xi32>
      %add3A_151 = arith.constant 10000 : i32
      %add3A_152 = vector.broadcast %add3A_151 : i32 to vector<16xi32>
      %add3A_153 = arith.addi %add3A_152, %select_n3A_150 : vector<16xi32>
      %select_n3A_154 = arith.select %eq3A_124, %get3A_114, %add3A_153 : vector<16xi1>, vector<16xi32>
      %swap3A_155 = arith.constant 32 : index
      %swap3A_156 = tpu.vector_load %arg11[%swap3A_155] {strides = array<i32>} : memref<128xi32, #tpu.memory_space<vmem>>, vector<16xi32>,
      %swap3A_157 = vector.shape_cast %swap3A_156 : vector<16xi32> to vector<16xi32>
      %swap3A_158 = vector.shape_cast %select_n3A_154 : vector<16xi32> to vector<16xi32>
      tpu.vector_store %arg11[%swap3A_155], %swap3A_158 {strides = array<i32>} : memref<128xi32, #tpu.memory_space<vmem>>, vector<16xi32>,
      %select_n3A_159 = arith.select %eq3A_124, %get3A_117, %add3A_153 : vector<16xi1>, vector<16xi32>
      %swap3A_160 = arith.constant 32 : index
      %swap3A_161 = tpu.vector_load %arg12[%swap3A_160] {strides = array<i32>} : memref<128xi32, #tpu.memory_space<vmem>>, vector<16xi32>,
      %swap3A_162 = vector.shape_cast %swap3A_161 : vector<16xi32> to vector<16xi32>
      %swap3A_163 = vector.shape_cast %select_n3A_159 : vector<16xi32> to vector<16xi32>
      tpu.vector_store %arg12[%swap3A_160], %swap3A_163 {strides = array<i32>} : memref<128xi32, #tpu.memory_space<vmem>>, vector<16xi32>,
      %get3A_164 = arith.constant 48 : index
      %get3A_165 = tpu.vector_load %arg7[%get3A_164] {strides = array<i32>} : memref<128xi32, #tpu.memory_space<vmem>>, vector<16xi32>,
      %get3A_166 = vector.shape_cast %get3A_165 : vector<16xi32> to vector<16xi32>
      %get3A_167 = arith.constant 48 : index
      %get3A_168 = tpu.vector_load %arg8[%get3A_167] {strides = array<i32>} : memref<128xi32, #tpu.memory_space<vmem>>, vector<16xi32>,
      %get3A_169 = vector.shape_cast %get3A_168 : vector<16xi32> to vector<16xi32>
      %get3A_170 = arith.constant 48 : index
      %get3A_171 = tpu.vector_load %arg9[%get3A_170] {strides = array<i32>} : memref<128xi32, #tpu.memory_space<vmem>>, vector<16xi32>,
      %get3A_172 = vector.shape_cast %get3A_171 : vector<16xi32> to vector<16xi32>
      %get3A_173 = arith.constant 48 : index
      %get3A_174 = tpu.vector_load %arg10[%get3A_173] {strides = array<i32>} : memref<128xi32, #tpu.memory_space<vmem>>, vector<16xi32>,
      %get3A_175 = vector.shape_cast %get3A_174 : vector<16xi32> to vector<16xi32>
      %eq3A_176 = arith.cmpi eq, %get3A_172, %get3A_175 : vector<16xi32>
      %add3A_177 = arith.constant 48 : i32
      %add3A_178 = arith.addi %add3A_10, %add3A_177 : i32
      %add3A_179 = vector.broadcast %add3A_178 : i32 to vector<16xi32>
      %add3A_180 = arith.addi %add3A_179, %iota3A : vector<16xi32>
      %jit3A_181 = arith.constant 240 : i32
      %eq3A_182 = arith.constant 0 : i32
      %eq3A_183 = arith.cmpi eq, %jit3A_181, %eq3A_182 : i32
      %jit3A_184 = arith.constant 1 : i32
      %select_n3A_185 = arith.select %eq3A_183, %jit3A_184, %jit3A_181 : i32
      %rem3A_186 = vector.broadcast %select_n3A_185 : i32 to vector<16xi32>
      %rem3A_187 = arith.remsi %add3A_180, %rem3A_186 : vector<16xi32>
      %ne3A_188 = arith.constant 0 : i32
      %ne3A_189 = vector.broadcast %ne3A_188 : i32 to vector<16xi32>
      %ne3A_190 = arith.cmpi ne, %rem3A_187, %ne3A_189 : vector<16xi32>
      %lt3A_191 = arith.constant 0 : i32
      %lt3A_192 = vector.broadcast %lt3A_191 : i32 to vector<16xi32>
      %lt3A_193 = arith.cmpi slt, %rem3A_187, %lt3A_192 : vector<16xi32>
      %lt3A_194 = arith.constant 0 : i32
      %lt3A_195 = arith.cmpi slt, %select_n3A_185, %lt3A_194 : i32
      %ne3A_196 = vector.broadcast %lt3A_195 : i1 to vector<16xi1>
      %ne3A_197 = vector.broadcast %ne3A_196 : vector<16xi1> to vector<16xi1>
      %ne3A_198 = arith.xori %lt3A_193, %ne3A_197 : vector<16xi1>
      %and3A_199 = arith.andi %ne3A_198, %ne3A_190 : vector<16xi1>
      %add3A_200 = vector.broadcast %select_n3A_185 : i32 to vector<16xi32>
      %add3A_201 = arith.addi %rem3A_187, %add3A_200 : vector<16xi32>
      %select_n3A_202 = arith.select %and3A_199, %add3A_201, %rem3A_187 : vector<16xi1>, vector<16xi32>
      %add3A_203 = arith.constant 10000 : i32
      %add3A_204 = vector.broadcast %add3A_203 : i32 to vector<16xi32>
      %add3A_205 = arith.addi %add3A_204, %select_n3A_202 : vector<16xi32>
      %select_n3A_206 = arith.select %eq3A_176, %get3A_166, %add3A_205 : vector<16xi1>, vector<16xi32>
      %swap3A_207 = arith.constant 48 : index
      %swap3A_208 = tpu.vector_load %arg11[%swap3A_207] {strides = array<i32>} : memref<128xi32, #tpu.memory_space<vmem>>, vector<16xi32>,
      %swap3A_209 = vector.shape_cast %swap3A_208 : vector<16xi32> to vector<16xi32>
      %swap3A_210 = vector.shape_cast %select_n3A_206 : vector<16xi32> to vector<16xi32>
      tpu.vector_store %arg11[%swap3A_207], %swap3A_210 {strides = array<i32>} : memref<128xi32, #tpu.memory_space<vmem>>, vector<16xi32>,
      %select_n3A_211 = arith.select %eq3A_176, %get3A_169, %add3A_205 : vector<16xi1>, vector<16xi32>
      %swap3A_212 = arith.constant 48 : index
      %swap3A_213 = tpu.vector_load %arg12[%swap3A_212] {strides = array<i32>} : memref<128xi32, #tpu.memory_space<vmem>>, vector<16xi32>,
      %swap3A_214 = vector.shape_cast %swap3A_213 : vector<16xi32> to vector<16xi32>
      %swap3A_215 = vector.shape_cast %select_n3A_211 : vector<16xi32> to vector<16xi32>
      tpu.vector_store %arg12[%swap3A_212], %swap3A_215 {strides = array<i32>} : memref<128xi32, #tpu.memory_space<vmem>>, vector<16xi32>,
      %get3A_216 = arith.constant 64 : index
      %get3A_217 = tpu.vector_load %arg7[%get3A_216] {strides = array<i32>} : memref<128xi32, #tpu.memory_space<vmem>>, vector<16xi32>,
      %get3A_218 = vector.shape_cast %get3A_217 : vector<16xi32> to vector<16xi32>
      %get3A_219 = arith.constant 64 : index
      %get3A_220 = tpu.vector_load %arg8[%get3A_219] {strides = array<i32>} : memref<128xi32, #tpu.memory_space<vmem>>, vector<16xi32>,
      %get3A_221 = vector.shape_cast %get3A_220 : vector<16xi32> to vector<16xi32>
      %get3A_222 = arith.constant 64 : index
      %get3A_223 = tpu.vector_load %arg9[%get3A_222] {strides = array<i32>} : memref<128xi32, #tpu.memory_space<vmem>>, vector<16xi32>,
      %get3A_224 = vector.shape_cast %get3A_223 : vector<16xi32> to vector<16xi32>
      %get3A_225 = arith.constant 64 : index
      %get3A_226 = tpu.vector_load %arg10[%get3A_225] {strides = array<i32>} : memref<128xi32, #tpu.memory_space<vmem>>, vector<16xi32>,
      %get3A_227 = vector.shape_cast %get3A_226 : vector<16xi32> to vector<16xi32>
      %eq3A_228 = arith.cmpi eq, %get3A_224, %get3A_227 : vector<16xi32>
      %add3A_229 = arith.constant 64 : i32
      %add3A_230 = arith.addi %add3A_10, %add3A_229 : i32
      %add3A_231 = vector.broadcast %add3A_230 : i32 to vector<16xi32>
      %add3A_232 = arith.addi %add3A_231, %iota3A : vector<16xi32>
      %jit3A_233 = arith.constant 240 : i32
      %eq3A_234 = arith.constant 0 : i32
      %eq3A_235 = arith.cmpi eq, %jit3A_233, %eq3A_234 : i32
      %jit3A_236 = arith.constant 1 : i32
      %select_n3A_237 = arith.select %eq3A_235, %jit3A_236, %jit3A_233 : i32
      %rem3A_238 = vector.broadcast %select_n3A_237 : i32 to vector<16xi32>
      %rem3A_239 = arith.remsi %add3A_232, %rem3A_238 : vector<16xi32>
      %ne3A_240 = arith.constant 0 : i32
      %ne3A_241 = vector.broadcast %ne3A_240 : i32 to vector<16xi32>
      %ne3A_242 = arith.cmpi ne, %rem3A_239, %ne3A_241 : vector<16xi32>
      %lt3A_243 = arith.constant 0 : i32
      %lt3A_244 = vector.broadcast %lt3A_243 : i32 to vector<16xi32>
      %lt3A_245 = arith.cmpi slt, %rem3A_239, %lt3A_244 : vector<16xi32>
      %lt3A_246 = arith.constant 0 : i32
      %lt3A_247 = arith.cmpi slt, %select_n3A_237, %lt3A_246 : i32
      %ne3A_248 = vector.broadcast %lt3A_247 : i1 to vector<16xi1>
      %ne3A_249 = vector.broadcast %ne3A_248 : vector<16xi1> to vector<16xi1>
      %ne3A_250 = arith.xori %lt3A_245, %ne3A_249 : vector<16xi1>
      %and3A_251 = arith.andi %ne3A_250, %ne3A_242 : vector<16xi1>
      %add3A_252 = vector.broadcast %select_n3A_237 : i32 to vector<16xi32>
      %add3A_253 = arith.addi %rem3A_239, %add3A_252 : vector<16xi32>
      %select_n3A_254 = arith.select %and3A_251, %add3A_253, %rem3A_239 : vector<16xi1>, vector<16xi32>
      %add3A_255 = arith.constant 10000 : i32
      %add3A_256 = vector.broadcast %add3A_255 : i32 to vector<16xi32>
      %add3A_257 = arith.addi %add3A_256, %select_n3A_254 : vector<16xi32>
      %select_n3A_258 = arith.select %eq3A_228, %get3A_218, %add3A_257 : vector<16xi1>, vector<16xi32>
      %swap3A_259 = arith.constant 64 : index
      %swap3A_260 = tpu.vector_load %arg11[%swap3A_259] {strides = array<i32>} : memref<128xi32, #tpu.memory_space<vmem>>, vector<16xi32>,
      %swap3A_261 = vector.shape_cast %swap3A_260 : vector<16xi32> to vector<16xi32>
      %swap3A_262 = vector.shape_cast %select_n3A_258 : vector<16xi32> to vector<16xi32>
      tpu.vector_store %arg11[%swap3A_259], %swap3A_262 {strides = array<i32>} : memref<128xi32, #tpu.memory_space<vmem>>, vector<16xi32>,
      %select_n3A_263 = arith.select %eq3A_228, %get3A_221, %add3A_257 : vector<16xi1>, vector<16xi32>
      %swap3A_264 = arith.constant 64 : index
      %swap3A_265 = tpu.vector_load %arg12[%swap3A_264] {strides = array<i32>} : memref<128xi32, #tpu.memory_space<vmem>>, vector<16xi32>,
      %swap3A_266 = vector.shape_cast %swap3A_265 : vector<16xi32> to vector<16xi32>
      %swap3A_267 = vector.shape_cast %select_n3A_263 : vector<16xi32> to vector<16xi32>
      tpu.vector_store %arg12[%swap3A_264], %swap3A_267 {strides = array<i32>} : memref<128xi32, #tpu.memory_space<vmem>>, vector<16xi32>,
      %get3A_268 = arith.constant 80 : index
      %get3A_269 = tpu.vector_load %arg7[%get3A_268] {strides = array<i32>} : memref<128xi32, #tpu.memory_space<vmem>>, vector<16xi32>,
      %get3A_270 = vector.shape_cast %get3A_269 : vector<16xi32> to vector<16xi32>
      %get3A_271 = arith.constant 80 : index
      %get3A_272 = tpu.vector_load %arg8[%get3A_271] {strides = array<i32>} : memref<128xi32, #tpu.memory_space<vmem>>, vector<16xi32>,
      %get3A_273 = vector.shape_cast %get3A_272 : vector<16xi32> to vector<16xi32>
      %get3A_274 = arith.constant 80 : index
      %get3A_275 = tpu.vector_load %arg9[%get3A_274] {strides = array<i32>} : memref<128xi32, #tpu.memory_space<vmem>>, vector<16xi32>,
      %get3A_276 = vector.shape_cast %get3A_275 : vector<16xi32> to vector<16xi32>
      %get3A_277 = arith.constant 80 : index
      %get3A_278 = tpu.vector_load %arg10[%get3A_277] {strides = array<i32>} : memref<128xi32, #tpu.memory_space<vmem>>, vector<16xi32>,
      %get3A_279 = vector.shape_cast %get3A_278 : vector<16xi32> to vector<16xi32>
      %eq3A_280 = arith.cmpi eq, %get3A_276, %get3A_279 : vector<16xi32>
      %add3A_281 = arith.constant 80 : i32
      %add3A_282 = arith.addi %add3A_10, %add3A_281 : i32
      %add3A_283 = vector.broadcast %add3A_282 : i32 to vector<16xi32>
      %add3A_284 = arith.addi %add3A_283, %iota3A : vector<16xi32>
      %jit3A_285 = arith.constant 240 : i32
      %eq3A_286 = arith.constant 0 : i32
      %eq3A_287 = arith.cmpi eq, %jit3A_285, %eq3A_286 : i32
      %jit3A_288 = arith.constant 1 : i32
      %select_n3A_289 = arith.select %eq3A_287, %jit3A_288, %jit3A_285 : i32
      %rem3A_290 = vector.broadcast %select_n3A_289 : i32 to vector<16xi32>
      %rem3A_291 = arith.remsi %add3A_284, %rem3A_290 : vector<16xi32>
      %ne3A_292 = arith.constant 0 : i32
      %ne3A_293 = vector.broadcast %ne3A_292 : i32 to vector<16xi32>
      %ne3A_294 = arith.cmpi ne, %rem3A_291, %ne3A_293 : vector<16xi32>
      %lt3A_295 = arith.constant 0 : i32
      %lt3A_296 = vector.broadcast %lt3A_295 : i32 to vector<16xi32>
      %lt3A_297 = arith.cmpi slt, %rem3A_291, %lt3A_296 : vector<16xi32>
      %lt3A_298 = arith.constant 0 : i32
      %lt3A_299 = arith.cmpi slt, %select_n3A_289, %lt3A_298 : i32
      %ne3A_300 = vector.broadcast %lt3A_299 : i1 to vector<16xi1>
      %ne3A_301 = vector.broadcast %ne3A_300 : vector<16xi1> to vector<16xi1>
      %ne3A_302 = arith.xori %lt3A_297, %ne3A_301 : vector<16xi1>
      %and3A_303 = arith.andi %ne3A_302, %ne3A_294 : vector<16xi1>
      %add3A_304 = vector.broadcast %select_n3A_289 : i32 to vector<16xi32>
      %add3A_305 = arith.addi %rem3A_291, %add3A_304 : vector<16xi32>
      %select_n3A_306 = arith.select %and3A_303, %add3A_305, %rem3A_291 : vector<16xi1>, vector<16xi32>
      %add3A_307 = arith.constant 10000 : i32
      %add3A_308 = vector.broadcast %add3A_307 : i32 to vector<16xi32>
      %add3A_309 = arith.addi %add3A_308, %select_n3A_306 : vector<16xi32>
      %select_n3A_310 = arith.select %eq3A_280, %get3A_270, %add3A_309 : vector<16xi1>, vector<16xi32>
      %swap3A_311 = arith.constant 80 : index
      %swap3A_312 = tpu.vector_load %arg11[%swap3A_311] {strides = array<i32>} : memref<128xi32, #tpu.memory_space<vmem>>, vector<16xi32>,
      %swap3A_313 = vector.shape_cast %swap3A_312 : vector<16xi32> to vector<16xi32>
      %swap3A_314 = vector.shape_cast %select_n3A_310 : vector<16xi32> to vector<16xi32>
      tpu.vector_store %arg11[%swap3A_311], %swap3A_314 {strides = array<i32>} : memref<128xi32, #tpu.memory_space<vmem>>, vector<16xi32>,
      %select_n3A_315 = arith.select %eq3A_280, %get3A_273, %add3A_309 : vector<16xi1>, vector<16xi32>
      %swap3A_316 = arith.constant 80 : index
      %swap3A_317 = tpu.vector_load %arg12[%swap3A_316] {strides = array<i32>} : memref<128xi32, #tpu.memory_space<vmem>>, vector<16xi32>,
      %swap3A_318 = vector.shape_cast %swap3A_317 : vector<16xi32> to vector<16xi32>
      %swap3A_319 = vector.shape_cast %select_n3A_315 : vector<16xi32> to vector<16xi32>
      tpu.vector_store %arg12[%swap3A_316], %swap3A_319 {strides = array<i32>} : memref<128xi32, #tpu.memory_space<vmem>>, vector<16xi32>,
      %get3A_320 = arith.constant 96 : index
      %get3A_321 = tpu.vector_load %arg7[%get3A_320] {strides = array<i32>} : memref<128xi32, #tpu.memory_space<vmem>>, vector<16xi32>,
      %get3A_322 = vector.shape_cast %get3A_321 : vector<16xi32> to vector<16xi32>
      %get3A_323 = arith.constant 96 : index
      %get3A_324 = tpu.vector_load %arg8[%get3A_323] {strides = array<i32>} : memref<128xi32, #tpu.memory_space<vmem>>, vector<16xi32>,
      %get3A_325 = vector.shape_cast %get3A_324 : vector<16xi32> to vector<16xi32>
      %get3A_326 = arith.constant 96 : index
      %get3A_327 = tpu.vector_load %arg9[%get3A_326] {strides = array<i32>} : memref<128xi32, #tpu.memory_space<vmem>>, vector<16xi32>,
      %get3A_328 = vector.shape_cast %get3A_327 : vector<16xi32> to vector<16xi32>
      %get3A_329 = arith.constant 96 : index
      %get3A_330 = tpu.vector_load %arg10[%get3A_329] {strides = array<i32>} : memref<128xi32, #tpu.memory_space<vmem>>, vector<16xi32>,
      %get3A_331 = vector.shape_cast %get3A_330 : vector<16xi32> to vector<16xi32>
      %eq3A_332 = arith.cmpi eq, %get3A_328, %get3A_331 : vector<16xi32>
      %add3A_333 = arith.constant 96 : i32
      %add3A_334 = arith.addi %add3A_10, %add3A_333 : i32
      %add3A_335 = vector.broadcast %add3A_334 : i32 to vector<16xi32>
      %add3A_336 = arith.addi %add3A_335, %iota3A : vector<16xi32>
      %jit3A_337 = arith.constant 240 : i32
      %eq3A_338 = arith.constant 0 : i32
      %eq3A_339 = arith.cmpi eq, %jit3A_337, %eq3A_338 : i32
      %jit3A_340 = arith.constant 1 : i32
      %select_n3A_341 = arith.select %eq3A_339, %jit3A_340, %jit3A_337 : i32
      %rem3A_342 = vector.broadcast %select_n3A_341 : i32 to vector<16xi32>
      %rem3A_343 = arith.remsi %add3A_336, %rem3A_342 : vector<16xi32>
      %ne3A_344 = arith.constant 0 : i32
      %ne3A_345 = vector.broadcast %ne3A_344 : i32 to vector<16xi32>
      %ne3A_346 = arith.cmpi ne, %rem3A_343, %ne3A_345 : vector<16xi32>
      %lt3A_347 = arith.constant 0 : i32
      %lt3A_348 = vector.broadcast %lt3A_347 : i32 to vector<16xi32>
      %lt3A_349 = arith.cmpi slt, %rem3A_343, %lt3A_348 : vector<16xi32>
      %lt3A_350 = arith.constant 0 : i32
      %lt3A_351 = arith.cmpi slt, %select_n3A_341, %lt3A_350 : i32
      %ne3A_352 = vector.broadcast %lt3A_351 : i1 to vector<16xi1>
      %ne3A_353 = vector.broadcast %ne3A_352 : vector<16xi1> to vector<16xi1>
      %ne3A_354 = arith.xori %lt3A_349, %ne3A_353 : vector<16xi1>
      %and3A_355 = arith.andi %ne3A_354, %ne3A_346 : vector<16xi1>
      %add3A_356 = vector.broadcast %select_n3A_341 : i32 to vector<16xi32>
      %add3A_357 = arith.addi %rem3A_343, %add3A_356 : vector<16xi32>
      %select_n3A_358 = arith.select %and3A_355, %add3A_357, %rem3A_343 : vector<16xi1>, vector<16xi32>
      %add3A_359 = arith.constant 10000 : i32
      %add3A_360 = vector.broadcast %add3A_359 : i32 to vector<16xi32>
      %add3A_361 = arith.addi %add3A_360, %select_n3A_358 : vector<16xi32>
      %select_n3A_362 = arith.select %eq3A_332, %get3A_322, %add3A_361 : vector<16xi1>, vector<16xi32>
      %swap3A_363 = arith.constant 96 : index
      %swap3A_364 = tpu.vector_load %arg11[%swap3A_363] {strides = array<i32>} : memref<128xi32, #tpu.memory_space<vmem>>, vector<16xi32>,
      %swap3A_365 = vector.shape_cast %swap3A_364 : vector<16xi32> to vector<16xi32>
      %swap3A_366 = vector.shape_cast %select_n3A_362 : vector<16xi32> to vector<16xi32>
      tpu.vector_store %arg11[%swap3A_363], %swap3A_366 {strides = array<i32>} : memref<128xi32, #tpu.memory_space<vmem>>, vector<16xi32>,
      %select_n3A_367 = arith.select %eq3A_332, %get3A_325, %add3A_361 : vector<16xi1>, vector<16xi32>
      %swap3A_368 = arith.constant 96 : index
      %swap3A_369 = tpu.vector_load %arg12[%swap3A_368] {strides = array<i32>} : memref<128xi32, #tpu.memory_space<vmem>>, vector<16xi32>,
      %swap3A_370 = vector.shape_cast %swap3A_369 : vector<16xi32> to vector<16xi32>
      %swap3A_371 = vector.shape_cast %select_n3A_367 : vector<16xi32> to vector<16xi32>
      tpu.vector_store %arg12[%swap3A_368], %swap3A_371 {strides = array<i32>} : memref<128xi32, #tpu.memory_space<vmem>>, vector<16xi32>,
      %get3A_372 = arith.constant 112 : index
      %get3A_373 = tpu.vector_load %arg7[%get3A_372] {strides = array<i32>} : memref<128xi32, #tpu.memory_space<vmem>>, vector<16xi32>,
      %get3A_374 = vector.shape_cast %get3A_373 : vector<16xi32> to vector<16xi32>
      %get3A_375 = arith.constant 112 : index
      %get3A_376 = tpu.vector_load %arg8[%get3A_375] {strides = array<i32>} : memref<128xi32, #tpu.memory_space<vmem>>, vector<16xi32>,
      %get3A_377 = vector.shape_cast %get3A_376 : vector<16xi32> to vector<16xi32>
      %get3A_378 = arith.constant 112 : index
      %get3A_379 = tpu.vector_load %arg9[%get3A_378] {strides = array<i32>} : memref<128xi32, #tpu.memory_space<vmem>>, vector<16xi32>,
      %get3A_380 = vector.shape_cast %get3A_379 : vector<16xi32> to vector<16xi32>
      %get3A_381 = arith.constant 112 : index
      %get3A_382 = tpu.vector_load %arg10[%get3A_381] {strides = array<i32>} : memref<128xi32, #tpu.memory_space<vmem>>, vector<16xi32>,
      %get3A_383 = vector.shape_cast %get3A_382 : vector<16xi32> to vector<16xi32>
      %eq3A_384 = arith.cmpi eq, %get3A_380, %get3A_383 : vector<16xi32>
      %add3A_385 = arith.constant 112 : i32
      %add3A_386 = arith.addi %add3A_10, %add3A_385 : i32
      %add3A_387 = vector.broadcast %add3A_386 : i32 to vector<16xi32>
      %add3A_388 = arith.addi %add3A_387, %iota3A : vector<16xi32>
      %jit3A_389 = arith.constant 240 : i32
      %eq3A_390 = arith.constant 0 : i32
      %eq3A_391 = arith.cmpi eq, %jit3A_389, %eq3A_390 : i32
      %jit3A_392 = arith.constant 1 : i32
      %select_n3A_393 = arith.select %eq3A_391, %jit3A_392, %jit3A_389 : i32
      %rem3A_394 = vector.broadcast %select_n3A_393 : i32 to vector<16xi32>
      %rem3A_395 = arith.remsi %add3A_388, %rem3A_394 : vector<16xi32>
      %ne3A_396 = arith.constant 0 : i32
      %ne3A_397 = vector.broadcast %ne3A_396 : i32 to vector<16xi32>
      %ne3A_398 = arith.cmpi ne, %rem3A_395, %ne3A_397 : vector<16xi32>
      %lt3A_399 = arith.constant 0 : i32
      %lt3A_400 = vector.broadcast %lt3A_399 : i32 to vector<16xi32>
      %lt3A_401 = arith.cmpi slt, %rem3A_395, %lt3A_400 : vector<16xi32>
      %lt3A_402 = arith.constant 0 : i32
      %lt3A_403 = arith.cmpi slt, %select_n3A_393, %lt3A_402 : i32
      %ne3A_404 = vector.broadcast %lt3A_403 : i1 to vector<16xi1>
      %ne3A_405 = vector.broadcast %ne3A_404 : vector<16xi1> to vector<16xi1>
      %ne3A_406 = arith.xori %lt3A_401, %ne3A_405 : vector<16xi1>
      %and3A_407 = arith.andi %ne3A_406, %ne3A_398 : vector<16xi1>
      %add3A_408 = vector.broadcast %select_n3A_393 : i32 to vector<16xi32>
      %add3A_409 = arith.addi %rem3A_395, %add3A_408 : vector<16xi32>
      %select_n3A_410 = arith.select %and3A_407, %add3A_409, %rem3A_395 : vector<16xi1>, vector<16xi32>
      %add3A_411 = arith.constant 10000 : i32
      %add3A_412 = vector.broadcast %add3A_411 : i32 to vector<16xi32>
      %add3A_413 = arith.addi %add3A_412, %select_n3A_410 : vector<16xi32>
      %select_n3A_414 = arith.select %eq3A_384, %get3A_374, %add3A_413 : vector<16xi1>, vector<16xi32>
      %swap3A_415 = arith.constant 112 : index
      %swap3A_416 = tpu.vector_load %arg11[%swap3A_415] {strides = array<i32>} : memref<128xi32, #tpu.memory_space<vmem>>, vector<16xi32>,
      %swap3A_417 = vector.shape_cast %swap3A_416 : vector<16xi32> to vector<16xi32>
      %swap3A_418 = vector.shape_cast %select_n3A_414 : vector<16xi32> to vector<16xi32>
      tpu.vector_store %arg11[%swap3A_415], %swap3A_418 {strides = array<i32>} : memref<128xi32, #tpu.memory_space<vmem>>, vector<16xi32>,
      %select_n3A_419 = arith.select %eq3A_384, %get3A_377, %add3A_413 : vector<16xi1>, vector<16xi32>
      %swap3A_420 = arith.constant 112 : index
      %swap3A_421 = tpu.vector_load %arg12[%swap3A_420] {strides = array<i32>} : memref<128xi32, #tpu.memory_space<vmem>>, vector<16xi32>,
      %swap3A_422 = vector.shape_cast %swap3A_421 : vector<16xi32> to vector<16xi32>
      %swap3A_423 = vector.shape_cast %select_n3A_419 : vector<16xi32> to vector<16xi32>
      tpu.vector_store %arg12[%swap3A_420], %swap3A_423 {strides = array<i32>} : memref<128xi32, #tpu.memory_space<vmem>>, vector<16xi32>,
      "tpu.region"() ({
        %run_scoped3A = tpu.sem_alloc : memref<!tpu.dma_semaphore, #tpu.memory_space<semaphore_mem>>
        %dma_start3A_424 = tpu.memref_slice %arg5[%add3A_10] : memref<163840xi32, #tpu.memory_space<hbm>> -> memref<128xi32, #tpu.memory_space<hbm>>
        %dma_start3A_425 = tpu.memref_slice %arg5[%add3A_10] : memref<163840xi32, #tpu.memory_space<hbm>> -> memref<128xi32, #tpu.memory_space<hbm>>
        tpu.enqueue_dma source(%arg11 : memref<128xi32, #tpu.memory_space<vmem>>) target(%dma_start3A_425 : memref<128xi32, #tpu.memory_space<hbm>>) target_semaphore(%run_scoped3A : memref<!tpu.dma_semaphore, #tpu.memory_space<semaphore_mem>>)
        %dma_wait3A_426 = tpu.memref_slice %arg5[%add3A_10] : memref<163840xi32, #tpu.memory_space<hbm>> -> memref<128xi32, #tpu.memory_space<hbm>>
        %dma_wait3A_427 = tpu.memref_slice %arg5[%add3A_10] : memref<163840xi32, #tpu.memory_space<hbm>> -> memref<128xi32, #tpu.memory_space<hbm>>
        tpu.wait_dma2 semaphore(%run_scoped3A : memref<!tpu.dma_semaphore, #tpu.memory_space<semaphore_mem>>) src(%arg11 : memref<128xi32, #tpu.memory_space<vmem>>) dst(%dma_wait3A_427 : memref<128xi32, #tpu.memory_space<hbm>>)
        tpu.yield
      }) : () -> ()
      "tpu.region"() ({
        %run_scoped3A = tpu.sem_alloc : memref<!tpu.dma_semaphore, #tpu.memory_space<semaphore_mem>>
        %dma_start3A_424 = tpu.memref_slice %arg6[%add3A_10] : memref<163840xi32, #tpu.memory_space<hbm>> -> memref<128xi32, #tpu.memory_space<hbm>>
        %dma_start3A_425 = tpu.memref_slice %arg6[%add3A_10] : memref<163840xi32, #tpu.memory_space<hbm>> -> memref<128xi32, #tpu.memory_space<hbm>>
        tpu.enqueue_dma source(%arg12 : memref<128xi32, #tpu.memory_space<vmem>>) target(%dma_start3A_425 : memref<128xi32, #tpu.memory_space<hbm>>) target_semaphore(%run_scoped3A : memref<!tpu.dma_semaphore, #tpu.memory_space<semaphore_mem>>)
        %dma_wait3A_426 = tpu.memref_slice %arg6[%add3A_10] : memref<163840xi32, #tpu.memory_space<hbm>> -> memref<128xi32, #tpu.memory_space<hbm>>
        %dma_wait3A_427 = tpu.memref_slice %arg6[%add3A_10] : memref<163840xi32, #tpu.memory_space<hbm>> -> memref<128xi32, #tpu.memory_space<hbm>>
        tpu.wait_dma2 semaphore(%run_scoped3A : memref<!tpu.dma_semaphore, #tpu.memory_space<semaphore_mem>>) src(%arg12 : memref<128xi32, #tpu.memory_space<vmem>>) dst(%dma_wait3A_427 : memref<128xi32, #tpu.memory_space<hbm>>)
        tpu.yield
      }) : () -> ()
    }
    %scan3A_6 = arith.constant 40 : i32
    return
  }
}

#map = affine_map<(d0, d1) -> (0, 0)>
#map1 = affine_map<(d0, d1) -> (0)>
#map2 = affine_map<(d0, d1) -> (0, 0, 0)>
module attributes {stable_mosaic.version = 14 : i64} {
  func.func @k(%arg0: i32, %arg1: i32, %arg2: memref<10240x128xf32, #tpu.memory_space<hbm>>, %arg3: memref<163840xi32, #tpu.memory_space<hbm>>, %arg4: memref<163840xi32, #tpu.memory_space<hbm>>, %arg5: memref<640x128xf32, #tpu.memory_space<hbm>>, %arg6: memref<640xf32, #tpu.memory_space<hbm>>, %arg7: memref<128xf32, #tpu.memory_space<hbm>>, %arg8: memref<2x10240x128xf32, #tpu.memory_space<hbm>>, %arg9: memref<2x10240xf32, #tpu.memory_space<hbm>>, %arg10: memref<128xi32, #tpu.memory_space<vmem>>, %arg11: memref<128xi32, #tpu.memory_space<vmem>>, %arg12: memref<128x128xf32, #tpu.memory_space<vmem>>, %arg13: memref<128xf32, #tpu.memory_space<vmem>>, %arg14: memref<10240x128xf32, #tpu.memory_space<vmem_shared>>, %arg15: memref<10240xf32, #tpu.memory_space<vmem_shared>>, %arg16: memref<!tpu.dma_semaphore, #tpu.memory_space<semaphore_mem>>) attributes {dimension_semantics = [#tpu.dimension_semantics<core_parallel>, #tpu.dimension_semantics<subcore_parallel>], iteration_bounds = array<i64: 2, 16>, scalar_prefetch = 0 : i64, scratch_operands = 7 : i64, tpu.core_type = #tpu.core_type<sc_vector_subcore>, window_params = [{transform_indices = #map}, {transform_indices = #map1}, {transform_indices = #map1}, {transform_indices = #map}, {transform_indices = #map1}, {transform_indices = #map1}, {transform_indices = #map2}, {transform_indices = #map}]} {
    %mul3A = arith.constant 2 : i32
    %mul3A_0 = arith.muli %arg1, %mul3A : i32
    %add3A = arith.addi %mul3A_0, %arg0 : i32
    %mul3A_1 = arith.constant 640 : i32
    %mul3A_2 = arith.muli %arg1, %mul3A_1 : i32
    "tpu.region"() ({
      %run_scoped3A = tpu.sem_alloc : memref<!tpu.dma_semaphore, #tpu.memory_space<semaphore_mem>>
      %dma_start3A = arith.constant 0 : i32
      %dma_start3A_10 = tpu.memref_slice %arg14[%mul3A_2, %dma_start3A] : memref<10240x128xf32, #tpu.memory_space<vmem_shared>> -> memref<640x128xf32, #tpu.memory_space<vmem_shared>>
      tpu.enqueue_dma source(%arg5 : memref<640x128xf32, #tpu.memory_space<hbm>>) target(%dma_start3A_10 : memref<640x128xf32, #tpu.memory_space<vmem_shared>>) target_semaphore(%run_scoped3A : memref<!tpu.dma_semaphore, #tpu.memory_space<semaphore_mem>>)
      %dma_wait3A = arith.constant 0 : i32
      %dma_wait3A_11 = tpu.memref_slice %arg14[%mul3A_2, %dma_wait3A] : memref<10240x128xf32, #tpu.memory_space<vmem_shared>> -> memref<640x128xf32, #tpu.memory_space<vmem_shared>>
      tpu.wait_dma2 semaphore(%run_scoped3A : memref<!tpu.dma_semaphore, #tpu.memory_space<semaphore_mem>>) src(%arg5 : memref<640x128xf32, #tpu.memory_space<hbm>>) dst(%dma_wait3A_11 : memref<640x128xf32, #tpu.memory_space<vmem_shared>>)
      tpu.yield
    }) : () -> ()
    "tpu.region"() ({
      %run_scoped3A = tpu.sem_alloc : memref<!tpu.dma_semaphore, #tpu.memory_space<semaphore_mem>>
      %dma_start3A = tpu.memref_slice %arg15[%mul3A_2] : memref<10240xf32, #tpu.memory_space<vmem_shared>> -> memref<640xf32, #tpu.memory_space<vmem_shared>>
      tpu.enqueue_dma source(%arg6 : memref<640xf32, #tpu.memory_space<hbm>>) target(%dma_start3A : memref<640xf32, #tpu.memory_space<vmem_shared>>) target_semaphore(%run_scoped3A : memref<!tpu.dma_semaphore, #tpu.memory_space<semaphore_mem>>)
      %dma_wait3A = tpu.memref_slice %arg15[%mul3A_2] : memref<10240xf32, #tpu.memory_space<vmem_shared>> -> memref<640xf32, #tpu.memory_space<vmem_shared>>
      tpu.wait_dma2 semaphore(%run_scoped3A : memref<!tpu.dma_semaphore, #tpu.memory_space<semaphore_mem>>) src(%arg6 : memref<640xf32, #tpu.memory_space<hbm>>) dst(%dma_wait3A : memref<640xf32, #tpu.memory_space<vmem_shared>>)
      tpu.yield
    }) : () -> ()
    "tpu.region"() ({
      %run_scoped3A = tpu.sem_alloc : memref<!tpu.dma_semaphore, #tpu.memory_space<semaphore_mem>>
      tpu.enqueue_dma source(%arg7 : memref<128xf32, #tpu.memory_space<hbm>>) target(%arg13 : memref<128xf32, #tpu.memory_space<vmem>>) target_semaphore(%run_scoped3A : memref<!tpu.dma_semaphore, #tpu.memory_space<semaphore_mem>>)
      tpu.wait_dma2 semaphore(%run_scoped3A : memref<!tpu.dma_semaphore, #tpu.memory_space<semaphore_mem>>) src(%arg7 : memref<128xf32, #tpu.memory_space<hbm>>) dst(%arg13 : memref<128xf32, #tpu.memory_space<vmem>>)
      tpu.yield
    }) : () -> ()
    %barrier3A = arith.constant 0 : index
    tpu.barrier barrier_id(%barrier3A)
    %mul3A_3 = arith.constant 5120 : i32
    %mul3A_4 = arith.muli %add3A, %mul3A_3 : i32
    %scan3A = arith.constant 0 : i32
    %scan3A_5 = arith.constant 40 : i32
    %scan3A_6 = arith.addi %scan3A, %scan3A_5 : i32
    %scan3A_7 = arith.constant 1 : i32
    scf.for %scan3A_10 = %scan3A to %scan3A_6 step %scan3A_7  : i32 {
      %mul3A_11 = arith.constant 128 : i32
      %mul3A_12 = arith.muli %scan3A_10, %mul3A_11 : i32
      %add3A_13 = arith.addi %mul3A_4, %mul3A_12 : i32
      "tpu.region"() ({
        %run_scoped3A = tpu.sem_alloc : memref<!tpu.dma_semaphore, #tpu.memory_space<semaphore_mem>>
        %dma_start3A_18 = tpu.memref_slice %arg3[%add3A_13] : memref<163840xi32, #tpu.memory_space<hbm>> -> memref<128xi32, #tpu.memory_space<hbm>>
        %dma_start3A_19 = tpu.memref_slice %arg3[%add3A_13] : memref<163840xi32, #tpu.memory_space<hbm>> -> memref<128xi32, #tpu.memory_space<hbm>>
        tpu.enqueue_dma source(%dma_start3A_19 : memref<128xi32, #tpu.memory_space<hbm>>) target(%arg10 : memref<128xi32, #tpu.memory_space<vmem>>) target_semaphore(%run_scoped3A : memref<!tpu.dma_semaphore, #tpu.memory_space<semaphore_mem>>)
        %dma_wait3A_20 = tpu.memref_slice %arg3[%add3A_13] : memref<163840xi32, #tpu.memory_space<hbm>> -> memref<128xi32, #tpu.memory_space<hbm>>
        %dma_wait3A_21 = tpu.memref_slice %arg3[%add3A_13] : memref<163840xi32, #tpu.memory_space<hbm>> -> memref<128xi32, #tpu.memory_space<hbm>>
        tpu.wait_dma2 semaphore(%run_scoped3A : memref<!tpu.dma_semaphore, #tpu.memory_space<semaphore_mem>>) src(%dma_wait3A_21 : memref<128xi32, #tpu.memory_space<hbm>>) dst(%arg10 : memref<128xi32, #tpu.memory_space<vmem>>)
        tpu.yield
      }) : () -> ()
      "tpu.region"() ({
        %run_scoped3A = tpu.sem_alloc : memref<!tpu.dma_semaphore, #tpu.memory_space<semaphore_mem>>
        %dma_start3A_18 = tpu.memref_slice %arg4[%add3A_13] : memref<163840xi32, #tpu.memory_space<hbm>> -> memref<128xi32, #tpu.memory_space<hbm>>
        %dma_start3A_19 = tpu.memref_slice %arg4[%add3A_13] : memref<163840xi32, #tpu.memory_space<hbm>> -> memref<128xi32, #tpu.memory_space<hbm>>
        tpu.enqueue_dma source(%dma_start3A_19 : memref<128xi32, #tpu.memory_space<hbm>>) target(%arg11 : memref<128xi32, #tpu.memory_space<vmem>>) target_semaphore(%run_scoped3A : memref<!tpu.dma_semaphore, #tpu.memory_space<semaphore_mem>>)
        %dma_wait3A_20 = tpu.memref_slice %arg4[%add3A_13] : memref<163840xi32, #tpu.memory_space<hbm>> -> memref<128xi32, #tpu.memory_space<hbm>>
        %dma_wait3A_21 = tpu.memref_slice %arg4[%add3A_13] : memref<163840xi32, #tpu.memory_space<hbm>> -> memref<128xi32, #tpu.memory_space<hbm>>
        tpu.wait_dma2 semaphore(%run_scoped3A : memref<!tpu.dma_semaphore, #tpu.memory_space<semaphore_mem>>) src(%dma_wait3A_21 : memref<128xi32, #tpu.memory_space<hbm>>) dst(%arg11 : memref<128xi32, #tpu.memory_space<vmem>>)
        tpu.yield
      }) : () -> ()
      %dma_start3A = arith.constant 0 : i32
      %dma_start3A_14 = arith.constant 0 : i32
      %dma_start3A_15 = tpu.memref_slice %arg2[%dma_start3A, %dma_start3A_14] : memref<10240x128xf32, #tpu.memory_space<hbm>> -> memref<10240x128xf32, #tpu.memory_space<hbm>>
      tpu.enqueue_indirect_dma source(%dma_start3A_15 : memref<10240x128xf32, #tpu.memory_space<hbm>>) target(%arg12 : memref<128x128xf32, #tpu.memory_space<vmem>>) offsets(%arg10 : memref<128xi32, #tpu.memory_space<vmem>>) semaphore(%arg16 : memref<!tpu.dma_semaphore, #tpu.memory_space<semaphore_mem>>)
      %dma_wait3A = arith.constant 0 : i32
      %dma_wait3A_16 = arith.constant 0 : i32
      %dma_wait3A_17 = tpu.memref_slice %arg2[%dma_wait3A, %dma_wait3A_16] : memref<10240x128xf32, #tpu.memory_space<hbm>> -> memref<10240x128xf32, #tpu.memory_space<hbm>>
      tpu.wait_indirect_dma semaphore(%arg16 : memref<!tpu.dma_semaphore, #tpu.memory_space<semaphore_mem>>) src(%dma_wait3A_17 : memref<10240x128xf32, #tpu.memory_space<hbm>>) dst(%arg12 : memref<128x128xf32, #tpu.memory_space<vmem>>)
      "tpu.region"() ({
        %run_scoped3A = tpu.sem_alloc : memref<!tpu.dma_semaphore, #tpu.memory_space<semaphore_mem>>
        %dma_start3A_18 = arith.constant 0 : i32
        %dma_start3A_19 = arith.constant 0 : i32
        %dma_start3A_20 = tpu.memref_slice %arg14[%dma_start3A_18, %dma_start3A_19] : memref<10240x128xf32, #tpu.memory_space<vmem_shared>> -> memref<10240x128xf32, #tpu.memory_space<vmem_shared>>
        tpu.enqueue_indirect_dma source(%arg12 : memref<128x128xf32, #tpu.memory_space<vmem>>) target(%dma_start3A_20 : memref<10240x128xf32, #tpu.memory_space<vmem_shared>>) offsets(%arg11 : memref<128xi32, #tpu.memory_space<vmem>>) semaphore(%run_scoped3A : memref<!tpu.dma_semaphore, #tpu.memory_space<semaphore_mem>>) {add = true}
        %dma_wait3A_21 = arith.constant 0 : i32
        %dma_wait3A_22 = arith.constant 0 : i32
        %dma_wait3A_23 = tpu.memref_slice %arg14[%dma_wait3A_21, %dma_wait3A_22] : memref<10240x128xf32, #tpu.memory_space<vmem_shared>> -> memref<10240x128xf32, #tpu.memory_space<vmem_shared>>
        tpu.wait_indirect_dma semaphore(%run_scoped3A : memref<!tpu.dma_semaphore, #tpu.memory_space<semaphore_mem>>) src(%arg12 : memref<128x128xf32, #tpu.memory_space<vmem>>) dst(%dma_wait3A_23 : memref<10240x128xf32, #tpu.memory_space<vmem_shared>>)
        tpu.yield
      }) : () -> ()
      "tpu.region"() ({
        %run_scoped3A = tpu.sem_alloc : memref<!tpu.dma_semaphore, #tpu.memory_space<semaphore_mem>>
        %dma_start3A_18 = arith.constant 0 : i32
        %dma_start3A_19 = tpu.memref_slice %arg15[%dma_start3A_18] : memref<10240xf32, #tpu.memory_space<vmem_shared>> -> memref<10240xf32, #tpu.memory_space<vmem_shared>>
        tpu.enqueue_indirect_dma source(%arg13 : memref<128xf32, #tpu.memory_space<vmem>>) target(%dma_start3A_19 : memref<10240xf32, #tpu.memory_space<vmem_shared>>) offsets(%arg11 : memref<128xi32, #tpu.memory_space<vmem>>) semaphore(%run_scoped3A : memref<!tpu.dma_semaphore, #tpu.memory_space<semaphore_mem>>) {add = true}
        %dma_wait3A_20 = arith.constant 0 : i32
        %dma_wait3A_21 = tpu.memref_slice %arg15[%dma_wait3A_20] : memref<10240xf32, #tpu.memory_space<vmem_shared>> -> memref<10240xf32, #tpu.memory_space<vmem_shared>>
        tpu.wait_indirect_dma semaphore(%run_scoped3A : memref<!tpu.dma_semaphore, #tpu.memory_space<semaphore_mem>>) src(%arg13 : memref<128xf32, #tpu.memory_space<vmem>>) dst(%dma_wait3A_21 : memref<10240xf32, #tpu.memory_space<vmem_shared>>)
        tpu.yield
      }) : () -> ()
    }
    %scan3A_8 = arith.constant 40 : i32
    %barrier3A_9 = arith.constant 0 : index
    tpu.barrier barrier_id(%barrier3A_9)
    "tpu.region"() ({
      %run_scoped3A = tpu.sem_alloc : memref<!tpu.dma_semaphore, #tpu.memory_space<semaphore_mem>>
      %dma_start3A = arith.constant 0 : i32
      %dma_start3A_10 = tpu.memref_slice %arg8[%arg0, %mul3A_2, %dma_start3A] : memref<2x10240x128xf32, #tpu.memory_space<hbm>> -> memref<1x640x128xf32, #tpu.memory_space<hbm>>
      %dma_start3A_11 = tpu.memref_squeeze %dma_start3A_10 : memref<1x640x128xf32, #tpu.memory_space<hbm>> -> memref<640x128xf32, #tpu.memory_space<hbm>>
      %dma_start3A_12 = arith.constant 0 : i32
      %dma_start3A_13 = tpu.memref_slice %arg14[%mul3A_2, %dma_start3A_12] : memref<10240x128xf32, #tpu.memory_space<vmem_shared>> -> memref<640x128xf32, #tpu.memory_space<vmem_shared>>
      tpu.enqueue_dma source(%dma_start3A_13 : memref<640x128xf32, #tpu.memory_space<vmem_shared>>) target(%dma_start3A_11 : memref<640x128xf32, #tpu.memory_space<hbm>>) target_semaphore(%run_scoped3A : memref<!tpu.dma_semaphore, #tpu.memory_space<semaphore_mem>>)
      %dma_wait3A = arith.constant 0 : i32
      %dma_wait3A_14 = tpu.memref_slice %arg8[%arg0, %mul3A_2, %dma_wait3A] : memref<2x10240x128xf32, #tpu.memory_space<hbm>> -> memref<1x640x128xf32, #tpu.memory_space<hbm>>
      %dma_wait3A_15 = tpu.memref_squeeze %dma_wait3A_14 : memref<1x640x128xf32, #tpu.memory_space<hbm>> -> memref<640x128xf32, #tpu.memory_space<hbm>>
      %dma_wait3A_16 = arith.constant 0 : i32
      %dma_wait3A_17 = tpu.memref_slice %arg14[%mul3A_2, %dma_wait3A_16] : memref<10240x128xf32, #tpu.memory_space<vmem_shared>> -> memref<640x128xf32, #tpu.memory_space<vmem_shared>>
      tpu.wait_dma2 semaphore(%run_scoped3A : memref<!tpu.dma_semaphore, #tpu.memory_space<semaphore_mem>>) src(%dma_wait3A_17 : memref<640x128xf32, #tpu.memory_space<vmem_shared>>) dst(%dma_wait3A_15 : memref<640x128xf32, #tpu.memory_space<hbm>>)
      tpu.yield
    }) : () -> ()
    "tpu.region"() ({
      %run_scoped3A = tpu.sem_alloc : memref<!tpu.dma_semaphore, #tpu.memory_space<semaphore_mem>>
      %dma_start3A = tpu.memref_slice %arg9[%arg0, %mul3A_2] : memref<2x10240xf32, #tpu.memory_space<hbm>> -> memref<1x640xf32, #tpu.memory_space<hbm>>
      %dma_start3A_10 = tpu.memref_squeeze %dma_start3A : memref<1x640xf32, #tpu.memory_space<hbm>> -> memref<640xf32, #tpu.memory_space<hbm>>
      %dma_start3A_11 = tpu.memref_slice %arg15[%mul3A_2] : memref<10240xf32, #tpu.memory_space<vmem_shared>> -> memref<640xf32, #tpu.memory_space<vmem_shared>>
      tpu.enqueue_dma source(%dma_start3A_11 : memref<640xf32, #tpu.memory_space<vmem_shared>>) target(%dma_start3A_10 : memref<640xf32, #tpu.memory_space<hbm>>) target_semaphore(%run_scoped3A : memref<!tpu.dma_semaphore, #tpu.memory_space<semaphore_mem>>)
      %dma_wait3A = tpu.memref_slice %arg9[%arg0, %mul3A_2] : memref<2x10240xf32, #tpu.memory_space<hbm>> -> memref<1x640xf32, #tpu.memory_space<hbm>>
      %dma_wait3A_12 = tpu.memref_squeeze %dma_wait3A : memref<1x640xf32, #tpu.memory_space<hbm>> -> memref<640xf32, #tpu.memory_space<hbm>>
      %dma_wait3A_13 = tpu.memref_slice %arg15[%mul3A_2] : memref<10240xf32, #tpu.memory_space<vmem_shared>> -> memref<640xf32, #tpu.memory_space<vmem_shared>>
      tpu.wait_dma2 semaphore(%run_scoped3A : memref<!tpu.dma_semaphore, #tpu.memory_space<semaphore_mem>>) src(%dma_wait3A_13 : memref<640xf32, #tpu.memory_space<vmem_shared>>) dst(%dma_wait3A_12 : memref<640xf32, #tpu.memory_space<hbm>>)
      tpu.yield
    }) : () -> ()
    return
  }
}

#map = affine_map<(d0, d1) -> (0, 0)>
#map1 = affine_map<(d0, d1) -> (0)>
#map2 = affine_map<(d0, d1) -> (0, 0, 0)>
module attributes {stable_mosaic.version = 14 : i64} {
  func.func @k(%arg0: i32, %arg1: i32, %arg2: memref<10240x128xf32, #tpu.memory_space<hbm>>, %arg3: memref<163840xi32, #tpu.memory_space<hbm>>, %arg4: memref<163840xi32, #tpu.memory_space<hbm>>, %arg5: memref<640x128xf32, #tpu.memory_space<hbm>>, %arg6: memref<2x10240x128xf32, #tpu.memory_space<hbm>>, %arg7: memref<128xi32, #tpu.memory_space<vmem>>, %arg8: memref<128xi32, #tpu.memory_space<vmem>>, %arg9: memref<128x128xf32, #tpu.memory_space<vmem>>, %arg10: memref<10240x128xf32, #tpu.memory_space<vmem_shared>>, %arg11: memref<!tpu.dma_semaphore, #tpu.memory_space<semaphore_mem>>) attributes {dimension_semantics = [#tpu.dimension_semantics<core_parallel>, #tpu.dimension_semantics<subcore_parallel>], iteration_bounds = array<i64: 2, 16>, scalar_prefetch = 0 : i64, scratch_operands = 5 : i64, tpu.core_type = #tpu.core_type<sc_vector_subcore>, window_params = [{transform_indices = #map}, {transform_indices = #map1}, {transform_indices = #map1}, {transform_indices = #map}, {transform_indices = #map2}]} {
    %mul3A = arith.constant 2 : i32
    %mul3A_0 = arith.muli %arg1, %mul3A : i32
    %add3A = arith.addi %mul3A_0, %arg0 : i32
    %mul3A_1 = arith.constant 640 : i32
    %mul3A_2 = arith.muli %arg1, %mul3A_1 : i32
    "tpu.region"() ({
      %run_scoped3A = tpu.sem_alloc : memref<!tpu.dma_semaphore, #tpu.memory_space<semaphore_mem>>
      %dma_start3A = arith.constant 0 : i32
      %dma_start3A_10 = tpu.memref_slice %arg10[%mul3A_2, %dma_start3A] : memref<10240x128xf32, #tpu.memory_space<vmem_shared>> -> memref<640x128xf32, #tpu.memory_space<vmem_shared>>
      tpu.enqueue_dma source(%arg5 : memref<640x128xf32, #tpu.memory_space<hbm>>) target(%dma_start3A_10 : memref<640x128xf32, #tpu.memory_space<vmem_shared>>) target_semaphore(%run_scoped3A : memref<!tpu.dma_semaphore, #tpu.memory_space<semaphore_mem>>)
      %dma_wait3A = arith.constant 0 : i32
      %dma_wait3A_11 = tpu.memref_slice %arg10[%mul3A_2, %dma_wait3A] : memref<10240x128xf32, #tpu.memory_space<vmem_shared>> -> memref<640x128xf32, #tpu.memory_space<vmem_shared>>
      tpu.wait_dma2 semaphore(%run_scoped3A : memref<!tpu.dma_semaphore, #tpu.memory_space<semaphore_mem>>) src(%arg5 : memref<640x128xf32, #tpu.memory_space<hbm>>) dst(%dma_wait3A_11 : memref<640x128xf32, #tpu.memory_space<vmem_shared>>)
      tpu.yield
    }) : () -> ()
    %barrier3A = arith.constant 0 : index
    tpu.barrier barrier_id(%barrier3A)
    %mul3A_3 = arith.constant 5120 : i32
    %mul3A_4 = arith.muli %add3A, %mul3A_3 : i32
    %scan3A = arith.constant 0 : i32
    %scan3A_5 = arith.constant 40 : i32
    %scan3A_6 = arith.addi %scan3A, %scan3A_5 : i32
    %scan3A_7 = arith.constant 1 : i32
    scf.for %scan3A_10 = %scan3A to %scan3A_6 step %scan3A_7  : i32 {
      %mul3A_11 = arith.constant 128 : i32
      %mul3A_12 = arith.muli %scan3A_10, %mul3A_11 : i32
      %add3A_13 = arith.addi %mul3A_4, %mul3A_12 : i32
      "tpu.region"() ({
        %run_scoped3A = tpu.sem_alloc : memref<!tpu.dma_semaphore, #tpu.memory_space<semaphore_mem>>
        %dma_start3A_18 = tpu.memref_slice %arg3[%add3A_13] : memref<163840xi32, #tpu.memory_space<hbm>> -> memref<128xi32, #tpu.memory_space<hbm>>
        %dma_start3A_19 = tpu.memref_slice %arg3[%add3A_13] : memref<163840xi32, #tpu.memory_space<hbm>> -> memref<128xi32, #tpu.memory_space<hbm>>
        tpu.enqueue_dma source(%dma_start3A_19 : memref<128xi32, #tpu.memory_space<hbm>>) target(%arg7 : memref<128xi32, #tpu.memory_space<vmem>>) target_semaphore(%run_scoped3A : memref<!tpu.dma_semaphore, #tpu.memory_space<semaphore_mem>>)
        %dma_wait3A_20 = tpu.memref_slice %arg3[%add3A_13] : memref<163840xi32, #tpu.memory_space<hbm>> -> memref<128xi32, #tpu.memory_space<hbm>>
        %dma_wait3A_21 = tpu.memref_slice %arg3[%add3A_13] : memref<163840xi32, #tpu.memory_space<hbm>> -> memref<128xi32, #tpu.memory_space<hbm>>
        tpu.wait_dma2 semaphore(%run_scoped3A : memref<!tpu.dma_semaphore, #tpu.memory_space<semaphore_mem>>) src(%dma_wait3A_21 : memref<128xi32, #tpu.memory_space<hbm>>) dst(%arg7 : memref<128xi32, #tpu.memory_space<vmem>>)
        tpu.yield
      }) : () -> ()
      "tpu.region"() ({
        %run_scoped3A = tpu.sem_alloc : memref<!tpu.dma_semaphore, #tpu.memory_space<semaphore_mem>>
        %dma_start3A_18 = tpu.memref_slice %arg4[%add3A_13] : memref<163840xi32, #tpu.memory_space<hbm>> -> memref<128xi32, #tpu.memory_space<hbm>>
        %dma_start3A_19 = tpu.memref_slice %arg4[%add3A_13] : memref<163840xi32, #tpu.memory_space<hbm>> -> memref<128xi32, #tpu.memory_space<hbm>>
        tpu.enqueue_dma source(%dma_start3A_19 : memref<128xi32, #tpu.memory_space<hbm>>) target(%arg8 : memref<128xi32, #tpu.memory_space<vmem>>) target_semaphore(%run_scoped3A : memref<!tpu.dma_semaphore, #tpu.memory_space<semaphore_mem>>)
        %dma_wait3A_20 = tpu.memref_slice %arg4[%add3A_13] : memref<163840xi32, #tpu.memory_space<hbm>> -> memref<128xi32, #tpu.memory_space<hbm>>
        %dma_wait3A_21 = tpu.memref_slice %arg4[%add3A_13] : memref<163840xi32, #tpu.memory_space<hbm>> -> memref<128xi32, #tpu.memory_space<hbm>>
        tpu.wait_dma2 semaphore(%run_scoped3A : memref<!tpu.dma_semaphore, #tpu.memory_space<semaphore_mem>>) src(%dma_wait3A_21 : memref<128xi32, #tpu.memory_space<hbm>>) dst(%arg8 : memref<128xi32, #tpu.memory_space<vmem>>)
        tpu.yield
      }) : () -> ()
      %dma_start3A = arith.constant 0 : i32
      %dma_start3A_14 = arith.constant 0 : i32
      %dma_start3A_15 = tpu.memref_slice %arg2[%dma_start3A, %dma_start3A_14] : memref<10240x128xf32, #tpu.memory_space<hbm>> -> memref<10240x128xf32, #tpu.memory_space<hbm>>
      tpu.enqueue_indirect_dma source(%dma_start3A_15 : memref<10240x128xf32, #tpu.memory_space<hbm>>) target(%arg9 : memref<128x128xf32, #tpu.memory_space<vmem>>) offsets(%arg7 : memref<128xi32, #tpu.memory_space<vmem>>) semaphore(%arg11 : memref<!tpu.dma_semaphore, #tpu.memory_space<semaphore_mem>>)
      %dma_wait3A = arith.constant 0 : i32
      %dma_wait3A_16 = arith.constant 0 : i32
      %dma_wait3A_17 = tpu.memref_slice %arg2[%dma_wait3A, %dma_wait3A_16] : memref<10240x128xf32, #tpu.memory_space<hbm>> -> memref<10240x128xf32, #tpu.memory_space<hbm>>
      tpu.wait_indirect_dma semaphore(%arg11 : memref<!tpu.dma_semaphore, #tpu.memory_space<semaphore_mem>>) src(%dma_wait3A_17 : memref<10240x128xf32, #tpu.memory_space<hbm>>) dst(%arg9 : memref<128x128xf32, #tpu.memory_space<vmem>>)
      "tpu.region"() ({
        %run_scoped3A = tpu.sem_alloc : memref<!tpu.dma_semaphore, #tpu.memory_space<semaphore_mem>>
        %dma_start3A_18 = arith.constant 0 : i32
        %dma_start3A_19 = arith.constant 0 : i32
        %dma_start3A_20 = tpu.memref_slice %arg10[%dma_start3A_18, %dma_start3A_19] : memref<10240x128xf32, #tpu.memory_space<vmem_shared>> -> memref<10240x128xf32, #tpu.memory_space<vmem_shared>>
        tpu.enqueue_indirect_dma source(%arg9 : memref<128x128xf32, #tpu.memory_space<vmem>>) target(%dma_start3A_20 : memref<10240x128xf32, #tpu.memory_space<vmem_shared>>) offsets(%arg8 : memref<128xi32, #tpu.memory_space<vmem>>) semaphore(%run_scoped3A : memref<!tpu.dma_semaphore, #tpu.memory_space<semaphore_mem>>) {add = true}
        %dma_wait3A_21 = arith.constant 0 : i32
        %dma_wait3A_22 = arith.constant 0 : i32
        %dma_wait3A_23 = tpu.memref_slice %arg10[%dma_wait3A_21, %dma_wait3A_22] : memref<10240x128xf32, #tpu.memory_space<vmem_shared>> -> memref<10240x128xf32, #tpu.memory_space<vmem_shared>>
        tpu.wait_indirect_dma semaphore(%run_scoped3A : memref<!tpu.dma_semaphore, #tpu.memory_space<semaphore_mem>>) src(%arg9 : memref<128x128xf32, #tpu.memory_space<vmem>>) dst(%dma_wait3A_23 : memref<10240x128xf32, #tpu.memory_space<vmem_shared>>)
        tpu.yield
      }) : () -> ()
    }
    %scan3A_8 = arith.constant 40 : i32
    %barrier3A_9 = arith.constant 0 : index
    tpu.barrier barrier_id(%barrier3A_9)
    "tpu.region"() ({
      %run_scoped3A = tpu.sem_alloc : memref<!tpu.dma_semaphore, #tpu.memory_space<semaphore_mem>>
      %dma_start3A = arith.constant 0 : i32
      %dma_start3A_10 = tpu.memref_slice %arg6[%arg0, %mul3A_2, %dma_start3A] : memref<2x10240x128xf32, #tpu.memory_space<hbm>> -> memref<1x640x128xf32, #tpu.memory_space<hbm>>
      %dma_start3A_11 = tpu.memref_squeeze %dma_start3A_10 : memref<1x640x128xf32, #tpu.memory_space<hbm>> -> memref<640x128xf32, #tpu.memory_space<hbm>>
      %dma_start3A_12 = arith.constant 0 : i32
      %dma_start3A_13 = tpu.memref_slice %arg10[%mul3A_2, %dma_start3A_12] : memref<10240x128xf32, #tpu.memory_space<vmem_shared>> -> memref<640x128xf32, #tpu.memory_space<vmem_shared>>
      tpu.enqueue_dma source(%dma_start3A_13 : memref<640x128xf32, #tpu.memory_space<vmem_shared>>) target(%dma_start3A_11 : memref<640x128xf32, #tpu.memory_space<hbm>>) target_semaphore(%run_scoped3A : memref<!tpu.dma_semaphore, #tpu.memory_space<semaphore_mem>>)
      %dma_wait3A = arith.constant 0 : i32
      %dma_wait3A_14 = tpu.memref_slice %arg6[%arg0, %mul3A_2, %dma_wait3A] : memref<2x10240x128xf32, #tpu.memory_space<hbm>> -> memref<1x640x128xf32, #tpu.memory_space<hbm>>
      %dma_wait3A_15 = tpu.memref_squeeze %dma_wait3A_14 : memref<1x640x128xf32, #tpu.memory_space<hbm>> -> memref<640x128xf32, #tpu.memory_space<hbm>>
      %dma_wait3A_16 = arith.constant 0 : i32
      %dma_wait3A_17 = tpu.memref_slice %arg10[%mul3A_2, %dma_wait3A_16] : memref<10240x128xf32, #tpu.memory_space<vmem_shared>> -> memref<640x128xf32, #tpu.memory_space<vmem_shared>>
      tpu.wait_dma2 semaphore(%run_scoped3A : memref<!tpu.dma_semaphore, #tpu.memory_space<semaphore_mem>>) src(%dma_wait3A_17 : memref<640x128xf32, #tpu.memory_space<vmem_shared>>) dst(%dma_wait3A_15 : memref<640x128xf32, #tpu.memory_space<hbm>>)
      tpu.yield
    }) : () -> ()
    return
  }
}

#map = affine_map<(d0, d1) -> (0, 0)>
#map1 = affine_map<(d0, d1) -> (0)>
#map2 = affine_map<(d0, d1) -> (0, 0, 0)>
module attributes {stable_mosaic.version = 14 : i64} {
  func.func @k(%arg0: i32, %arg1: i32, %arg2: memref<10240x128xf32, #tpu.memory_space<hbm>>, %arg3: memref<163840xi32, #tpu.memory_space<hbm>>, %arg4: memref<163840xi32, #tpu.memory_space<hbm>>, %arg5: memref<640x128xf32, #tpu.memory_space<hbm>>, %arg6: memref<2x10240x128xf32, #tpu.memory_space<hbm>>, %arg7: memref<128xi32, #tpu.memory_space<vmem>>, %arg8: memref<128xi32, #tpu.memory_space<vmem>>, %arg9: memref<128x128xf32, #tpu.memory_space<vmem>>, %arg10: memref<10240x128xf32, #tpu.memory_space<vmem_shared>>, %arg11: memref<!tpu.dma_semaphore, #tpu.memory_space<semaphore_mem>>) attributes {dimension_semantics = [#tpu.dimension_semantics<core_parallel>, #tpu.dimension_semantics<subcore_parallel>], iteration_bounds = array<i64: 2, 16>, scalar_prefetch = 0 : i64, scratch_operands = 5 : i64, tpu.core_type = #tpu.core_type<sc_vector_subcore>, window_params = [{transform_indices = #map}, {transform_indices = #map1}, {transform_indices = #map1}, {transform_indices = #map}, {transform_indices = #map2}]} {
    %mul3A = arith.constant 2 : i32
    %mul3A_0 = arith.muli %arg1, %mul3A : i32
    %add3A = arith.addi %mul3A_0, %arg0 : i32
    %mul3A_1 = arith.constant 640 : i32
    %mul3A_2 = arith.muli %arg1, %mul3A_1 : i32
    "tpu.region"() ({
      %run_scoped3A = tpu.sem_alloc : memref<!tpu.dma_semaphore, #tpu.memory_space<semaphore_mem>>
      %dma_start3A = arith.constant 0 : i32
      %dma_start3A_10 = tpu.memref_slice %arg10[%mul3A_2, %dma_start3A] : memref<10240x128xf32, #tpu.memory_space<vmem_shared>> -> memref<640x128xf32, #tpu.memory_space<vmem_shared>>
      tpu.enqueue_dma source(%arg5 : memref<640x128xf32, #tpu.memory_space<hbm>>) target(%dma_start3A_10 : memref<640x128xf32, #tpu.memory_space<vmem_shared>>) target_semaphore(%run_scoped3A : memref<!tpu.dma_semaphore, #tpu.memory_space<semaphore_mem>>)
      %dma_wait3A = arith.constant 0 : i32
      %dma_wait3A_11 = tpu.memref_slice %arg10[%mul3A_2, %dma_wait3A] : memref<10240x128xf32, #tpu.memory_space<vmem_shared>> -> memref<640x128xf32, #tpu.memory_space<vmem_shared>>
      tpu.wait_dma2 semaphore(%run_scoped3A : memref<!tpu.dma_semaphore, #tpu.memory_space<semaphore_mem>>) src(%arg5 : memref<640x128xf32, #tpu.memory_space<hbm>>) dst(%dma_wait3A_11 : memref<640x128xf32, #tpu.memory_space<vmem_shared>>)
      tpu.yield
    }) : () -> ()
    %barrier3A = arith.constant 0 : index
    tpu.barrier barrier_id(%barrier3A)
    %mul3A_3 = arith.constant 5120 : i32
    %mul3A_4 = arith.muli %add3A, %mul3A_3 : i32
    %scan3A = arith.constant 0 : i32
    %scan3A_5 = arith.constant 40 : i32
    %scan3A_6 = arith.addi %scan3A, %scan3A_5 : i32
    %scan3A_7 = arith.constant 1 : i32
    scf.for %scan3A_10 = %scan3A to %scan3A_6 step %scan3A_7  : i32 {
      %mul3A_11 = arith.constant 128 : i32
      %mul3A_12 = arith.muli %scan3A_10, %mul3A_11 : i32
      %add3A_13 = arith.addi %mul3A_4, %mul3A_12 : i32
      "tpu.region"() ({
        %run_scoped3A = tpu.sem_alloc : memref<!tpu.dma_semaphore, #tpu.memory_space<semaphore_mem>>
        %dma_start3A_18 = tpu.memref_slice %arg3[%add3A_13] : memref<163840xi32, #tpu.memory_space<hbm>> -> memref<128xi32, #tpu.memory_space<hbm>>
        %dma_start3A_19 = tpu.memref_slice %arg3[%add3A_13] : memref<163840xi32, #tpu.memory_space<hbm>> -> memref<128xi32, #tpu.memory_space<hbm>>
        tpu.enqueue_dma source(%dma_start3A_19 : memref<128xi32, #tpu.memory_space<hbm>>) target(%arg7 : memref<128xi32, #tpu.memory_space<vmem>>) target_semaphore(%run_scoped3A : memref<!tpu.dma_semaphore, #tpu.memory_space<semaphore_mem>>)
        %dma_wait3A_20 = tpu.memref_slice %arg3[%add3A_13] : memref<163840xi32, #tpu.memory_space<hbm>> -> memref<128xi32, #tpu.memory_space<hbm>>
        %dma_wait3A_21 = tpu.memref_slice %arg3[%add3A_13] : memref<163840xi32, #tpu.memory_space<hbm>> -> memref<128xi32, #tpu.memory_space<hbm>>
        tpu.wait_dma2 semaphore(%run_scoped3A : memref<!tpu.dma_semaphore, #tpu.memory_space<semaphore_mem>>) src(%dma_wait3A_21 : memref<128xi32, #tpu.memory_space<hbm>>) dst(%arg7 : memref<128xi32, #tpu.memory_space<vmem>>)
        tpu.yield
      }) : () -> ()
      "tpu.region"() ({
        %run_scoped3A = tpu.sem_alloc : memref<!tpu.dma_semaphore, #tpu.memory_space<semaphore_mem>>
        %dma_start3A_18 = tpu.memref_slice %arg4[%add3A_13] : memref<163840xi32, #tpu.memory_space<hbm>> -> memref<128xi32, #tpu.memory_space<hbm>>
        %dma_start3A_19 = tpu.memref_slice %arg4[%add3A_13] : memref<163840xi32, #tpu.memory_space<hbm>> -> memref<128xi32, #tpu.memory_space<hbm>>
        tpu.enqueue_dma source(%dma_start3A_19 : memref<128xi32, #tpu.memory_space<hbm>>) target(%arg8 : memref<128xi32, #tpu.memory_space<vmem>>) target_semaphore(%run_scoped3A : memref<!tpu.dma_semaphore, #tpu.memory_space<semaphore_mem>>)
        %dma_wait3A_20 = tpu.memref_slice %arg4[%add3A_13] : memref<163840xi32, #tpu.memory_space<hbm>> -> memref<128xi32, #tpu.memory_space<hbm>>
        %dma_wait3A_21 = tpu.memref_slice %arg4[%add3A_13] : memref<163840xi32, #tpu.memory_space<hbm>> -> memref<128xi32, #tpu.memory_space<hbm>>
        tpu.wait_dma2 semaphore(%run_scoped3A : memref<!tpu.dma_semaphore, #tpu.memory_space<semaphore_mem>>) src(%dma_wait3A_21 : memref<128xi32, #tpu.memory_space<hbm>>) dst(%arg8 : memref<128xi32, #tpu.memory_space<vmem>>)
        tpu.yield
      }) : () -> ()
      %dma_start3A = arith.constant 0 : i32
      %dma_start3A_14 = arith.constant 0 : i32
      %dma_start3A_15 = tpu.memref_slice %arg2[%dma_start3A, %dma_start3A_14] : memref<10240x128xf32, #tpu.memory_space<hbm>> -> memref<10240x128xf32, #tpu.memory_space<hbm>>
      tpu.enqueue_indirect_dma source(%dma_start3A_15 : memref<10240x128xf32, #tpu.memory_space<hbm>>) target(%arg9 : memref<128x128xf32, #tpu.memory_space<vmem>>) offsets(%arg7 : memref<128xi32, #tpu.memory_space<vmem>>) semaphore(%arg11 : memref<!tpu.dma_semaphore, #tpu.memory_space<semaphore_mem>>)
      %dma_wait3A = arith.constant 0 : i32
      %dma_wait3A_16 = arith.constant 0 : i32
      %dma_wait3A_17 = tpu.memref_slice %arg2[%dma_wait3A, %dma_wait3A_16] : memref<10240x128xf32, #tpu.memory_space<hbm>> -> memref<10240x128xf32, #tpu.memory_space<hbm>>
      tpu.wait_indirect_dma semaphore(%arg11 : memref<!tpu.dma_semaphore, #tpu.memory_space<semaphore_mem>>) src(%dma_wait3A_17 : memref<10240x128xf32, #tpu.memory_space<hbm>>) dst(%arg9 : memref<128x128xf32, #tpu.memory_space<vmem>>)
      "tpu.region"() ({
        %run_scoped3A = tpu.sem_alloc : memref<!tpu.dma_semaphore, #tpu.memory_space<semaphore_mem>>
        %dma_start3A_18 = arith.constant 0 : i32
        %dma_start3A_19 = arith.constant 0 : i32
        %dma_start3A_20 = tpu.memref_slice %arg10[%dma_start3A_18, %dma_start3A_19] : memref<10240x128xf32, #tpu.memory_space<vmem_shared>> -> memref<10240x128xf32, #tpu.memory_space<vmem_shared>>
        tpu.enqueue_indirect_dma source(%arg9 : memref<128x128xf32, #tpu.memory_space<vmem>>) target(%dma_start3A_20 : memref<10240x128xf32, #tpu.memory_space<vmem_shared>>) offsets(%arg8 : memref<128xi32, #tpu.memory_space<vmem>>) semaphore(%run_scoped3A : memref<!tpu.dma_semaphore, #tpu.memory_space<semaphore_mem>>) {add = true}
        %dma_wait3A_21 = arith.constant 0 : i32
        %dma_wait3A_22 = arith.constant 0 : i32
        %dma_wait3A_23 = tpu.memref_slice %arg10[%dma_wait3A_21, %dma_wait3A_22] : memref<10240x128xf32, #tpu.memory_space<vmem_shared>> -> memref<10240x128xf32, #tpu.memory_space<vmem_shared>>
        tpu.wait_indirect_dma semaphore(%run_scoped3A : memref<!tpu.dma_semaphore, #tpu.memory_space<semaphore_mem>>) src(%arg9 : memref<128x128xf32, #tpu.memory_space<vmem>>) dst(%dma_wait3A_23 : memref<10240x128xf32, #tpu.memory_space<vmem_shared>>)
        tpu.yield
      }) : () -> ()
    }
    %scan3A_8 = arith.constant 40 : i32
    %barrier3A_9 = arith.constant 0 : index
    tpu.barrier barrier_id(%barrier3A_9)
    "tpu.region"() ({
      %run_scoped3A = tpu.sem_alloc : memref<!tpu.dma_semaphore, #tpu.memory_space<semaphore_mem>>
      %dma_start3A = arith.constant 0 : i32
      %dma_start3A_10 = tpu.memref_slice %arg6[%arg0, %mul3A_2, %dma_start3A] : memref<2x10240x128xf32, #tpu.memory_space<hbm>> -> memref<1x640x128xf32, #tpu.memory_space<hbm>>
      %dma_start3A_11 = tpu.memref_squeeze %dma_start3A_10 : memref<1x640x128xf32, #tpu.memory_space<hbm>> -> memref<640x128xf32, #tpu.memory_space<hbm>>
      %dma_start3A_12 = arith.constant 0 : i32
      %dma_start3A_13 = tpu.memref_slice %arg10[%mul3A_2, %dma_start3A_12] : memref<10240x128xf32, #tpu.memory_space<vmem_shared>> -> memref<640x128xf32, #tpu.memory_space<vmem_shared>>
      tpu.enqueue_dma source(%dma_start3A_13 : memref<640x128xf32, #tpu.memory_space<vmem_shared>>) target(%dma_start3A_11 : memref<640x128xf32, #tpu.memory_space<hbm>>) target_semaphore(%run_scoped3A : memref<!tpu.dma_semaphore, #tpu.memory_space<semaphore_mem>>)
      %dma_wait3A = arith.constant 0 : i32
      %dma_wait3A_14 = tpu.memref_slice %arg6[%arg0, %mul3A_2, %dma_wait3A] : memref<2x10240x128xf32, #tpu.memory_space<hbm>> -> memref<1x640x128xf32, #tpu.memory_space<hbm>>
      %dma_wait3A_15 = tpu.memref_squeeze %dma_wait3A_14 : memref<1x640x128xf32, #tpu.memory_space<hbm>> -> memref<640x128xf32, #tpu.memory_space<hbm>>
      %dma_wait3A_16 = arith.constant 0 : i32
      %dma_wait3A_17 = tpu.memref_slice %arg10[%mul3A_2, %dma_wait3A_16] : memref<10240x128xf32, #tpu.memory_space<vmem_shared>> -> memref<640x128xf32, #tpu.memory_space<vmem_shared>>
      tpu.wait_dma2 semaphore(%run_scoped3A : memref<!tpu.dma_semaphore, #tpu.memory_space<semaphore_mem>>) src(%dma_wait3A_17 : memref<640x128xf32, #tpu.memory_space<vmem_shared>>) dst(%dma_wait3A_15 : memref<640x128xf32, #tpu.memory_space<hbm>>)
      tpu.yield
    }) : () -> ()
    return
  }
}

#map = affine_map<(d0, d1) -> (0, 0)>
#map1 = affine_map<(d0, d1) -> (0)>
#map2 = affine_map<(d0, d1) -> (0, 0, 0)>
module attributes {stable_mosaic.version = 14 : i64} {
  func.func @k(%arg0: i32, %arg1: i32, %arg2: memref<10240x128xf32, #tpu.memory_space<hbm>>, %arg3: memref<163840xi32, #tpu.memory_space<hbm>>, %arg4: memref<163840xi32, #tpu.memory_space<hbm>>, %arg5: memref<640x128xf32, #tpu.memory_space<hbm>>, %arg6: memref<2x10240x128xf32, #tpu.memory_space<hbm>>, %arg7: memref<128xi32, #tpu.memory_space<vmem>>, %arg8: memref<128xi32, #tpu.memory_space<vmem>>, %arg9: memref<128x128xf32, #tpu.memory_space<vmem>>, %arg10: memref<10240x128xf32, #tpu.memory_space<vmem_shared>>, %arg11: memref<!tpu.dma_semaphore, #tpu.memory_space<semaphore_mem>>) attributes {dimension_semantics = [#tpu.dimension_semantics<core_parallel>, #tpu.dimension_semantics<subcore_parallel>], iteration_bounds = array<i64: 2, 16>, scalar_prefetch = 0 : i64, scratch_operands = 5 : i64, tpu.core_type = #tpu.core_type<sc_vector_subcore>, window_params = [{transform_indices = #map}, {transform_indices = #map1}, {transform_indices = #map1}, {transform_indices = #map}, {transform_indices = #map2}]} {
    %mul3A = arith.constant 2 : i32
    %mul3A_0 = arith.muli %arg1, %mul3A : i32
    %add3A = arith.addi %mul3A_0, %arg0 : i32
    %mul3A_1 = arith.constant 640 : i32
    %mul3A_2 = arith.muli %arg1, %mul3A_1 : i32
    "tpu.region"() ({
      %run_scoped3A = tpu.sem_alloc : memref<!tpu.dma_semaphore, #tpu.memory_space<semaphore_mem>>
      %dma_start3A = arith.constant 0 : i32
      %dma_start3A_10 = tpu.memref_slice %arg10[%mul3A_2, %dma_start3A] : memref<10240x128xf32, #tpu.memory_space<vmem_shared>> -> memref<640x128xf32, #tpu.memory_space<vmem_shared>>
      tpu.enqueue_dma source(%arg5 : memref<640x128xf32, #tpu.memory_space<hbm>>) target(%dma_start3A_10 : memref<640x128xf32, #tpu.memory_space<vmem_shared>>) target_semaphore(%run_scoped3A : memref<!tpu.dma_semaphore, #tpu.memory_space<semaphore_mem>>)
      %dma_wait3A = arith.constant 0 : i32
      %dma_wait3A_11 = tpu.memref_slice %arg10[%mul3A_2, %dma_wait3A] : memref<10240x128xf32, #tpu.memory_space<vmem_shared>> -> memref<640x128xf32, #tpu.memory_space<vmem_shared>>
      tpu.wait_dma2 semaphore(%run_scoped3A : memref<!tpu.dma_semaphore, #tpu.memory_space<semaphore_mem>>) src(%arg5 : memref<640x128xf32, #tpu.memory_space<hbm>>) dst(%dma_wait3A_11 : memref<640x128xf32, #tpu.memory_space<vmem_shared>>)
      tpu.yield
    }) : () -> ()
    %barrier3A = arith.constant 0 : index
    tpu.barrier barrier_id(%barrier3A)
    %mul3A_3 = arith.constant 5120 : i32
    %mul3A_4 = arith.muli %add3A, %mul3A_3 : i32
    %scan3A = arith.constant 0 : i32
    %scan3A_5 = arith.constant 40 : i32
    %scan3A_6 = arith.addi %scan3A, %scan3A_5 : i32
    %scan3A_7 = arith.constant 1 : i32
    scf.for %scan3A_10 = %scan3A to %scan3A_6 step %scan3A_7  : i32 {
      %mul3A_11 = arith.constant 128 : i32
      %mul3A_12 = arith.muli %scan3A_10, %mul3A_11 : i32
      %add3A_13 = arith.addi %mul3A_4, %mul3A_12 : i32
      "tpu.region"() ({
        %run_scoped3A = tpu.sem_alloc : memref<!tpu.dma_semaphore, #tpu.memory_space<semaphore_mem>>
        %dma_start3A_18 = tpu.memref_slice %arg3[%add3A_13] : memref<163840xi32, #tpu.memory_space<hbm>> -> memref<128xi32, #tpu.memory_space<hbm>>
        %dma_start3A_19 = tpu.memref_slice %arg3[%add3A_13] : memref<163840xi32, #tpu.memory_space<hbm>> -> memref<128xi32, #tpu.memory_space<hbm>>
        tpu.enqueue_dma source(%dma_start3A_19 : memref<128xi32, #tpu.memory_space<hbm>>) target(%arg7 : memref<128xi32, #tpu.memory_space<vmem>>) target_semaphore(%run_scoped3A : memref<!tpu.dma_semaphore, #tpu.memory_space<semaphore_mem>>)
        %dma_wait3A_20 = tpu.memref_slice %arg3[%add3A_13] : memref<163840xi32, #tpu.memory_space<hbm>> -> memref<128xi32, #tpu.memory_space<hbm>>
        %dma_wait3A_21 = tpu.memref_slice %arg3[%add3A_13] : memref<163840xi32, #tpu.memory_space<hbm>> -> memref<128xi32, #tpu.memory_space<hbm>>
        tpu.wait_dma2 semaphore(%run_scoped3A : memref<!tpu.dma_semaphore, #tpu.memory_space<semaphore_mem>>) src(%dma_wait3A_21 : memref<128xi32, #tpu.memory_space<hbm>>) dst(%arg7 : memref<128xi32, #tpu.memory_space<vmem>>)
        tpu.yield
      }) : () -> ()
      "tpu.region"() ({
        %run_scoped3A = tpu.sem_alloc : memref<!tpu.dma_semaphore, #tpu.memory_space<semaphore_mem>>
        %dma_start3A_18 = tpu.memref_slice %arg4[%add3A_13] : memref<163840xi32, #tpu.memory_space<hbm>> -> memref<128xi32, #tpu.memory_space<hbm>>
        %dma_start3A_19 = tpu.memref_slice %arg4[%add3A_13] : memref<163840xi32, #tpu.memory_space<hbm>> -> memref<128xi32, #tpu.memory_space<hbm>>
        tpu.enqueue_dma source(%dma_start3A_19 : memref<128xi32, #tpu.memory_space<hbm>>) target(%arg8 : memref<128xi32, #tpu.memory_space<vmem>>) target_semaphore(%run_scoped3A : memref<!tpu.dma_semaphore, #tpu.memory_space<semaphore_mem>>)
        %dma_wait3A_20 = tpu.memref_slice %arg4[%add3A_13] : memref<163840xi32, #tpu.memory_space<hbm>> -> memref<128xi32, #tpu.memory_space<hbm>>
        %dma_wait3A_21 = tpu.memref_slice %arg4[%add3A_13] : memref<163840xi32, #tpu.memory_space<hbm>> -> memref<128xi32, #tpu.memory_space<hbm>>
        tpu.wait_dma2 semaphore(%run_scoped3A : memref<!tpu.dma_semaphore, #tpu.memory_space<semaphore_mem>>) src(%dma_wait3A_21 : memref<128xi32, #tpu.memory_space<hbm>>) dst(%arg8 : memref<128xi32, #tpu.memory_space<vmem>>)
        tpu.yield
      }) : () -> ()
      %dma_start3A = arith.constant 0 : i32
      %dma_start3A_14 = arith.constant 0 : i32
      %dma_start3A_15 = tpu.memref_slice %arg2[%dma_start3A, %dma_start3A_14] : memref<10240x128xf32, #tpu.memory_space<hbm>> -> memref<10240x128xf32, #tpu.memory_space<hbm>>
      tpu.enqueue_indirect_dma source(%dma_start3A_15 : memref<10240x128xf32, #tpu.memory_space<hbm>>) target(%arg9 : memref<128x128xf32, #tpu.memory_space<vmem>>) offsets(%arg7 : memref<128xi32, #tpu.memory_space<vmem>>) semaphore(%arg11 : memref<!tpu.dma_semaphore, #tpu.memory_space<semaphore_mem>>)
      %dma_wait3A = arith.constant 0 : i32
      %dma_wait3A_16 = arith.constant 0 : i32
      %dma_wait3A_17 = tpu.memref_slice %arg2[%dma_wait3A, %dma_wait3A_16] : memref<10240x128xf32, #tpu.memory_space<hbm>> -> memref<10240x128xf32, #tpu.memory_space<hbm>>
      tpu.wait_indirect_dma semaphore(%arg11 : memref<!tpu.dma_semaphore, #tpu.memory_space<semaphore_mem>>) src(%dma_wait3A_17 : memref<10240x128xf32, #tpu.memory_space<hbm>>) dst(%arg9 : memref<128x128xf32, #tpu.memory_space<vmem>>)
      "tpu.region"() ({
        %run_scoped3A = tpu.sem_alloc : memref<!tpu.dma_semaphore, #tpu.memory_space<semaphore_mem>>
        %dma_start3A_18 = arith.constant 0 : i32
        %dma_start3A_19 = arith.constant 0 : i32
        %dma_start3A_20 = tpu.memref_slice %arg10[%dma_start3A_18, %dma_start3A_19] : memref<10240x128xf32, #tpu.memory_space<vmem_shared>> -> memref<10240x128xf32, #tpu.memory_space<vmem_shared>>
        tpu.enqueue_indirect_dma source(%arg9 : memref<128x128xf32, #tpu.memory_space<vmem>>) target(%dma_start3A_20 : memref<10240x128xf32, #tpu.memory_space<vmem_shared>>) offsets(%arg8 : memref<128xi32, #tpu.memory_space<vmem>>) semaphore(%run_scoped3A : memref<!tpu.dma_semaphore, #tpu.memory_space<semaphore_mem>>) {add = true}
        %dma_wait3A_21 = arith.constant 0 : i32
        %dma_wait3A_22 = arith.constant 0 : i32
        %dma_wait3A_23 = tpu.memref_slice %arg10[%dma_wait3A_21, %dma_wait3A_22] : memref<10240x128xf32, #tpu.memory_space<vmem_shared>> -> memref<10240x128xf32, #tpu.memory_space<vmem_shared>>
        tpu.wait_indirect_dma semaphore(%run_scoped3A : memref<!tpu.dma_semaphore, #tpu.memory_space<semaphore_mem>>) src(%arg9 : memref<128x128xf32, #tpu.memory_space<vmem>>) dst(%dma_wait3A_23 : memref<10240x128xf32, #tpu.memory_space<vmem_shared>>)
        tpu.yield
      }) : () -> ()
    }
    %scan3A_8 = arith.constant 40 : i32
    %barrier3A_9 = arith.constant 0 : index
    tpu.barrier barrier_id(%barrier3A_9)
    "tpu.region"() ({
      %run_scoped3A = tpu.sem_alloc : memref<!tpu.dma_semaphore, #tpu.memory_space<semaphore_mem>>
      %dma_start3A = arith.constant 0 : i32
      %dma_start3A_10 = tpu.memref_slice %arg6[%arg0, %mul3A_2, %dma_start3A] : memref<2x10240x128xf32, #tpu.memory_space<hbm>> -> memref<1x640x128xf32, #tpu.memory_space<hbm>>
      %dma_start3A_11 = tpu.memref_squeeze %dma_start3A_10 : memref<1x640x128xf32, #tpu.memory_space<hbm>> -> memref<640x128xf32, #tpu.memory_space<hbm>>
      %dma_start3A_12 = arith.constant 0 : i32
      %dma_start3A_13 = tpu.memref_slice %arg10[%mul3A_2, %dma_start3A_12] : memref<10240x128xf32, #tpu.memory_space<vmem_shared>> -> memref<640x128xf32, #tpu.memory_space<vmem_shared>>
      tpu.enqueue_dma source(%dma_start3A_13 : memref<640x128xf32, #tpu.memory_space<vmem_shared>>) target(%dma_start3A_11 : memref<640x128xf32, #tpu.memory_space<hbm>>) target_semaphore(%run_scoped3A : memref<!tpu.dma_semaphore, #tpu.memory_space<semaphore_mem>>)
      %dma_wait3A = arith.constant 0 : i32
      %dma_wait3A_14 = tpu.memref_slice %arg6[%arg0, %mul3A_2, %dma_wait3A] : memref<2x10240x128xf32, #tpu.memory_space<hbm>> -> memref<1x640x128xf32, #tpu.memory_space<hbm>>
      %dma_wait3A_15 = tpu.memref_squeeze %dma_wait3A_14 : memref<1x640x128xf32, #tpu.memory_space<hbm>> -> memref<640x128xf32, #tpu.memory_space<hbm>>
      %dma_wait3A_16 = arith.constant 0 : i32
      %dma_wait3A_17 = tpu.memref_slice %arg10[%mul3A_2, %dma_wait3A_16] : memref<10240x128xf32, #tpu.memory_space<vmem_shared>> -> memref<640x128xf32, #tpu.memory_space<vmem_shared>>
      tpu.wait_dma2 semaphore(%run_scoped3A : memref<!tpu.dma_semaphore, #tpu.memory_space<semaphore_mem>>) src(%dma_wait3A_17 : memref<640x128xf32, #tpu.memory_space<vmem_shared>>) dst(%dma_wait3A_15 : memref<640x128xf32, #tpu.memory_space<hbm>>)
      tpu.yield
    }) : () -> ()
    return
  }
}

#map = affine_map<(d0, d1) -> (0, 0)>
#map1 = affine_map<(d0, d1) -> (0)>
#map2 = affine_map<(d0, d1) -> (0, 0, 0)>
module attributes {stable_mosaic.version = 14 : i64} {
  func.func @k(%arg0: i32, %arg1: i32, %arg2: memref<10240x128xf32, #tpu.memory_space<hbm>>, %arg3: memref<163840xi32, #tpu.memory_space<hbm>>, %arg4: memref<163840xi32, #tpu.memory_space<hbm>>, %arg5: memref<640x128xf32, #tpu.memory_space<hbm>>, %arg6: memref<2x10240x128xf32, #tpu.memory_space<hbm>>, %arg7: memref<128xi32, #tpu.memory_space<vmem>>, %arg8: memref<128xi32, #tpu.memory_space<vmem>>, %arg9: memref<128x128xf32, #tpu.memory_space<vmem>>, %arg10: memref<10240x128xf32, #tpu.memory_space<vmem_shared>>, %arg11: memref<!tpu.dma_semaphore, #tpu.memory_space<semaphore_mem>>) attributes {dimension_semantics = [#tpu.dimension_semantics<core_parallel>, #tpu.dimension_semantics<subcore_parallel>], iteration_bounds = array<i64: 2, 16>, scalar_prefetch = 0 : i64, scratch_operands = 5 : i64, tpu.core_type = #tpu.core_type<sc_vector_subcore>, window_params = [{transform_indices = #map}, {transform_indices = #map1}, {transform_indices = #map1}, {transform_indices = #map}, {transform_indices = #map2}]} {
    %mul3A = arith.constant 2 : i32
    %mul3A_0 = arith.muli %arg1, %mul3A : i32
    %add3A = arith.addi %mul3A_0, %arg0 : i32
    %mul3A_1 = arith.constant 640 : i32
    %mul3A_2 = arith.muli %arg1, %mul3A_1 : i32
    "tpu.region"() ({
      %run_scoped3A = tpu.sem_alloc : memref<!tpu.dma_semaphore, #tpu.memory_space<semaphore_mem>>
      %dma_start3A = arith.constant 0 : i32
      %dma_start3A_10 = tpu.memref_slice %arg10[%mul3A_2, %dma_start3A] : memref<10240x128xf32, #tpu.memory_space<vmem_shared>> -> memref<640x128xf32, #tpu.memory_space<vmem_shared>>
      tpu.enqueue_dma source(%arg5 : memref<640x128xf32, #tpu.memory_space<hbm>>) target(%dma_start3A_10 : memref<640x128xf32, #tpu.memory_space<vmem_shared>>) target_semaphore(%run_scoped3A : memref<!tpu.dma_semaphore, #tpu.memory_space<semaphore_mem>>)
      %dma_wait3A = arith.constant 0 : i32
      %dma_wait3A_11 = tpu.memref_slice %arg10[%mul3A_2, %dma_wait3A] : memref<10240x128xf32, #tpu.memory_space<vmem_shared>> -> memref<640x128xf32, #tpu.memory_space<vmem_shared>>
      tpu.wait_dma2 semaphore(%run_scoped3A : memref<!tpu.dma_semaphore, #tpu.memory_space<semaphore_mem>>) src(%arg5 : memref<640x128xf32, #tpu.memory_space<hbm>>) dst(%dma_wait3A_11 : memref<640x128xf32, #tpu.memory_space<vmem_shared>>)
      tpu.yield
    }) : () -> ()
    %barrier3A = arith.constant 0 : index
    tpu.barrier barrier_id(%barrier3A)
    %mul3A_3 = arith.constant 5120 : i32
    %mul3A_4 = arith.muli %add3A, %mul3A_3 : i32
    %scan3A = arith.constant 0 : i32
    %scan3A_5 = arith.constant 40 : i32
    %scan3A_6 = arith.addi %scan3A, %scan3A_5 : i32
    %scan3A_7 = arith.constant 1 : i32
    scf.for %scan3A_10 = %scan3A to %scan3A_6 step %scan3A_7  : i32 {
      %mul3A_11 = arith.constant 128 : i32
      %mul3A_12 = arith.muli %scan3A_10, %mul3A_11 : i32
      %add3A_13 = arith.addi %mul3A_4, %mul3A_12 : i32
      "tpu.region"() ({
        %run_scoped3A = tpu.sem_alloc : memref<!tpu.dma_semaphore, #tpu.memory_space<semaphore_mem>>
        %dma_start3A_18 = tpu.memref_slice %arg3[%add3A_13] : memref<163840xi32, #tpu.memory_space<hbm>> -> memref<128xi32, #tpu.memory_space<hbm>>
        %dma_start3A_19 = tpu.memref_slice %arg3[%add3A_13] : memref<163840xi32, #tpu.memory_space<hbm>> -> memref<128xi32, #tpu.memory_space<hbm>>
        tpu.enqueue_dma source(%dma_start3A_19 : memref<128xi32, #tpu.memory_space<hbm>>) target(%arg7 : memref<128xi32, #tpu.memory_space<vmem>>) target_semaphore(%run_scoped3A : memref<!tpu.dma_semaphore, #tpu.memory_space<semaphore_mem>>)
        %dma_wait3A_20 = tpu.memref_slice %arg3[%add3A_13] : memref<163840xi32, #tpu.memory_space<hbm>> -> memref<128xi32, #tpu.memory_space<hbm>>
        %dma_wait3A_21 = tpu.memref_slice %arg3[%add3A_13] : memref<163840xi32, #tpu.memory_space<hbm>> -> memref<128xi32, #tpu.memory_space<hbm>>
        tpu.wait_dma2 semaphore(%run_scoped3A : memref<!tpu.dma_semaphore, #tpu.memory_space<semaphore_mem>>) src(%dma_wait3A_21 : memref<128xi32, #tpu.memory_space<hbm>>) dst(%arg7 : memref<128xi32, #tpu.memory_space<vmem>>)
        tpu.yield
      }) : () -> ()
      "tpu.region"() ({
        %run_scoped3A = tpu.sem_alloc : memref<!tpu.dma_semaphore, #tpu.memory_space<semaphore_mem>>
        %dma_start3A_18 = tpu.memref_slice %arg4[%add3A_13] : memref<163840xi32, #tpu.memory_space<hbm>> -> memref<128xi32, #tpu.memory_space<hbm>>
        %dma_start3A_19 = tpu.memref_slice %arg4[%add3A_13] : memref<163840xi32, #tpu.memory_space<hbm>> -> memref<128xi32, #tpu.memory_space<hbm>>
        tpu.enqueue_dma source(%dma_start3A_19 : memref<128xi32, #tpu.memory_space<hbm>>) target(%arg8 : memref<128xi32, #tpu.memory_space<vmem>>) target_semaphore(%run_scoped3A : memref<!tpu.dma_semaphore, #tpu.memory_space<semaphore_mem>>)
        %dma_wait3A_20 = tpu.memref_slice %arg4[%add3A_13] : memref<163840xi32, #tpu.memory_space<hbm>> -> memref<128xi32, #tpu.memory_space<hbm>>
        %dma_wait3A_21 = tpu.memref_slice %arg4[%add3A_13] : memref<163840xi32, #tpu.memory_space<hbm>> -> memref<128xi32, #tpu.memory_space<hbm>>
        tpu.wait_dma2 semaphore(%run_scoped3A : memref<!tpu.dma_semaphore, #tpu.memory_space<semaphore_mem>>) src(%dma_wait3A_21 : memref<128xi32, #tpu.memory_space<hbm>>) dst(%arg8 : memref<128xi32, #tpu.memory_space<vmem>>)
        tpu.yield
      }) : () -> ()
      %dma_start3A = arith.constant 0 : i32
      %dma_start3A_14 = arith.constant 0 : i32
      %dma_start3A_15 = tpu.memref_slice %arg2[%dma_start3A, %dma_start3A_14] : memref<10240x128xf32, #tpu.memory_space<hbm>> -> memref<10240x128xf32, #tpu.memory_space<hbm>>
      tpu.enqueue_indirect_dma source(%dma_start3A_15 : memref<10240x128xf32, #tpu.memory_space<hbm>>) target(%arg9 : memref<128x128xf32, #tpu.memory_space<vmem>>) offsets(%arg7 : memref<128xi32, #tpu.memory_space<vmem>>) semaphore(%arg11 : memref<!tpu.dma_semaphore, #tpu.memory_space<semaphore_mem>>)
      %dma_wait3A = arith.constant 0 : i32
      %dma_wait3A_16 = arith.constant 0 : i32
      %dma_wait3A_17 = tpu.memref_slice %arg2[%dma_wait3A, %dma_wait3A_16] : memref<10240x128xf32, #tpu.memory_space<hbm>> -> memref<10240x128xf32, #tpu.memory_space<hbm>>
      tpu.wait_indirect_dma semaphore(%arg11 : memref<!tpu.dma_semaphore, #tpu.memory_space<semaphore_mem>>) src(%dma_wait3A_17 : memref<10240x128xf32, #tpu.memory_space<hbm>>) dst(%arg9 : memref<128x128xf32, #tpu.memory_space<vmem>>)
      "tpu.region"() ({
        %run_scoped3A = tpu.sem_alloc : memref<!tpu.dma_semaphore, #tpu.memory_space<semaphore_mem>>
        %dma_start3A_18 = arith.constant 0 : i32
        %dma_start3A_19 = arith.constant 0 : i32
        %dma_start3A_20 = tpu.memref_slice %arg10[%dma_start3A_18, %dma_start3A_19] : memref<10240x128xf32, #tpu.memory_space<vmem_shared>> -> memref<10240x128xf32, #tpu.memory_space<vmem_shared>>
        tpu.enqueue_indirect_dma source(%arg9 : memref<128x128xf32, #tpu.memory_space<vmem>>) target(%dma_start3A_20 : memref<10240x128xf32, #tpu.memory_space<vmem_shared>>) offsets(%arg8 : memref<128xi32, #tpu.memory_space<vmem>>) semaphore(%run_scoped3A : memref<!tpu.dma_semaphore, #tpu.memory_space<semaphore_mem>>) {add = true}
        %dma_wait3A_21 = arith.constant 0 : i32
        %dma_wait3A_22 = arith.constant 0 : i32
        %dma_wait3A_23 = tpu.memref_slice %arg10[%dma_wait3A_21, %dma_wait3A_22] : memref<10240x128xf32, #tpu.memory_space<vmem_shared>> -> memref<10240x128xf32, #tpu.memory_space<vmem_shared>>
        tpu.wait_indirect_dma semaphore(%run_scoped3A : memref<!tpu.dma_semaphore, #tpu.memory_space<semaphore_mem>>) src(%arg9 : memref<128x128xf32, #tpu.memory_space<vmem>>) dst(%dma_wait3A_23 : memref<10240x128xf32, #tpu.memory_space<vmem_shared>>)
        tpu.yield
      }) : () -> ()
    }
    %scan3A_8 = arith.constant 40 : i32
    %barrier3A_9 = arith.constant 0 : index
    tpu.barrier barrier_id(%barrier3A_9)
    "tpu.region"() ({
      %run_scoped3A = tpu.sem_alloc : memref<!tpu.dma_semaphore, #tpu.memory_space<semaphore_mem>>
      %dma_start3A = arith.constant 0 : i32
      %dma_start3A_10 = tpu.memref_slice %arg6[%arg0, %mul3A_2, %dma_start3A] : memref<2x10240x128xf32, #tpu.memory_space<hbm>> -> memref<1x640x128xf32, #tpu.memory_space<hbm>>
      %dma_start3A_11 = tpu.memref_squeeze %dma_start3A_10 : memref<1x640x128xf32, #tpu.memory_space<hbm>> -> memref<640x128xf32, #tpu.memory_space<hbm>>
      %dma_start3A_12 = arith.constant 0 : i32
      %dma_start3A_13 = tpu.memref_slice %arg10[%mul3A_2, %dma_start3A_12] : memref<10240x128xf32, #tpu.memory_space<vmem_shared>> -> memref<640x128xf32, #tpu.memory_space<vmem_shared>>
      tpu.enqueue_dma source(%dma_start3A_13 : memref<640x128xf32, #tpu.memory_space<vmem_shared>>) target(%dma_start3A_11 : memref<640x128xf32, #tpu.memory_space<hbm>>) target_semaphore(%run_scoped3A : memref<!tpu.dma_semaphore, #tpu.memory_space<semaphore_mem>>)
      %dma_wait3A = arith.constant 0 : i32
      %dma_wait3A_14 = tpu.memref_slice %arg6[%arg0, %mul3A_2, %dma_wait3A] : memref<2x10240x128xf32, #tpu.memory_space<hbm>> -> memref<1x640x128xf32, #tpu.memory_space<hbm>>
      %dma_wait3A_15 = tpu.memref_squeeze %dma_wait3A_14 : memref<1x640x128xf32, #tpu.memory_space<hbm>> -> memref<640x128xf32, #tpu.memory_space<hbm>>
      %dma_wait3A_16 = arith.constant 0 : i32
      %dma_wait3A_17 = tpu.memref_slice %arg10[%mul3A_2, %dma_wait3A_16] : memref<10240x128xf32, #tpu.memory_space<vmem_shared>> -> memref<640x128xf32, #tpu.memory_space<vmem_shared>>
      tpu.wait_dma2 semaphore(%run_scoped3A : memref<!tpu.dma_semaphore, #tpu.memory_space<semaphore_mem>>) src(%dma_wait3A_17 : memref<640x128xf32, #tpu.memory_space<vmem_shared>>) dst(%dma_wait3A_15 : memref<640x128xf32, #tpu.memory_space<hbm>>)
      tpu.yield
    }) : () -> ()
    return
  }
}

module attributes {stable_mosaic.version = 14 : i64} {
  func.func @body(%arg0: i32, %arg1: memref<1024x128xf32, #tpu.memory_space<vmem>>, %arg2: memref<1024x128xf32, #tpu.memory_space<vmem>>, %arg3: memref<1024x128xf32, #tpu.memory_space<vmem>>, %arg4: memref<1024x1xf32, #tpu.memory_space<vmem>>, %arg5: memref<1024x1xf32, #tpu.memory_space<vmem>>, %arg6: memref<128x128xf32, #tpu.memory_space<vmem>>, %arg7: memref<1x128xf32, #tpu.memory_space<vmem>>, %arg8: memref<1024x128xf32, #tpu.memory_space<vmem>>, %arg9: memref<1024x1xf32, #tpu.memory_space<vmem>>) attributes {dimension_semantics = [#tpu.dimension_semantics<arbitrary>], iteration_bounds = array<i64: 10>, scalar_prefetch = 0 : i64, scratch_operands = 0 : i64, tpu.core_type = #tpu.core_type<tc>, window_params = [{transform_indices = @transform_0, window_bounds = array<i64: 1024, 128>}, {transform_indices = @transform_1, window_bounds = array<i64: 1024, 128>}, {transform_indices = @transform_2, window_bounds = array<i64: 1024, 128>}, {transform_indices = @transform_3, window_bounds = array<i64: 1024, 1>}, {transform_indices = @transform_4, window_bounds = array<i64: 1024, 1>}, {pipeline_mode = #tpu.pipeline_mode<synchronous>, transform_indices = @transform_5, window_bounds = array<i64: 128, 128>}, {pipeline_mode = #tpu.pipeline_mode<synchronous>, transform_indices = @transform_6, window_bounds = array<i64: 1, 128>}, {transform_indices = @transform_7, window_bounds = array<i64: 1024, 128>}, {transform_indices = @transform_8, window_bounds = array<i64: 1024, 1>}]} {
    %get3A = arith.constant 0 : index
    %get3A_0 = arith.constant 0 : index
    %get3A_1 = vector.load %arg4[%get3A, %get3A_0] : memref<1024x1xf32, #tpu.memory_space<vmem>>, vector<1024x1xf32>
    %get3A_2 = arith.constant 0 : index
    %get3A_3 = arith.constant 0 : index
    %get3A_4 = vector.load %arg5[%get3A_2, %get3A_3] : memref<1024x1xf32, #tpu.memory_space<vmem>>, vector<1024x1xf32>
    %add3A = arith.addf %get3A_1, %get3A_4 : vector<1024x1xf32>
    %max3A = arith.constant 1.000000e+00 : f32
    %max3A_5 = vector.broadcast %max3A : f32 to vector<1024x1xf32>
    %max3A_6 = arith.maximumf %add3A, %max3A_5 : vector<1024x1xf32>
    %div3A = arith.constant 1.000000e+00 : f32
    %div3A_7 = vector.broadcast %div3A : f32 to vector<1024x1xf32>
    %div3A_8 = arith.divf %div3A_7, %max3A_6 : vector<1024x1xf32>
    %get3A_9 = arith.constant 0 : index
    %get3A_10 = arith.constant 0 : index
    %get3A_11 = vector.load %arg2[%get3A_9, %get3A_10] : memref<1024x128xf32, #tpu.memory_space<vmem>>, vector<1024x128xf32>
    %get3A_12 = arith.constant 0 : index
    %get3A_13 = arith.constant 0 : index
    %get3A_14 = vector.load %arg3[%get3A_12, %get3A_13] : memref<1024x128xf32, #tpu.memory_space<vmem>>, vector<1024x128xf32>
    %add3A_15 = arith.addf %get3A_11, %get3A_14 : vector<1024x128xf32>
    %mul3A = vector.broadcast %div3A_8 : vector<1024x1xf32> to vector<1024x128xf32>
    %mul3A_16 = arith.mulf %add3A_15, %mul3A : vector<1024x128xf32>
    %get3A_17 = arith.constant 0 : index
    %get3A_18 = arith.constant 0 : index
    %get3A_19 = vector.load %arg1[%get3A_17, %get3A_18] : memref<1024x128xf32, #tpu.memory_space<vmem>>, vector<1024x128xf32>
    %add3A_20 = arith.addf %get3A_19, %mul3A_16 : vector<1024x128xf32>
    %get3A_21 = arith.constant 0 : index
    %get3A_22 = arith.constant 0 : index
    %get3A_23 = vector.load %arg6[%get3A_21, %get3A_22] : memref<128x128xf32, #tpu.memory_space<vmem>>, vector<128x128xf32>
    %dot_general3A = arith.constant dense<0.000000e+00> : vector<1024x128xf32>
    %dot_general3A_24 = tpu.matmul %add3A_20, %get3A_23, %dot_general3A {dimension_numbers = #tpu.dot_dimension_numbers<[1], [0], [0], [1], [0, 0, 1, 1], [], []>, transpose_lhs_hint = false} : vector<1024x128xf32>, vector<128x128xf32>, vector<1024x128xf32> -> vector<1024x128xf32>
    %get3A_25 = arith.constant 0 : index
    %get3A_26 = arith.constant 0 : index
    %get3A_27 = vector.load %arg7[%get3A_25, %get3A_26] : memref<1x128xf32, #tpu.memory_space<vmem>>, vector<1x128xf32>
    %add3A_28 = vector.broadcast %get3A_27 : vector<1x128xf32> to vector<1024x128xf32>
    %add3A_29 = arith.addf %dot_general3A_24, %add3A_28 : vector<1024x128xf32>
    %max3A_30 = arith.constant 0.000000e+00 : f32
    %max3A_31 = vector.broadcast %max3A_30 : f32 to vector<1024x128xf32>
    %max3A_32 = arith.maximumf %add3A_29, %max3A_31 : vector<1024x128xf32>
    %swap3A = arith.constant 0 : index
    %swap3A_33 = arith.constant 0 : index
    %swap3A_34 = vector.load %arg8[%swap3A, %swap3A_33] : memref<1024x128xf32, #tpu.memory_space<vmem>>, vector<1024x128xf32>
    tpu.vector_store %arg8[%swap3A, %swap3A_33], %max3A_32 {strides = array<i32>} : memref<1024x128xf32, #tpu.memory_space<vmem>>, vector<1024x128xf32>,
    %swap3A_35 = arith.constant 0 : index
    %swap3A_36 = arith.constant 0 : index
    %swap3A_37 = vector.load %arg9[%swap3A_35, %swap3A_36] : memref<1024x1xf32, #tpu.memory_space<vmem>>, vector<1024x1xf32>
    tpu.vector_store %arg9[%swap3A_35, %swap3A_36], %div3A_8 {strides = array<i32>} : memref<1024x1xf32, #tpu.memory_space<vmem>>, vector<1024x1xf32>,
    return
  }
  func.func @transform_0(%arg0: i32) -> (i32, i32) {
    %c0_i32 = arith.constant 0 : i32
    %c0_i32_0 = arith.constant 0 : i32
    return %arg0, %c0_i32 : i32, i32
  }
  func.func @transform_1(%arg0: i32) -> (i32, i32) {
    %c0_i32 = arith.constant 0 : i32
    %c0_i32_0 = arith.constant 0 : i32
    return %arg0, %c0_i32 : i32, i32
  }
  func.func @transform_2(%arg0: i32) -> (i32, i32) {
    %c0_i32 = arith.constant 0 : i32
    %c0_i32_0 = arith.constant 0 : i32
    return %arg0, %c0_i32 : i32, i32
  }
  func.func @transform_3(%arg0: i32) -> (i32, i32) {
    %c0_i32 = arith.constant 0 : i32
    %c0_i32_0 = arith.constant 0 : i32
    return %arg0, %c0_i32 : i32, i32
  }
  func.func @transform_4(%arg0: i32) -> (i32, i32) {
    %c0_i32 = arith.constant 0 : i32
    %c0_i32_0 = arith.constant 0 : i32
    return %arg0, %c0_i32 : i32, i32
  }
  func.func @transform_5(%arg0: i32) -> (i32, i32) {
    %c0_i32 = arith.constant 0 : i32
    %c0_i32_0 = arith.constant 0 : i32
    %c0_i32_1 = arith.constant 0 : i32
    return %c0_i32, %c0_i32_0 : i32, i32
  }
  func.func @transform_6(%arg0: i32) -> (i32, i32) {
    %c0_i32 = arith.constant 0 : i32
    %c0_i32_0 = arith.constant 0 : i32
    %c0_i32_1 = arith.constant 0 : i32
    return %c0_i32, %c0_i32_0 : i32, i32
  }
  func.func @transform_7(%arg0: i32) -> (i32, i32) {
    %c0_i32 = arith.constant 0 : i32
    %c0_i32_0 = arith.constant 0 : i32
    return %arg0, %c0_i32 : i32, i32
  }
  func.func @transform_8(%arg0: i32) -> (i32, i32) {
    %c0_i32 = arith.constant 0 : i32
    %c0_i32_0 = arith.constant 0 : i32
    return %arg0, %c0_i32 : i32, i32
  }
}

module attributes {stable_mosaic.version = 14 : i64} {
  func.func @body(%arg0: i32, %arg1: memref<1024x128xf32, #tpu.memory_space<vmem>>, %arg2: memref<1024x128xf32, #tpu.memory_space<vmem>>, %arg3: memref<1024x128xf32, #tpu.memory_space<vmem>>, %arg4: memref<1024x1xf32, #tpu.memory_space<vmem>>, %arg5: memref<128x128xf32, #tpu.memory_space<vmem>>, %arg6: memref<1x128xf32, #tpu.memory_space<vmem>>, %arg7: memref<128x128xf32, #tpu.memory_space<vmem>>, %arg8: memref<1024x128xf32, #tpu.memory_space<vmem>>, %arg9: memref<1024x1xi32, #tpu.memory_space<vmem>>) attributes {dimension_semantics = [#tpu.dimension_semantics<arbitrary>], iteration_bounds = array<i64: 10>, scalar_prefetch = 0 : i64, scratch_operands = 0 : i64, tpu.core_type = #tpu.core_type<tc>, window_params = [{transform_indices = @transform_0, window_bounds = array<i64: 1024, 128>}, {transform_indices = @transform_1, window_bounds = array<i64: 1024, 128>}, {transform_indices = @transform_2, window_bounds = array<i64: 1024, 128>}, {transform_indices = @transform_3, window_bounds = array<i64: 1024, 1>}, {pipeline_mode = #tpu.pipeline_mode<synchronous>, transform_indices = @transform_4, window_bounds = array<i64: 128, 128>}, {pipeline_mode = #tpu.pipeline_mode<synchronous>, transform_indices = @transform_5, window_bounds = array<i64: 1, 128>}, {pipeline_mode = #tpu.pipeline_mode<synchronous>, transform_indices = @transform_6, window_bounds = array<i64: 128, 128>}, {transform_indices = @transform_7, window_bounds = array<i64: 1024, 128>}, {transform_indices = @transform_8, window_bounds = array<i64: 1024, 1>}]} {
    %get3A = arith.constant 0 : index
    %get3A_0 = arith.constant 0 : index
    %get3A_1 = vector.load %arg2[%get3A, %get3A_0] : memref<1024x128xf32, #tpu.memory_space<vmem>>, vector<1024x128xf32>
    %get3A_2 = arith.constant 0 : index
    %get3A_3 = arith.constant 0 : index
    %get3A_4 = vector.load %arg3[%get3A_2, %get3A_3] : memref<1024x128xf32, #tpu.memory_space<vmem>>, vector<1024x128xf32>
    %add3A = arith.addf %get3A_1, %get3A_4 : vector<1024x128xf32>
    %get3A_5 = arith.constant 0 : index
    %get3A_6 = arith.constant 0 : index
    %get3A_7 = vector.load %arg4[%get3A_5, %get3A_6] : memref<1024x1xf32, #tpu.memory_space<vmem>>, vector<1024x1xf32>
    %mul3A = vector.broadcast %get3A_7 : vector<1024x1xf32> to vector<1024x128xf32>
    %mul3A_8 = arith.mulf %add3A, %mul3A : vector<1024x128xf32>
    %get3A_9 = arith.constant 0 : index
    %get3A_10 = arith.constant 0 : index
    %get3A_11 = vector.load %arg1[%get3A_9, %get3A_10] : memref<1024x128xf32, #tpu.memory_space<vmem>>, vector<1024x128xf32>
    %add3A_12 = arith.addf %get3A_11, %mul3A_8 : vector<1024x128xf32>
    %get3A_13 = arith.constant 0 : index
    %get3A_14 = arith.constant 0 : index
    %get3A_15 = vector.load %arg5[%get3A_13, %get3A_14] : memref<128x128xf32, #tpu.memory_space<vmem>>, vector<128x128xf32>
    %dot_general3A = arith.constant dense<0.000000e+00> : vector<1024x128xf32>
    %dot_general3A_16 = tpu.matmul %add3A_12, %get3A_15, %dot_general3A {dimension_numbers = #tpu.dot_dimension_numbers<[1], [0], [0], [1], [0, 0, 1, 1], [], []>, transpose_lhs_hint = false} : vector<1024x128xf32>, vector<128x128xf32>, vector<1024x128xf32> -> vector<1024x128xf32>
    %get3A_17 = arith.constant 0 : index
    %get3A_18 = arith.constant 0 : index
    %get3A_19 = vector.load %arg6[%get3A_17, %get3A_18] : memref<1x128xf32, #tpu.memory_space<vmem>>, vector<1x128xf32>
    %add3A_20 = vector.broadcast %get3A_19 : vector<1x128xf32> to vector<1024x128xf32>
    %add3A_21 = arith.addf %dot_general3A_16, %add3A_20 : vector<1024x128xf32>
    %max3A = arith.constant 0.000000e+00 : f32
    %max3A_22 = vector.broadcast %max3A : f32 to vector<1024x128xf32>
    %max3A_23 = arith.maximumf %add3A_21, %max3A_22 : vector<1024x128xf32>
    %swap3A = arith.constant 0 : index
    %swap3A_24 = arith.constant 0 : index
    %swap3A_25 = vector.load %arg8[%swap3A, %swap3A_24] : memref<1024x128xf32, #tpu.memory_space<vmem>>, vector<1024x128xf32>
    tpu.vector_store %arg8[%swap3A, %swap3A_24], %max3A_23 {strides = array<i32>} : memref<1024x128xf32, #tpu.memory_space<vmem>>, vector<1024x128xf32>,
    %get3A_26 = arith.constant 0 : index
    %get3A_27 = arith.constant 0 : index
    %get3A_28 = vector.load %arg7[%get3A_26, %get3A_27] : memref<128x128xf32, #tpu.memory_space<vmem>>, vector<128x128xf32>
    %dot_general3A_29 = arith.constant dense<0.000000e+00> : vector<1024x128xf32>
    %dot_general3A_30 = tpu.matmul %max3A_23, %get3A_28, %dot_general3A_29 {dimension_numbers = #tpu.dot_dimension_numbers<[1], [0], [0], [1], [0, 0, 1, 1], [], []>, transpose_lhs_hint = false} : vector<1024x128xf32>, vector<128x128xf32>, vector<1024x128xf32> -> vector<1024x128xf32>
    %iota3A = tpu.iota {dimensions = array<i32: 1>} : vector<1024x128xi32>
    %lt3A = arith.constant 16 : i32
    %lt3A_31 = vector.broadcast %lt3A : i32 to vector<1024x128xi32>
    %lt3A_32 = arith.cmpi slt, %iota3A, %lt3A_31 : vector<1024x128xi32>
    %jit3A = arith.constant -1.000000e+30 : f32
    %broadcast_in_dim3A = vector.broadcast %jit3A : f32 to vector<1024x128xf32>
    %select_n3A = arith.select %lt3A_32, %dot_general3A_30, %broadcast_in_dim3A : vector<1024x128xi1>, vector<1024x128xf32>
    %reduce_max3A = arith.constant dense<0xFF800000> : vector<1024xf32>
    %reduce_max3A_33 = vector.multi_reduction <maximumf>, %select_n3A, %reduce_max3A [1] : vector<1024x128xf32> to vector<1024xf32>
    %broadcast_in_dim3A_34 = vector.shape_cast %reduce_max3A_33 : vector<1024xf32> to vector<1024x1xf32>
    %ge3A = vector.broadcast %broadcast_in_dim3A_34 : vector<1024x1xf32> to vector<1024x128xf32>
    %ge3A_35 = arith.cmpf oge, %select_n3A, %ge3A : vector<1024x128xf32>
    %jit3A_36 = arith.constant 128 : i32
    %broadcast_in_dim3A_37 = vector.broadcast %jit3A_36 : i32 to vector<1024x128xi32>
    %select_n3A_38 = arith.select %ge3A_35, %iota3A, %broadcast_in_dim3A_37 : vector<1024x128xi1>, vector<1024x128xi32>
    %reduce_min3A = arith.constant dense<2147483647> : vector<1024xi32>
    %reduce_min3A_39 = vector.multi_reduction <minsi>, %select_n3A_38, %reduce_min3A [1] : vector<1024x128xi32> to vector<1024xi32>
    %broadcast_in_dim3A_40 = vector.shape_cast %reduce_min3A_39 : vector<1024xi32> to vector<1024x1xi32>
    %swap3A_41 = arith.constant 0 : index
    %swap3A_42 = arith.constant 0 : index
    %swap3A_43 = vector.load %arg9[%swap3A_41, %swap3A_42] : memref<1024x1xi32, #tpu.memory_space<vmem>>, vector<1024x1xi32>
    tpu.vector_store %arg9[%swap3A_41, %swap3A_42], %broadcast_in_dim3A_40 {strides = array<i32>} : memref<1024x1xi32, #tpu.memory_space<vmem>>, vector<1024x1xi32>,
    return
  }
  func.func @transform_0(%arg0: i32) -> (i32, i32) {
    %c0_i32 = arith.constant 0 : i32
    %c0_i32_0 = arith.constant 0 : i32
    return %arg0, %c0_i32 : i32, i32
  }
  func.func @transform_1(%arg0: i32) -> (i32, i32) {
    %c0_i32 = arith.constant 0 : i32
    %c0_i32_0 = arith.constant 0 : i32
    return %arg0, %c0_i32 : i32, i32
  }
  func.func @transform_2(%arg0: i32) -> (i32, i32) {
    %c0_i32 = arith.constant 0 : i32
    %c0_i32_0 = arith.constant 0 : i32
    return %arg0, %c0_i32 : i32, i32
  }
  func.func @transform_3(%arg0: i32) -> (i32, i32) {
    %c0_i32 = arith.constant 0 : i32
    %c0_i32_0 = arith.constant 0 : i32
    return %arg0, %c0_i32 : i32, i32
  }
  func.func @transform_4(%arg0: i32) -> (i32, i32) {
    %c0_i32 = arith.constant 0 : i32
    %c0_i32_0 = arith.constant 0 : i32
    %c0_i32_1 = arith.constant 0 : i32
    return %c0_i32, %c0_i32_0 : i32, i32
  }
  func.func @transform_5(%arg0: i32) -> (i32, i32) {
    %c0_i32 = arith.constant 0 : i32
    %c0_i32_0 = arith.constant 0 : i32
    %c0_i32_1 = arith.constant 0 : i32
    return %c0_i32, %c0_i32_0 : i32, i32
  }
  func.func @transform_6(%arg0: i32) -> (i32, i32) {
    %c0_i32 = arith.constant 0 : i32
    %c0_i32_0 = arith.constant 0 : i32
    %c0_i32_1 = arith.constant 0 : i32
    return %c0_i32, %c0_i32_0 : i32, i32
  }
  func.func @transform_7(%arg0: i32) -> (i32, i32) {
    %c0_i32 = arith.constant 0 : i32
    %c0_i32_0 = arith.constant 0 : i32
    return %arg0, %c0_i32 : i32, i32
  }
  func.func @transform_8(%arg0: i32) -> (i32, i32) {
    %c0_i32 = arith.constant 0 : i32
    %c0_i32_0 = arith.constant 0 : i32
    return %arg0, %c0_i32 : i32, i32
  }
}

module attributes {stable_mosaic.version = 14 : i64} {
  func.func @body(%arg0: i32, %arg1: memref<1024x128xf32, #tpu.memory_space<vmem>>, %arg2: memref<1024x128xf32, #tpu.memory_space<vmem>>, %arg3: memref<1024x128xf32, #tpu.memory_space<vmem>>, %arg4: memref<128x128xf32, #tpu.memory_space<vmem>>, %arg5: memref<3x128x128xf32, #tpu.memory_space<vmem>>, %arg6: memref<1x128xf32, #tpu.memory_space<vmem>>, %arg7: memref<1024x128xf32, #tpu.memory_space<vmem>>) attributes {dimension_semantics = [#tpu.dimension_semantics<arbitrary>], iteration_bounds = array<i64: 10>, scalar_prefetch = 0 : i64, scratch_operands = 0 : i64, tpu.core_type = #tpu.core_type<tc>, window_params = [{transform_indices = @transform_0, window_bounds = array<i64: 1024, 128>}, {transform_indices = @transform_1, window_bounds = array<i64: 1024, 128>}, {transform_indices = @transform_2, window_bounds = array<i64: 1024, 128>}, {pipeline_mode = #tpu.pipeline_mode<synchronous>, transform_indices = @transform_3, window_bounds = array<i64: 128, 128>}, {pipeline_mode = #tpu.pipeline_mode<synchronous>, transform_indices = @transform_4, window_bounds = array<i64: 3, 128, 128>}, {pipeline_mode = #tpu.pipeline_mode<synchronous>, transform_indices = @transform_5, window_bounds = array<i64: 1, 128>}, {transform_indices = @transform_6, window_bounds = array<i64: 1024, 128>}]} {
    %get3A = arith.constant 0 : index
    %get3A_0 = arith.constant 0 : index
    %get3A_1 = vector.load %arg2[%get3A, %get3A_0] : memref<1024x128xf32, #tpu.memory_space<vmem>>, vector<1024x128xf32>
    %get3A_2 = arith.constant 0 : index
    %get3A_3 = arith.constant 0 : index
    %get3A_4 = vector.load %arg3[%get3A_2, %get3A_3] : memref<1024x128xf32, #tpu.memory_space<vmem>>, vector<1024x128xf32>
    %add3A = arith.addf %get3A_1, %get3A_4 : vector<1024x128xf32>
    %get3A_5 = arith.constant 0 : index
    %get3A_6 = arith.constant 0 : index
    %get3A_7 = arith.constant 0 : index
    %get3A_8 = vector.load %arg5[%get3A_5, %get3A_6, %get3A_7] : memref<3x128x128xf32, #tpu.memory_space<vmem>>, vector<3x128x128xf32>
    %slice3A = vector.extract_strided_slice %get3A_8 {offsets = [0, 0, 0], sizes = [1, 128, 128], strides = [1, 1, 1]} : vector<3x128x128xf32> to vector<1x128x128xf32>
    %squeeze3A = vector.shape_cast %slice3A : vector<1x128x128xf32> to vector<128x128xf32>
    %dot_general3A = arith.constant dense<0.000000e+00> : vector<1024x128xf32>
    %dot_general3A_9 = tpu.matmul %add3A, %squeeze3A, %dot_general3A {dimension_numbers = #tpu.dot_dimension_numbers<[1], [0], [0], [1], [0, 0, 1, 1], [], []>, transpose_lhs_hint = false} : vector<1024x128xf32>, vector<128x128xf32>, vector<1024x128xf32> -> vector<1024x128xf32>
    %slice3A_10 = vector.extract_strided_slice %get3A_8 {offsets = [1, 0, 0], sizes = [1, 128, 128], strides = [1, 1, 1]} : vector<3x128x128xf32> to vector<1x128x128xf32>
    %squeeze3A_11 = vector.shape_cast %slice3A_10 : vector<1x128x128xf32> to vector<128x128xf32>
    %dot_general3A_12 = arith.constant dense<0.000000e+00> : vector<1024x128xf32>
    %dot_general3A_13 = tpu.matmul %add3A, %squeeze3A_11, %dot_general3A_12 {dimension_numbers = #tpu.dot_dimension_numbers<[1], [0], [0], [1], [0, 0, 1, 1], [], []>, transpose_lhs_hint = false} : vector<1024x128xf32>, vector<128x128xf32>, vector<1024x128xf32> -> vector<1024x128xf32>
    %add3A_14 = arith.addf %dot_general3A_9, %dot_general3A_13 : vector<1024x128xf32>
    %slice3A_15 = vector.extract_strided_slice %get3A_8 {offsets = [2, 0, 0], sizes = [1, 128, 128], strides = [1, 1, 1]} : vector<3x128x128xf32> to vector<1x128x128xf32>
    %squeeze3A_16 = vector.shape_cast %slice3A_15 : vector<1x128x128xf32> to vector<128x128xf32>
    %dot_general3A_17 = arith.constant dense<0.000000e+00> : vector<1024x128xf32>
    %dot_general3A_18 = tpu.matmul %add3A, %squeeze3A_16, %dot_general3A_17 {dimension_numbers = #tpu.dot_dimension_numbers<[1], [0], [0], [1], [0, 0, 1, 1], [], []>, transpose_lhs_hint = false} : vector<1024x128xf32>, vector<128x128xf32>, vector<1024x128xf32> -> vector<1024x128xf32>
    %add3A_19 = arith.addf %add3A_14, %dot_general3A_18 : vector<1024x128xf32>
    %get3A_20 = arith.constant 0 : index
    %get3A_21 = arith.constant 0 : index
    %get3A_22 = vector.load %arg1[%get3A_20, %get3A_21] : memref<1024x128xf32, #tpu.memory_space<vmem>>, vector<1024x128xf32>
    %get3A_23 = arith.constant 0 : index
    %get3A_24 = arith.constant 0 : index
    %get3A_25 = vector.load %arg4[%get3A_23, %get3A_24] : memref<128x128xf32, #tpu.memory_space<vmem>>, vector<128x128xf32>
    %dot_general3A_26 = arith.constant dense<0.000000e+00> : vector<1024x128xf32>
    %dot_general3A_27 = tpu.matmul %get3A_22, %get3A_25, %dot_general3A_26 {dimension_numbers = #tpu.dot_dimension_numbers<[1], [0], [0], [1], [0, 0, 1, 1], [], []>, transpose_lhs_hint = false} : vector<1024x128xf32>, vector<128x128xf32>, vector<1024x128xf32> -> vector<1024x128xf32>
    %div3A = arith.constant 3.000000e+00 : f32
    %div3A_28 = vector.broadcast %div3A : f32 to vector<1024x128xf32>
    %div3A_29 = arith.divf %add3A_19, %div3A_28 : vector<1024x128xf32>
    %add3A_30 = arith.addf %dot_general3A_27, %div3A_29 : vector<1024x128xf32>
    %get3A_31 = arith.constant 0 : index
    %get3A_32 = arith.constant 0 : index
    %get3A_33 = vector.load %arg6[%get3A_31, %get3A_32] : memref<1x128xf32, #tpu.memory_space<vmem>>, vector<1x128xf32>
    %add3A_34 = vector.broadcast %get3A_33 : vector<1x128xf32> to vector<1024x128xf32>
    %add3A_35 = arith.addf %add3A_30, %add3A_34 : vector<1024x128xf32>
    %max3A = arith.constant 0.000000e+00 : f32
    %max3A_36 = vector.broadcast %max3A : f32 to vector<1024x128xf32>
    %max3A_37 = arith.maximumf %add3A_35, %max3A_36 : vector<1024x128xf32>
    %swap3A = arith.constant 0 : index
    %swap3A_38 = arith.constant 0 : index
    %swap3A_39 = vector.load %arg7[%swap3A, %swap3A_38] : memref<1024x128xf32, #tpu.memory_space<vmem>>, vector<1024x128xf32>
    tpu.vector_store %arg7[%swap3A, %swap3A_38], %max3A_37 {strides = array<i32>} : memref<1024x128xf32, #tpu.memory_space<vmem>>, vector<1024x128xf32>,
    return
  }
  func.func @transform_0(%arg0: i32) -> (i32, i32) {
    %c0_i32 = arith.constant 0 : i32
    %c0_i32_0 = arith.constant 0 : i32
    return %arg0, %c0_i32 : i32, i32
  }
  func.func @transform_1(%arg0: i32) -> (i32, i32) {
    %c0_i32 = arith.constant 0 : i32
    %c0_i32_0 = arith.constant 0 : i32
    return %arg0, %c0_i32 : i32, i32
  }
  func.func @transform_2(%arg0: i32) -> (i32, i32) {
    %c0_i32 = arith.constant 0 : i32
    %c0_i32_0 = arith.constant 0 : i32
    return %arg0, %c0_i32 : i32, i32
  }
  func.func @transform_3(%arg0: i32) -> (i32, i32) {
    %c0_i32 = arith.constant 0 : i32
    %c0_i32_0 = arith.constant 0 : i32
    %c0_i32_1 = arith.constant 0 : i32
    return %c0_i32, %c0_i32_0 : i32, i32
  }
  func.func @transform_4(%arg0: i32) -> (i32, i32, i32) {
    %c0_i32 = arith.constant 0 : i32
    %c0_i32_0 = arith.constant 0 : i32
    %c0_i32_1 = arith.constant 0 : i32
    %c0_i32_2 = arith.constant 0 : i32
    return %c0_i32, %c0_i32_0, %c0_i32_1 : i32, i32, i32
  }
  func.func @transform_5(%arg0: i32) -> (i32, i32) {
    %c0_i32 = arith.constant 0 : i32
    %c0_i32_0 = arith.constant 0 : i32
    %c0_i32_1 = arith.constant 0 : i32
    return %c0_i32, %c0_i32_0 : i32, i32
  }
  func.func @transform_6(%arg0: i32) -> (i32, i32) {
    %c0_i32 = arith.constant 0 : i32
    %c0_i32_0 = arith.constant 0 : i32
    return %arg0, %c0_i32 : i32, i32
  }
}

module attributes {stable_mosaic.version = 14 : i64} {
  func.func @body(%arg0: i32, %arg1: memref<1024x128xf32, #tpu.memory_space<vmem>>, %arg2: memref<1024x128xf32, #tpu.memory_space<vmem>>, %arg3: memref<1024x128xf32, #tpu.memory_space<vmem>>, %arg4: memref<128x1xf32, #tpu.memory_space<vmem>>, %arg5: memref<128x128xf32, #tpu.memory_space<vmem>>, %arg6: memref<1024x1xi32, #tpu.memory_space<vmem>>, %arg7: memref<1024x128xf32, #tpu.memory_space<vmem>>, %arg8: memref<1024x128xf32, #tpu.memory_space<vmem>>, %arg9: memref<8x64xf32, #tpu.memory_space<vmem>>, %arg10: memref<8x64xf32, #tpu.memory_space<vmem>>) attributes {dimension_semantics = [#tpu.dimension_semantics<arbitrary>], iteration_bounds = array<i64: 10>, scalar_prefetch = 0 : i64, scratch_operands = 1 : i64, tpu.core_type = #tpu.core_type<tc>, window_params = [{transform_indices = @transform_0, window_bounds = array<i64: 1024, 128>}, {transform_indices = @transform_1, window_bounds = array<i64: 1024, 128>}, {transform_indices = @transform_2, window_bounds = array<i64: 1024, 128>}, {pipeline_mode = #tpu.pipeline_mode<synchronous>, transform_indices = @transform_3, window_bounds = array<i64: 128, 1>}, {pipeline_mode = #tpu.pipeline_mode<synchronous>, transform_indices = @transform_4, window_bounds = array<i64: 128, 128>}, {transform_indices = @transform_5, window_bounds = array<i64: 1024, 1>}, {transform_indices = @transform_6, window_bounds = array<i64: 1024, 128>}, {transform_indices = @transform_7, window_bounds = array<i64: 1024, 128>}, {pipeline_mode = #tpu.pipeline_mode<synchronous>, transform_indices = @transform_8, window_bounds = array<i64: 8, 64>}]} {
    %get3A = arith.constant 0 : index
    %get3A_0 = arith.constant 0 : index
    %get3A_1 = vector.load %arg4[%get3A, %get3A_0] : memref<128x1xf32, #tpu.memory_space<vmem>>, vector<128x1xf32>
    %mul3A = arith.mulf %get3A_1, %get3A_1 : vector<128x1xf32>
    %reduce_sum3A = vector.shape_cast %mul3A : vector<128x1xf32> to vector<1x128x1xf32>
    %reduce_sum3A_2 = arith.constant dense<0.000000e+00> : vector<1xf32>
    %reduce_sum3A_3 = vector.multi_reduction <add>, %reduce_sum3A, %reduce_sum3A_2 [1, 2] : vector<1x128x1xf32> to vector<1xf32>
    %reduce_sum3A_4 = vector.shape_cast %reduce_sum3A_3 : vector<1xf32> to vector<1x1x1xf32>
    %reduce_sum3A_5 = vector.extract %reduce_sum3A_4[0, 0, 0] : f32 from vector<1x1x1xf32>
    %sqrt3A = math.sqrt %reduce_sum3A_5 : f32
    %add3A = arith.constant 9.99999971E-10 : f32
    %add3A_6 = arith.addf %sqrt3A, %add3A : f32
    %div3A = arith.constant 1.000000e+00 : f32
    %div3A_7 = arith.divf %div3A, %add3A_6 : f32
    %mul3A_8 = vector.broadcast %div3A_7 : f32 to vector<128x1xf32>
    %mul3A_9 = arith.mulf %get3A_1, %mul3A_8 : vector<128x1xf32>
    %get3A_10 = arith.constant 0 : index
    %get3A_11 = arith.constant 0 : index
    %get3A_12 = vector.load %arg1[%get3A_10, %get3A_11] : memref<1024x128xf32, #tpu.memory_space<vmem>>, vector<1024x128xf32>
    %get3A_13 = arith.constant 0 : index
    %get3A_14 = arith.constant 0 : index
    %get3A_15 = vector.load %arg2[%get3A_13, %get3A_14] : memref<1024x128xf32, #tpu.memory_space<vmem>>, vector<1024x128xf32>
    %get3A_16 = arith.constant 0 : index
    %get3A_17 = arith.constant 0 : index
    %get3A_18 = vector.load %arg3[%get3A_16, %get3A_17] : memref<1024x128xf32, #tpu.memory_space<vmem>>, vector<1024x128xf32>
    %dot_general3A = arith.constant dense<0.000000e+00> : vector<1024x1xf32>
    %dot_general3A_19 = tpu.matmul %get3A_12, %mul3A_9, %dot_general3A {dimension_numbers = #tpu.dot_dimension_numbers<[1], [0], [0], [1], [0, 0, 1, 1], [], []>, precision = #tpu.contract_precision<fp32>, transpose_lhs_hint = false} : vector<1024x128xf32>, vector<128x1xf32>, vector<1024x1xf32> -> vector<1024x1xf32>
    %tanh3A = math.tanh %dot_general3A_19 : vector<1024x1xf32>
    %dot_general3A_20 = arith.constant dense<0.000000e+00> : vector<1024x1xf32>
    %dot_general3A_21 = tpu.matmul %get3A_15, %mul3A_9, %dot_general3A_20 {dimension_numbers = #tpu.dot_dimension_numbers<[1], [0], [0], [1], [0, 0, 1, 1], [], []>, precision = #tpu.contract_precision<fp32>, transpose_lhs_hint = false} : vector<1024x128xf32>, vector<128x1xf32>, vector<1024x1xf32> -> vector<1024x1xf32>
    %tanh3A_22 = math.tanh %dot_general3A_21 : vector<1024x1xf32>
    %dot_general3A_23 = arith.constant dense<0.000000e+00> : vector<1024x1xf32>
    %dot_general3A_24 = tpu.matmul %get3A_18, %mul3A_9, %dot_general3A_23 {dimension_numbers = #tpu.dot_dimension_numbers<[1], [0], [0], [1], [0, 0, 1, 1], [], []>, precision = #tpu.contract_precision<fp32>, transpose_lhs_hint = false} : vector<1024x128xf32>, vector<128x1xf32>, vector<1024x1xf32> -> vector<1024x1xf32>
    %tanh3A_25 = math.tanh %dot_general3A_24 : vector<1024x1xf32>
    %max3A = arith.maximumf %tanh3A, %tanh3A_22 : vector<1024x1xf32>
    %max3A_26 = arith.maximumf %max3A, %tanh3A_25 : vector<1024x1xf32>
    %sub3A = arith.subf %tanh3A, %max3A_26 : vector<1024x1xf32>
    %exp3A = math.exp %sub3A : vector<1024x1xf32>
    %sub3A_27 = arith.subf %tanh3A_22, %max3A_26 : vector<1024x1xf32>
    %exp3A_28 = math.exp %sub3A_27 : vector<1024x1xf32>
    %sub3A_29 = arith.subf %tanh3A_25, %max3A_26 : vector<1024x1xf32>
    %exp3A_30 = math.exp %sub3A_29 : vector<1024x1xf32>
    %add3A_31 = arith.addf %exp3A, %exp3A_28 : vector<1024x1xf32>
    %add3A_32 = arith.addf %add3A_31, %exp3A_30 : vector<1024x1xf32>
    %div3A_33 = arith.divf %exp3A, %add3A_32 : vector<1024x1xf32>
    %mul3A_34 = vector.broadcast %div3A_33 : vector<1024x1xf32> to vector<1024x128xf32>
    %mul3A_35 = arith.mulf %mul3A_34, %get3A_12 : vector<1024x128xf32>
    %div3A_36 = arith.divf %exp3A_28, %add3A_32 : vector<1024x1xf32>
    %mul3A_37 = vector.broadcast %div3A_36 : vector<1024x1xf32> to vector<1024x128xf32>
    %mul3A_38 = arith.mulf %mul3A_37, %get3A_15 : vector<1024x128xf32>
    %add3A_39 = arith.addf %mul3A_35, %mul3A_38 : vector<1024x128xf32>
    %div3A_40 = arith.divf %exp3A_30, %add3A_32 : vector<1024x1xf32>
    %mul3A_41 = vector.broadcast %div3A_40 : vector<1024x1xf32> to vector<1024x128xf32>
    %mul3A_42 = arith.mulf %mul3A_41, %get3A_18 : vector<1024x128xf32>
    %add3A_43 = arith.addf %add3A_39, %mul3A_42 : vector<1024x128xf32>
    %swap3A = arith.constant 0 : index
    %swap3A_44 = arith.constant 0 : index
    %swap3A_45 = vector.load %arg7[%swap3A, %swap3A_44] : memref<1024x128xf32, #tpu.memory_space<vmem>>, vector<1024x128xf32>
    tpu.vector_store %arg7[%swap3A, %swap3A_44], %add3A_43 {strides = array<i32>} : memref<1024x128xf32, #tpu.memory_space<vmem>>, vector<1024x128xf32>,
    %get3A_46 = arith.constant 0 : index
    %get3A_47 = arith.constant 0 : index
    %get3A_48 = vector.load %arg5[%get3A_46, %get3A_47] : memref<128x128xf32, #tpu.memory_space<vmem>>, vector<128x128xf32>
    %dot_general3A_49 = arith.constant dense<0.000000e+00> : vector<1024x128xf32>
    %dot_general3A_50 = tpu.matmul %add3A_43, %get3A_48, %dot_general3A_49 {dimension_numbers = #tpu.dot_dimension_numbers<[1], [0], [0], [1], [0, 0, 1, 1], [], []>, transpose_lhs_hint = false} : vector<1024x128xf32>, vector<128x128xf32>, vector<1024x128xf32> -> vector<1024x128xf32>
    %iota3A = tpu.iota {dimensions = array<i32: 0>} : vector<1024x128xi32>
    %mul3A_51 = arith.constant 1024 : i32
    %mul3A_52 = arith.muli %arg0, %mul3A_51 : i32
    %add3A_53 = vector.broadcast %mul3A_52 : i32 to vector<1024x128xi32>
    %add3A_54 = arith.addi %iota3A, %add3A_53 : vector<1024x128xi32>
    %iota3A_55 = tpu.iota {dimensions = array<i32: 1>} : vector<1024x128xi32>
    %lt3A = arith.constant 10000 : i32
    %lt3A_56 = vector.broadcast %lt3A : i32 to vector<1024x128xi32>
    %lt3A_57 = arith.cmpi slt, %add3A_54, %lt3A_56 : vector<1024x128xi32>
    %lt3A_58 = arith.constant 4 : i32
    %lt3A_59 = vector.broadcast %lt3A_58 : i32 to vector<1024x128xi32>
    %lt3A_60 = arith.cmpi slt, %iota3A_55, %lt3A_59 : vector<1024x128xi32>
    %and3A = arith.andi %lt3A_57, %lt3A_60 : vector<1024x128xi1>
    %jit3A = arith.constant -1.000000e+30 : f32
    %broadcast_in_dim3A = vector.broadcast %jit3A : f32 to vector<1024x128xf32>
    %select_n3A = arith.select %and3A, %dot_general3A_50, %broadcast_in_dim3A : vector<1024x128xi1>, vector<1024x128xf32>
    %swap3A_61 = arith.constant 0 : index
    %swap3A_62 = arith.constant 0 : index
    %swap3A_63 = vector.load %arg8[%swap3A_61, %swap3A_62] : memref<1024x128xf32, #tpu.memory_space<vmem>>, vector<1024x128xf32>
    tpu.vector_store %arg8[%swap3A_61, %swap3A_62], %select_n3A {strides = array<i32>} : memref<1024x128xf32, #tpu.memory_space<vmem>>, vector<1024x128xf32>,
    %eq3A = arith.constant 0 : i32
    %eq3A_64 = arith.cmpi eq, %arg0, %eq3A : i32
    %convert_element_type3A = arith.extui %eq3A_64 : i1 to i32
    %cond3A = arith.constant 0 : i32
    %cond3A_65 = arith.cmpi ne, %convert_element_type3A, %cond3A : i32
    scf.if %cond3A_65 {
      %broadcast_in_dim3A_140 = arith.constant -1.000000e+30 : f32
      %broadcast_in_dim3A_141 = vector.broadcast %broadcast_in_dim3A_140 : f32 to vector<8x64xf32>
      %swap3A_142 = arith.constant 0 : index
      %swap3A_143 = arith.constant 0 : index
      %swap3A_144 = vector.load %arg10[%swap3A_142, %swap3A_143] : memref<8x64xf32, #tpu.memory_space<vmem>>, vector<8x64xf32>
      tpu.vector_store %arg10[%swap3A_142, %swap3A_143], %broadcast_in_dim3A_141 {strides = array<i32>} : memref<8x64xf32, #tpu.memory_space<vmem>>, vector<8x64xf32>,
    } else {
    }
    %get3A_66 = arith.constant 0 : index
    %get3A_67 = arith.constant 0 : index
    %get3A_68 = vector.load %arg6[%get3A_66, %get3A_67] : memref<1024x1xi32, #tpu.memory_space<vmem>>, vector<1024x1xi32>
    %iota3A_69 = tpu.iota {dimensions = array<i32: 1>} : vector<1024x64xi32>
    %eq3A_70 = vector.broadcast %get3A_68 : vector<1024x1xi32> to vector<1024x64xi32>
    %eq3A_71 = arith.cmpi eq, %eq3A_70, %iota3A_69 : vector<1024x64xi32>
    %slice3A = vector.extract_strided_slice %select_n3A {offsets = [0, 0], sizes = [1024, 1], strides = [1, 1]} : vector<1024x128xf32> to vector<1024x1xf32>
    %broadcast_in_dim3A_72 = vector.shape_cast %slice3A : vector<1024x1xf32> to vector<1024x1xf32>
    %broadcast_in_dim3A_73 = vector.broadcast %broadcast_in_dim3A_72 : vector<1024x1xf32> to vector<1024x64xf32>
    %jit3A_74 = arith.constant -1.000000e+30 : f32
    %broadcast_in_dim3A_75 = vector.broadcast %jit3A_74 : f32 to vector<1024x64xf32>
    %select_n3A_76 = arith.select %eq3A_71, %broadcast_in_dim3A_73, %broadcast_in_dim3A_75 : vector<1024x64xi1>, vector<1024x64xf32>
    %reduce_max3A = arith.constant dense<0xFF800000> : vector<64xf32>
    %reduce_max3A_77 = vector.multi_reduction <maximumf>, %select_n3A_76, %reduce_max3A [0] : vector<1024x64xf32> to vector<64xf32>
    %broadcast_in_dim3A_78 = vector.shape_cast %reduce_max3A_77 : vector<64xf32> to vector<1x64xf32>
    %get3A_79 = arith.constant 0 : index
    %get3A_80 = arith.constant 0 : index
    %get3A_81 = vector.load %arg10[%get3A_79, %get3A_80] : memref<8x64xf32, #tpu.memory_space<vmem>>, vector<1x64xf32>
    %max3A_82 = arith.maximumf %get3A_81, %broadcast_in_dim3A_78 : vector<1x64xf32>
    %swap3A_83 = arith.constant 0 : index
    %swap3A_84 = arith.constant 0 : index
    %swap3A_85 = vector.load %arg10[%swap3A_83, %swap3A_84] : memref<8x64xf32, #tpu.memory_space<vmem>>, vector<1x64xf32>
    tpu.vector_store %arg10[%swap3A_83, %swap3A_84], %max3A_82 {strides = array<i32>} : memref<8x64xf32, #tpu.memory_space<vmem>>, vector<1x64xf32>,
    %slice3A_86 = vector.extract_strided_slice %select_n3A {offsets = [0, 1], sizes = [1024, 1], strides = [1, 1]} : vector<1024x128xf32> to vector<1024x1xf32>
    %broadcast_in_dim3A_87 = vector.shape_cast %slice3A_86 : vector<1024x1xf32> to vector<1024x1xf32>
    %broadcast_in_dim3A_88 = vector.broadcast %broadcast_in_dim3A_87 : vector<1024x1xf32> to vector<1024x64xf32>
    %jit3A_89 = arith.constant -1.000000e+30 : f32
    %broadcast_in_dim3A_90 = vector.broadcast %jit3A_89 : f32 to vector<1024x64xf32>
    %select_n3A_91 = arith.select %eq3A_71, %broadcast_in_dim3A_88, %broadcast_in_dim3A_90 : vector<1024x64xi1>, vector<1024x64xf32>
    %reduce_max3A_92 = arith.constant dense<0xFF800000> : vector<64xf32>
    %reduce_max3A_93 = vector.multi_reduction <maximumf>, %select_n3A_91, %reduce_max3A_92 [0] : vector<1024x64xf32> to vector<64xf32>
    %broadcast_in_dim3A_94 = vector.shape_cast %reduce_max3A_93 : vector<64xf32> to vector<1x64xf32>
    %get3A_95 = arith.constant 1 : index
    %get3A_96 = arith.constant 0 : index
    %get3A_97 = vector.load %arg10[%get3A_95, %get3A_96] : memref<8x64xf32, #tpu.memory_space<vmem>>, vector<1x64xf32>
    %max3A_98 = arith.maximumf %get3A_97, %broadcast_in_dim3A_94 : vector<1x64xf32>
    %swap3A_99 = arith.constant 1 : index
    %swap3A_100 = arith.constant 0 : index
    %swap3A_101 = vector.load %arg10[%swap3A_99, %swap3A_100] : memref<8x64xf32, #tpu.memory_space<vmem>>, vector<1x64xf32>
    tpu.vector_store %arg10[%swap3A_99, %swap3A_100], %max3A_98 {strides = array<i32>} : memref<8x64xf32, #tpu.memory_space<vmem>>, vector<1x64xf32>,
    %slice3A_102 = vector.extract_strided_slice %select_n3A {offsets = [0, 2], sizes = [1024, 1], strides = [1, 1]} : vector<1024x128xf32> to vector<1024x1xf32>
    %broadcast_in_dim3A_103 = vector.shape_cast %slice3A_102 : vector<1024x1xf32> to vector<1024x1xf32>
    %broadcast_in_dim3A_104 = vector.broadcast %broadcast_in_dim3A_103 : vector<1024x1xf32> to vector<1024x64xf32>
    %jit3A_105 = arith.constant -1.000000e+30 : f32
    %broadcast_in_dim3A_106 = vector.broadcast %jit3A_105 : f32 to vector<1024x64xf32>
    %select_n3A_107 = arith.select %eq3A_71, %broadcast_in_dim3A_104, %broadcast_in_dim3A_106 : vector<1024x64xi1>, vector<1024x64xf32>
    %reduce_max3A_108 = arith.constant dense<0xFF800000> : vector<64xf32>
    %reduce_max3A_109 = vector.multi_reduction <maximumf>, %select_n3A_107, %reduce_max3A_108 [0] : vector<1024x64xf32> to vector<64xf32>
    %broadcast_in_dim3A_110 = vector.shape_cast %reduce_max3A_109 : vector<64xf32> to vector<1x64xf32>
    %get3A_111 = arith.constant 2 : index
    %get3A_112 = arith.constant 0 : index
    %get3A_113 = vector.load %arg10[%get3A_111, %get3A_112] : memref<8x64xf32, #tpu.memory_space<vmem>>, vector<1x64xf32>
    %max3A_114 = arith.maximumf %get3A_113, %broadcast_in_dim3A_110 : vector<1x64xf32>
    %swap3A_115 = arith.constant 2 : index
    %swap3A_116 = arith.constant 0 : index
    %swap3A_117 = vector.load %arg10[%swap3A_115, %swap3A_116] : memref<8x64xf32, #tpu.memory_space<vmem>>, vector<1x64xf32>
    tpu.vector_store %arg10[%swap3A_115, %swap3A_116], %max3A_114 {strides = array<i32>} : memref<8x64xf32, #tpu.memory_space<vmem>>, vector<1x64xf32>,
    %slice3A_118 = vector.extract_strided_slice %select_n3A {offsets = [0, 3], sizes = [1024, 1], strides = [1, 1]} : vector<1024x128xf32> to vector<1024x1xf32>
    %broadcast_in_dim3A_119 = vector.shape_cast %slice3A_118 : vector<1024x1xf32> to vector<1024x1xf32>
    %broadcast_in_dim3A_120 = vector.broadcast %broadcast_in_dim3A_119 : vector<1024x1xf32> to vector<1024x64xf32>
    %jit3A_121 = arith.constant -1.000000e+30 : f32
    %broadcast_in_dim3A_122 = vector.broadcast %jit3A_121 : f32 to vector<1024x64xf32>
    %select_n3A_123 = arith.select %eq3A_71, %broadcast_in_dim3A_120, %broadcast_in_dim3A_122 : vector<1024x64xi1>, vector<1024x64xf32>
    %reduce_max3A_124 = arith.constant dense<0xFF800000> : vector<64xf32>
    %reduce_max3A_125 = vector.multi_reduction <maximumf>, %select_n3A_123, %reduce_max3A_124 [0] : vector<1024x64xf32> to vector<64xf32>
    %broadcast_in_dim3A_126 = vector.shape_cast %reduce_max3A_125 : vector<64xf32> to vector<1x64xf32>
    %get3A_127 = arith.constant 3 : index
    %get3A_128 = arith.constant 0 : index
    %get3A_129 = vector.load %arg10[%get3A_127, %get3A_128] : memref<8x64xf32, #tpu.memory_space<vmem>>, vector<1x64xf32>
    %max3A_130 = arith.maximumf %get3A_129, %broadcast_in_dim3A_126 : vector<1x64xf32>
    %swap3A_131 = arith.constant 3 : index
    %swap3A_132 = arith.constant 0 : index
    %swap3A_133 = vector.load %arg10[%swap3A_131, %swap3A_132] : memref<8x64xf32, #tpu.memory_space<vmem>>, vector<1x64xf32>
    tpu.vector_store %arg10[%swap3A_131, %swap3A_132], %max3A_130 {strides = array<i32>} : memref<8x64xf32, #tpu.memory_space<vmem>>, vector<1x64xf32>,
    %get3A_134 = arith.constant 0 : index
    %get3A_135 = arith.constant 0 : index
    %get3A_136 = vector.load %arg10[%get3A_134, %get3A_135] : memref<8x64xf32, #tpu.memory_space<vmem>>, vector<8x64xf32>
    %swap3A_137 = arith.constant 0 : index
    %swap3A_138 = arith.constant 0 : index
    %swap3A_139 = vector.load %arg9[%swap3A_137, %swap3A_138] : memref<8x64xf32, #tpu.memory_space<vmem>>, vector<8x64xf32>
    tpu.vector_store %arg9[%swap3A_137, %swap3A_138], %get3A_136 {strides = array<i32>} : memref<8x64xf32, #tpu.memory_space<vmem>>, vector<8x64xf32>,
    return
  }
  func.func @transform_0(%arg0: i32) -> (i32, i32) {
    %c0_i32 = arith.constant 0 : i32
    %c0_i32_0 = arith.constant 0 : i32
    return %arg0, %c0_i32 : i32, i32
  }
  func.func @transform_1(%arg0: i32) -> (i32, i32) {
    %c0_i32 = arith.constant 0 : i32
    %c0_i32_0 = arith.constant 0 : i32
    return %arg0, %c0_i32 : i32, i32
  }
  func.func @transform_2(%arg0: i32) -> (i32, i32) {
    %c0_i32 = arith.constant 0 : i32
    %c0_i32_0 = arith.constant 0 : i32
    return %arg0, %c0_i32 : i32, i32
  }
  func.func @transform_3(%arg0: i32) -> (i32, i32) {
    %c0_i32 = arith.constant 0 : i32
    %c0_i32_0 = arith.constant 0 : i32
    %c0_i32_1 = arith.constant 0 : i32
    return %c0_i32, %c0_i32_0 : i32, i32
  }
  func.func @transform_4(%arg0: i32) -> (i32, i32) {
    %c0_i32 = arith.constant 0 : i32
    %c0_i32_0 = arith.constant 0 : i32
    %c0_i32_1 = arith.constant 0 : i32
    return %c0_i32, %c0_i32_0 : i32, i32
  }
  func.func @transform_5(%arg0: i32) -> (i32, i32) {
    %c0_i32 = arith.constant 0 : i32
    %c0_i32_0 = arith.constant 0 : i32
    return %arg0, %c0_i32 : i32, i32
  }
  func.func @transform_6(%arg0: i32) -> (i32, i32) {
    %c0_i32 = arith.constant 0 : i32
    %c0_i32_0 = arith.constant 0 : i32
    return %arg0, %c0_i32 : i32, i32
  }
  func.func @transform_7(%arg0: i32) -> (i32, i32) {
    %c0_i32 = arith.constant 0 : i32
    %c0_i32_0 = arith.constant 0 : i32
    return %arg0, %c0_i32 : i32, i32
  }
  func.func @transform_8(%arg0: i32) -> (i32, i32) {
    %c0_i32 = arith.constant 0 : i32
    %c0_i32_0 = arith.constant 0 : i32
    %c0_i32_1 = arith.constant 0 : i32
    return %c0_i32, %c0_i32_0 : i32, i32
  }
}

module attributes {stable_mosaic.version = 14 : i64} {
  func.func @body(%arg0: i32, %arg1: memref<1024x128xf32, #tpu.memory_space<vmem>>, %arg2: memref<64x128xf32, #tpu.memory_space<vmem>>, %arg3: memref<1024x1xi32, #tpu.memory_space<vmem>>, %arg4: memref<1024x128xf32, #tpu.memory_space<vmem>>, %arg5: memref<64x128xf32, #tpu.memory_space<vmem>>, %arg6: memref<64x128xf32, #tpu.memory_space<vmem>>) attributes {dimension_semantics = [#tpu.dimension_semantics<arbitrary>], iteration_bounds = array<i64: 10>, scalar_prefetch = 0 : i64, scratch_operands = 1 : i64, tpu.core_type = #tpu.core_type<tc>, window_params = [{transform_indices = @transform_0, window_bounds = array<i64: 1024, 128>}, {pipeline_mode = #tpu.pipeline_mode<synchronous>, transform_indices = @transform_1, window_bounds = array<i64: 64, 128>}, {transform_indices = @transform_2, window_bounds = array<i64: 1024, 1>}, {transform_indices = @transform_3, window_bounds = array<i64: 1024, 128>}, {pipeline_mode = #tpu.pipeline_mode<synchronous>, transform_indices = @transform_4, window_bounds = array<i64: 64, 128>}]} {
    %get3A = arith.constant 0 : index
    %get3A_0 = arith.constant 0 : index
    %get3A_1 = vector.load %arg3[%get3A, %get3A_0] : memref<1024x1xi32, #tpu.memory_space<vmem>>, vector<1024x1xi32>
    %iota3A = tpu.iota {dimensions = array<i32: 1>} : vector<1024x64xi32>
    %eq3A = vector.broadcast %get3A_1 : vector<1024x1xi32> to vector<1024x64xi32>
    %eq3A_2 = arith.cmpi eq, %eq3A, %iota3A : vector<1024x64xi32>
    %convert_element_type3A = arith.extui %eq3A_2 : vector<1024x64xi1> to vector<1024x64xi32>
    %convert_element_type3A_3 = arith.sitofp %convert_element_type3A : vector<1024x64xi32> to vector<1024x64xf32>
    %get3A_4 = arith.constant 0 : index
    %get3A_5 = arith.constant 0 : index
    %get3A_6 = vector.load %arg2[%get3A_4, %get3A_5] : memref<64x128xf32, #tpu.memory_space<vmem>>, vector<64x128xf32>
    %dot_general3A = arith.constant dense<0.000000e+00> : vector<1024x128xf32>
    %dot_general3A_7 = tpu.matmul %convert_element_type3A_3, %get3A_6, %dot_general3A {dimension_numbers = #tpu.dot_dimension_numbers<[1], [0], [0], [1], [0, 0, 1, 1], [], []>, precision = #tpu.contract_precision<fp32>, transpose_lhs_hint = false} : vector<1024x64xf32>, vector<64x128xf32>, vector<1024x128xf32> -> vector<1024x128xf32>
    %get3A_8 = arith.constant 0 : index
    %get3A_9 = arith.constant 0 : index
    %get3A_10 = vector.load %arg1[%get3A_8, %get3A_9] : memref<1024x128xf32, #tpu.memory_space<vmem>>, vector<1024x128xf32>
    %sub3A = arith.subf %get3A_10, %dot_general3A_7 : vector<1024x128xf32>
    %exp3A = math.exp %sub3A : vector<1024x128xf32>
    %swap3A = arith.constant 0 : index
    %swap3A_11 = arith.constant 0 : index
    %swap3A_12 = vector.load %arg4[%swap3A, %swap3A_11] : memref<1024x128xf32, #tpu.memory_space<vmem>>, vector<1024x128xf32>
    tpu.vector_store %arg4[%swap3A, %swap3A_11], %exp3A {strides = array<i32>} : memref<1024x128xf32, #tpu.memory_space<vmem>>, vector<1024x128xf32>,
    %eq3A_13 = arith.constant 0 : i32
    %eq3A_14 = arith.cmpi eq, %arg0, %eq3A_13 : i32
    %convert_element_type3A_15 = arith.extui %eq3A_14 : i1 to i32
    %cond3A = arith.constant 0 : i32
    %cond3A_16 = arith.cmpi ne, %convert_element_type3A_15, %cond3A : i32
    scf.if %cond3A_16 {
      %broadcast_in_dim3A = arith.constant 0.000000e+00 : f32
      %broadcast_in_dim3A_31 = vector.broadcast %broadcast_in_dim3A : f32 to vector<64x128xf32>
      %swap3A_32 = arith.constant 0 : index
      %swap3A_33 = arith.constant 0 : index
      %swap3A_34 = vector.load %arg6[%swap3A_32, %swap3A_33] : memref<64x128xf32, #tpu.memory_space<vmem>>, vector<64x128xf32>
      tpu.vector_store %arg6[%swap3A_32, %swap3A_33], %broadcast_in_dim3A_31 {strides = array<i32>} : memref<64x128xf32, #tpu.memory_space<vmem>>, vector<64x128xf32>,
    } else {
    }
    %get3A_17 = arith.constant 0 : index
    %get3A_18 = arith.constant 0 : index
    %get3A_19 = vector.load %arg6[%get3A_17, %get3A_18] : memref<64x128xf32, #tpu.memory_space<vmem>>, vector<64x128xf32>
    %dot_general3A_20 = arith.constant dense<0.000000e+00> : vector<64x128xf32>
    %dot_general3A_21 = tpu.matmul %convert_element_type3A_3, %exp3A, %dot_general3A_20 {dimension_numbers = #tpu.dot_dimension_numbers<[0], [0], [1], [1], [0, 1, 1, 1], [], []>, precision = #tpu.contract_precision<fp32>, transpose_lhs_hint = false} : vector<1024x64xf32>, vector<1024x128xf32>, vector<64x128xf32> -> vector<64x128xf32>
    %add3A = arith.addf %get3A_19, %dot_general3A_21 : vector<64x128xf32>
    %swap3A_22 = arith.constant 0 : index
    %swap3A_23 = arith.constant 0 : index
    %swap3A_24 = vector.load %arg6[%swap3A_22, %swap3A_23] : memref<64x128xf32, #tpu.memory_space<vmem>>, vector<64x128xf32>
    tpu.vector_store %arg6[%swap3A_22, %swap3A_23], %add3A {strides = array<i32>} : memref<64x128xf32, #tpu.memory_space<vmem>>, vector<64x128xf32>,
    %get3A_25 = arith.constant 0 : index
    %get3A_26 = arith.constant 0 : index
    %get3A_27 = vector.load %arg6[%get3A_25, %get3A_26] : memref<64x128xf32, #tpu.memory_space<vmem>>, vector<64x128xf32>
    %swap3A_28 = arith.constant 0 : index
    %swap3A_29 = arith.constant 0 : index
    %swap3A_30 = vector.load %arg5[%swap3A_28, %swap3A_29] : memref<64x128xf32, #tpu.memory_space<vmem>>, vector<64x128xf32>
    tpu.vector_store %arg5[%swap3A_28, %swap3A_29], %get3A_27 {strides = array<i32>} : memref<64x128xf32, #tpu.memory_space<vmem>>, vector<64x128xf32>,
    return
  }
  func.func @transform_0(%arg0: i32) -> (i32, i32) {
    %c0_i32 = arith.constant 0 : i32
    %c0_i32_0 = arith.constant 0 : i32
    return %arg0, %c0_i32 : i32, i32
  }
  func.func @transform_1(%arg0: i32) -> (i32, i32) {
    %c0_i32 = arith.constant 0 : i32
    %c0_i32_0 = arith.constant 0 : i32
    %c0_i32_1 = arith.constant 0 : i32
    return %c0_i32, %c0_i32_0 : i32, i32
  }
  func.func @transform_2(%arg0: i32) -> (i32, i32) {
    %c0_i32 = arith.constant 0 : i32
    %c0_i32_0 = arith.constant 0 : i32
    return %arg0, %c0_i32 : i32, i32
  }
  func.func @transform_3(%arg0: i32) -> (i32, i32) {
    %c0_i32 = arith.constant 0 : i32
    %c0_i32_0 = arith.constant 0 : i32
    return %arg0, %c0_i32 : i32, i32
  }
  func.func @transform_4(%arg0: i32) -> (i32, i32) {
    %c0_i32 = arith.constant 0 : i32
    %c0_i32_0 = arith.constant 0 : i32
    %c0_i32_1 = arith.constant 0 : i32
    return %c0_i32, %c0_i32_0 : i32, i32
  }
}

module attributes {stable_mosaic.version = 14 : i64} {
  func.func @body(%arg0: i32, %arg1: memref<1024x128xf32, #tpu.memory_space<vmem>>, %arg2: memref<64x128xf32, #tpu.memory_space<vmem>>, %arg3: memref<1024x128xf32, #tpu.memory_space<vmem>>, %arg4: memref<1024x1xi32, #tpu.memory_space<vmem>>, %arg5: memref<128x128xf32, #tpu.memory_space<vmem>>, %arg6: memref<1x128xf32, #tpu.memory_space<vmem>>, %arg7: memref<128x128xf32, #tpu.memory_space<vmem>>, %arg8: memref<1x128xf32, #tpu.memory_space<vmem>>, %arg9: memref<64x128xf32, #tpu.memory_space<vmem>>, %arg10: memref<64x128xf32, #tpu.memory_space<vmem>>, %arg11: memref<64x128xf32, #tpu.memory_space<vmem>>) attributes {dimension_semantics = [#tpu.dimension_semantics<arbitrary>], iteration_bounds = array<i64: 10>, scalar_prefetch = 0 : i64, scratch_operands = 1 : i64, tpu.core_type = #tpu.core_type<tc>, window_params = [{transform_indices = @transform_0, window_bounds = array<i64: 1024, 128>}, {pipeline_mode = #tpu.pipeline_mode<synchronous>, transform_indices = @transform_1, window_bounds = array<i64: 64, 128>}, {transform_indices = @transform_2, window_bounds = array<i64: 1024, 128>}, {transform_indices = @transform_3, window_bounds = array<i64: 1024, 1>}, {pipeline_mode = #tpu.pipeline_mode<synchronous>, transform_indices = @transform_4, window_bounds = array<i64: 128, 128>}, {pipeline_mode = #tpu.pipeline_mode<synchronous>, transform_indices = @transform_5, window_bounds = array<i64: 1, 128>}, {pipeline_mode = #tpu.pipeline_mode<synchronous>, transform_indices = @transform_6, window_bounds = array<i64: 128, 128>}, {pipeline_mode = #tpu.pipeline_mode<synchronous>, transform_indices = @transform_7, window_bounds = array<i64: 1, 128>}, {pipeline_mode = #tpu.pipeline_mode<synchronous>, transform_indices = @transform_8, window_bounds = array<i64: 64, 128>}, {pipeline_mode = #tpu.pipeline_mode<synchronous>, transform_indices = @transform_9, window_bounds = array<i64: 64, 128>}]} {
    %get3A = arith.constant 0 : index
    %get3A_0 = arith.constant 0 : index
    %get3A_1 = vector.load %arg4[%get3A, %get3A_0] : memref<1024x1xi32, #tpu.memory_space<vmem>>, vector<1024x1xi32>
    %iota3A = tpu.iota {dimensions = array<i32: 1>} : vector<1024x64xi32>
    %eq3A = vector.broadcast %get3A_1 : vector<1024x1xi32> to vector<1024x64xi32>
    %eq3A_2 = arith.cmpi eq, %eq3A, %iota3A : vector<1024x64xi32>
    %convert_element_type3A = arith.extui %eq3A_2 : vector<1024x64xi1> to vector<1024x64xi32>
    %convert_element_type3A_3 = arith.sitofp %convert_element_type3A : vector<1024x64xi32> to vector<1024x64xf32>
    %get3A_4 = arith.constant 0 : index
    %get3A_5 = arith.constant 0 : index
    %get3A_6 = vector.load %arg2[%get3A_4, %get3A_5] : memref<64x128xf32, #tpu.memory_space<vmem>>, vector<64x128xf32>
    %dot_general3A = arith.constant dense<0.000000e+00> : vector<1024x128xf32>
    %dot_general3A_7 = tpu.matmul %convert_element_type3A_3, %get3A_6, %dot_general3A {dimension_numbers = #tpu.dot_dimension_numbers<[1], [0], [0], [1], [0, 0, 1, 1], [], []>, precision = #tpu.contract_precision<fp32>, transpose_lhs_hint = false} : vector<1024x64xf32>, vector<64x128xf32>, vector<1024x128xf32> -> vector<1024x128xf32>
    %get3A_8 = arith.constant 0 : index
    %get3A_9 = arith.constant 0 : index
    %get3A_10 = vector.load %arg1[%get3A_8, %get3A_9] : memref<1024x128xf32, #tpu.memory_space<vmem>>, vector<1024x128xf32>
    %add3A = arith.constant 9.99999971E-10 : f32
    %add3A_11 = vector.broadcast %add3A : f32 to vector<1024x128xf32>
    %add3A_12 = arith.addf %dot_general3A_7, %add3A_11 : vector<1024x128xf32>
    %div3A = arith.divf %get3A_10, %add3A_12 : vector<1024x128xf32>
    %reduce_sum3A = arith.constant dense<0.000000e+00> : vector<1024xf32>
    %reduce_sum3A_13 = vector.multi_reduction <add>, %div3A, %reduce_sum3A [1] : vector<1024x128xf32> to vector<1024xf32>
    %broadcast_in_dim3A = vector.shape_cast %reduce_sum3A_13 : vector<1024xf32> to vector<1024x1xf32>
    %mul3A = arith.constant 2.500000e-01 : f32
    %mul3A_14 = vector.broadcast %mul3A : f32 to vector<1024x1xf32>
    %mul3A_15 = arith.mulf %broadcast_in_dim3A, %mul3A_14 : vector<1024x1xf32>
    %eq3A_16 = arith.constant 0 : i32
    %eq3A_17 = arith.cmpi eq, %arg0, %eq3A_16 : i32
    %convert_element_type3A_18 = arith.extui %eq3A_17 : i1 to i32
    %cond3A = arith.constant 0 : i32
    %cond3A_19 = arith.cmpi ne, %convert_element_type3A_18, %cond3A : i32
    scf.if %cond3A_19 {
      %broadcast_in_dim3A_38 = arith.constant 0.000000e+00 : f32
      %broadcast_in_dim3A_39 = vector.broadcast %broadcast_in_dim3A_38 : f32 to vector<64x128xf32>
      %swap3A_40 = arith.constant 0 : index
      %swap3A_41 = arith.constant 0 : index
      %swap3A_42 = vector.load %arg11[%swap3A_40, %swap3A_41] : memref<64x128xf32, #tpu.memory_space<vmem>>, vector<64x128xf32>
      tpu.vector_store %arg11[%swap3A_40, %swap3A_41], %broadcast_in_dim3A_39 {strides = array<i32>} : memref<64x128xf32, #tpu.memory_space<vmem>>, vector<64x128xf32>,
    } else {
    }
    %get3A_20 = arith.constant 0 : index
    %get3A_21 = arith.constant 0 : index
    %get3A_22 = vector.load %arg11[%get3A_20, %get3A_21] : memref<64x128xf32, #tpu.memory_space<vmem>>, vector<64x128xf32>
    %get3A_23 = arith.constant 0 : index
    %get3A_24 = arith.constant 0 : index
    %get3A_25 = vector.load %arg3[%get3A_23, %get3A_24] : memref<1024x128xf32, #tpu.memory_space<vmem>>, vector<1024x128xf32>
    %mul3A_26 = vector.broadcast %mul3A_15 : vector<1024x1xf32> to vector<1024x128xf32>
    %mul3A_27 = arith.mulf %mul3A_26, %get3A_25 : vector<1024x128xf32>
    %dot_general3A_28 = arith.constant dense<0.000000e+00> : vector<64x128xf32>
    %dot_general3A_29 = tpu.matmul %convert_element_type3A_3, %mul3A_27, %dot_general3A_28 {dimension_numbers = #tpu.dot_dimension_numbers<[0], [0], [1], [1], [0, 1, 1, 1], [], []>, precision = #tpu.contract_precision<fp32>, transpose_lhs_hint = false} : vector<1024x64xf32>, vector<1024x128xf32>, vector<64x128xf32> -> vector<64x128xf32>
    %add3A_30 = arith.addf %get3A_22, %dot_general3A_29 : vector<64x128xf32>
    %swap3A = arith.constant 0 : index
    %swap3A_31 = arith.constant 0 : index
    %swap3A_32 = vector.load %arg11[%swap3A, %swap3A_31] : memref<64x128xf32, #tpu.memory_space<vmem>>, vector<64x128xf32>
    tpu.vector_store %arg11[%swap3A, %swap3A_31], %add3A_30 {strides = array<i32>} : memref<64x128xf32, #tpu.memory_space<vmem>>, vector<64x128xf32>,
    %eq3A_33 = arith.constant 9 : i32
    %eq3A_34 = arith.cmpi eq, %arg0, %eq3A_33 : i32
    %convert_element_type3A_35 = arith.extui %eq3A_34 : i1 to i32
    %cond3A_36 = arith.constant 0 : i32
    %cond3A_37 = arith.cmpi ne, %convert_element_type3A_35, %cond3A_36 : i32
    scf.if %cond3A_37 {
      %get3A_38 = arith.constant 0 : index
      %get3A_39 = arith.constant 0 : index
      %get3A_40 = vector.load %arg11[%get3A_38, %get3A_39] : memref<64x128xf32, #tpu.memory_space<vmem>>, vector<64x128xf32>
      %swap3A_41 = arith.constant 0 : index
      %swap3A_42 = arith.constant 0 : index
      %swap3A_43 = vector.load %arg9[%swap3A_41, %swap3A_42] : memref<64x128xf32, #tpu.memory_space<vmem>>, vector<64x128xf32>
      tpu.vector_store %arg9[%swap3A_41, %swap3A_42], %get3A_40 {strides = array<i32>} : memref<64x128xf32, #tpu.memory_space<vmem>>, vector<64x128xf32>,
      %get3A_44 = arith.constant 0 : index
      %get3A_45 = arith.constant 0 : index
      %get3A_46 = vector.load %arg5[%get3A_44, %get3A_45] : memref<128x128xf32, #tpu.memory_space<vmem>>, vector<128x128xf32>
      %dot_general3A_47 = arith.constant dense<0.000000e+00> : vector<64x128xf32>
      %dot_general3A_48 = tpu.matmul %get3A_40, %get3A_46, %dot_general3A_47 {dimension_numbers = #tpu.dot_dimension_numbers<[1], [0], [0], [1], [0, 0, 1, 1], [], []>, transpose_lhs_hint = false} : vector<64x128xf32>, vector<128x128xf32>, vector<64x128xf32> -> vector<64x128xf32>
      %get3A_49 = arith.constant 0 : index
      %get3A_50 = arith.constant 0 : index
      %get3A_51 = vector.load %arg6[%get3A_49, %get3A_50] : memref<1x128xf32, #tpu.memory_space<vmem>>, vector<1x128xf32>
      %add3A_52 = vector.broadcast %get3A_51 : vector<1x128xf32> to vector<64x128xf32>
      %add3A_53 = arith.addf %dot_general3A_48, %add3A_52 : vector<64x128xf32>
      %max3A = arith.constant 0.000000e+00 : f32
      %max3A_54 = vector.broadcast %max3A : f32 to vector<64x128xf32>
      %max3A_55 = arith.maximumf %add3A_53, %max3A_54 : vector<64x128xf32>
      %get3A_56 = arith.constant 0 : index
      %get3A_57 = arith.constant 0 : index
      %get3A_58 = vector.load %arg7[%get3A_56, %get3A_57] : memref<128x128xf32, #tpu.memory_space<vmem>>, vector<128x128xf32>
      %dot_general3A_59 = arith.constant dense<0.000000e+00> : vector<64x128xf32>
      %dot_general3A_60 = tpu.matmul %max3A_55, %get3A_58, %dot_general3A_59 {dimension_numbers = #tpu.dot_dimension_numbers<[1], [0], [0], [1], [0, 0, 1, 1], [], []>, transpose_lhs_hint = false} : vector<64x128xf32>, vector<128x128xf32>, vector<64x128xf32> -> vector<64x128xf32>
      %get3A_61 = arith.constant 0 : index
      %get3A_62 = arith.constant 0 : index
      %get3A_63 = vector.load %arg8[%get3A_61, %get3A_62] : memref<1x128xf32, #tpu.memory_space<vmem>>, vector<1x128xf32>
      %add3A_64 = vector.broadcast %get3A_63 : vector<1x128xf32> to vector<64x128xf32>
      %add3A_65 = arith.addf %dot_general3A_60, %add3A_64 : vector<64x128xf32>
      %iota3A_66 = tpu.iota {dimensions = array<i32: 1>} : vector<64x128xi32>
      %lt3A = arith.constant 10 : i32
      %lt3A_67 = vector.broadcast %lt3A : i32 to vector<64x128xi32>
      %lt3A_68 = arith.cmpi slt, %iota3A_66, %lt3A_67 : vector<64x128xi32>
      %jit3A = arith.constant -1.000000e+30 : f32
      %broadcast_in_dim3A_69 = vector.broadcast %jit3A : f32 to vector<64x128xf32>
      %select_n3A = arith.select %lt3A_68, %add3A_65, %broadcast_in_dim3A_69 : vector<64x128xi1>, vector<64x128xf32>
      %reduce_max3A = arith.constant dense<0xFF800000> : vector<64xf32>
      %reduce_max3A_70 = vector.multi_reduction <maximumf>, %select_n3A, %reduce_max3A [1] : vector<64x128xf32> to vector<64xf32>
      %broadcast_in_dim3A_71 = vector.shape_cast %reduce_max3A_70 : vector<64xf32> to vector<64x1xf32>
      %lt3A_72 = arith.constant 10 : i32
      %lt3A_73 = vector.broadcast %lt3A_72 : i32 to vector<64x128xi32>
      %lt3A_74 = arith.cmpi slt, %iota3A_66, %lt3A_73 : vector<64x128xi32>
      %sub3A = vector.broadcast %broadcast_in_dim3A_71 : vector<64x1xf32> to vector<64x128xf32>
      %sub3A_75 = arith.subf %select_n3A, %sub3A : vector<64x128xf32>
      %exp3A = math.exp %sub3A_75 : vector<64x128xf32>
      %jit3A_76 = arith.constant 0.000000e+00 : f32
      %broadcast_in_dim3A_77 = vector.broadcast %jit3A_76 : f32 to vector<64x128xf32>
      %select_n3A_78 = arith.select %lt3A_74, %exp3A, %broadcast_in_dim3A_77 : vector<64x128xi1>, vector<64x128xf32>
      %reduce_sum3A_79 = arith.constant dense<0.000000e+00> : vector<64xf32>
      %reduce_sum3A_80 = vector.multi_reduction <add>, %select_n3A_78, %reduce_sum3A_79 [1] : vector<64x128xf32> to vector<64xf32>
      %broadcast_in_dim3A_81 = vector.shape_cast %reduce_sum3A_80 : vector<64xf32> to vector<64x1xf32>
      %lt3A_82 = arith.constant 10 : i32
      %lt3A_83 = vector.broadcast %lt3A_82 : i32 to vector<64x128xi32>
      %lt3A_84 = arith.cmpi slt, %iota3A_66, %lt3A_83 : vector<64x128xi32>
      %sub3A_85 = vector.broadcast %broadcast_in_dim3A_71 : vector<64x1xf32> to vector<64x128xf32>
      %sub3A_86 = arith.subf %add3A_65, %sub3A_85 : vector<64x128xf32>
      %log3A = math.log %broadcast_in_dim3A_81 : vector<64x1xf32>
      %sub3A_87 = vector.broadcast %log3A : vector<64x1xf32> to vector<64x128xf32>
      %sub3A_88 = arith.subf %sub3A_86, %sub3A_87 : vector<64x128xf32>
      %jit3A_89 = arith.constant 0.000000e+00 : f32
      %broadcast_in_dim3A_90 = vector.broadcast %jit3A_89 : f32 to vector<64x128xf32>
      %select_n3A_91 = arith.select %lt3A_84, %sub3A_88, %broadcast_in_dim3A_90 : vector<64x128xi1>, vector<64x128xf32>
      %swap3A_92 = arith.constant 0 : index
      %swap3A_93 = arith.constant 0 : index
      %swap3A_94 = vector.load %arg10[%swap3A_92, %swap3A_93] : memref<64x128xf32, #tpu.memory_space<vmem>>, vector<64x128xf32>
      tpu.vector_store %arg10[%swap3A_92, %swap3A_93], %select_n3A_91 {strides = array<i32>} : memref<64x128xf32, #tpu.memory_space<vmem>>, vector<64x128xf32>,
    } else {
    }
    return
  }
  func.func @transform_0(%arg0: i32) -> (i32, i32) {
    %c0_i32 = arith.constant 0 : i32
    %c0_i32_0 = arith.constant 0 : i32
    return %arg0, %c0_i32 : i32, i32
  }
  func.func @transform_1(%arg0: i32) -> (i32, i32) {
    %c0_i32 = arith.constant 0 : i32
    %c0_i32_0 = arith.constant 0 : i32
    %c0_i32_1 = arith.constant 0 : i32
    return %c0_i32, %c0_i32_0 : i32, i32
  }
  func.func @transform_2(%arg0: i32) -> (i32, i32) {
    %c0_i32 = arith.constant 0 : i32
    %c0_i32_0 = arith.constant 0 : i32
    return %arg0, %c0_i32 : i32, i32
  }
  func.func @transform_3(%arg0: i32) -> (i32, i32) {
    %c0_i32 = arith.constant 0 : i32
    %c0_i32_0 = arith.constant 0 : i32
    return %arg0, %c0_i32 : i32, i32
  }
  func.func @transform_4(%arg0: i32) -> (i32, i32) {
    %c0_i32 = arith.constant 0 : i32
    %c0_i32_0 = arith.constant 0 : i32
    %c0_i32_1 = arith.constant 0 : i32
    return %c0_i32, %c0_i32_0 : i32, i32
  }
  func.func @transform_5(%arg0: i32) -> (i32, i32) {
    %c0_i32 = arith.constant 0 : i32
    %c0_i32_0 = arith.constant 0 : i32
    %c0_i32_1 = arith.constant 0 : i32
    return %c0_i32, %c0_i32_0 : i32, i32
  }
  func.func @transform_6(%arg0: i32) -> (i32, i32) {
    %c0_i32 = arith.constant 0 : i32
    %c0_i32_0 = arith.constant 0 : i32
    %c0_i32_1 = arith.constant 0 : i32
    return %c0_i32, %c0_i32_0 : i32, i32
  }
  func.func @transform_7(%arg0: i32) -> (i32, i32) {
    %c0_i32 = arith.constant 0 : i32
    %c0_i32_0 = arith.constant 0 : i32
    %c0_i32_1 = arith.constant 0 : i32
    return %c0_i32, %c0_i32_0 : i32, i32
  }
  func.func @transform_8(%arg0: i32) -> (i32, i32) {
    %c0_i32 = arith.constant 0 : i32
    %c0_i32_0 = arith.constant 0 : i32
    %c0_i32_1 = arith.constant 0 : i32
    return %c0_i32, %c0_i32_0 : i32, i32
  }
  func.func @transform_9(%arg0: i32) -> (i32, i32) {
    %c0_i32 = arith.constant 0 : i32
    %c0_i32_0 = arith.constant 0 : i32
    %c0_i32_1 = arith.constant 0 : i32
    return %c0_i32, %c0_i32_0 : i32, i32
  }
}

</mosaic_0001>

<sc_bundles>
// kernel: kernel.16.cloned.1.call-start
scs
__scs_entry_jumppad:
0x0: {  	(pc) =	sbr.rel $0x88, $3  }
0x1: {  	(tag) =	ssettag $0x0;
	lr =	simm.s32 $0x1  }
0x2: {  	[smem:$0x3F8A] =	sst lr;
	_ =	strace $0xD0000000  }
0x3: {  	_ = 	snop  }
0x4: {  	_ = 	snop  }
0x5: {  	_ = 	snop  }
0x6: {  	_ = 	snop  }
0x7: {  	_ = 	snop  }
__scs_overlays_trampoline_lowered:
0x8: {  	[smem:$0x3F99] =	sst s0  }
0x9: {  	[smem:$0x3F9A] =	sst s1  }
0xa: {  	[smem:$0x3F9B] =	sst s2  }
0xb: {  	[smem:$0x3F9C] =	sst s3  }
0xc: {  	[smem:$0x3F9D] =	sst s4  }
0xd: {  	[smem:$0x3F9E] =	sst s5  }
0xe: {  	[smem:$0x3F9F] =	sst s6  }
0xf: {  	[smem:$0x3FA0] =	sst s7  }
0x10: {  	[smem:$0x3FA1] =	sst s8  }
0x11: {  	[smem:$0x3FA2] =	sst s9;
	s0 =	simm.s32 @!p0 $0x0  }
0x12: {  	s1 =	sld [smem:$0x3F88];
	s0 =	simm.s32 @p0 $0x1  }
0x13: {  	[smem:$0x3FA3] =	sst s0;
	s0 =	simm.s32 @!p1 $0x0  }
0x14: {  	s2 =	sld [smem:$0x3F87];
	s0 =	simm.s32 @p1 $0x1  }
0x15: {  	[smem:$0x3FA4] =	sst s0;
	s0 =	simm.s32 @!p2 $0x0  }
0x16: {  	s3 =	sld [smem:$0x3FDB];
	s0 =	simm.s32 @p2 $0x1  }
0x17: {  	s4 =	simm.s32 $0x1BF5;
	[smem:$0x3FA6] =	sst s0  }
0x18: {  	s0 =	sld [smem:$0x3F89];
	_ =	swait.ge [sflag:s4], $0x0  }
0x19: {  	s7 =	sld [smem:$0x3F8A]  }
0x1a: {  	s8 =	sadd.s32 $0xFFFFE003, lr  }
0x1b: {  	s9 =	sadd.s32 $0xFFFFFEF7, lr;
	s5 =	simm.s32 $0xFFFFFFFF;
	p2 =	slt.u32 s8, $0xFFFFF086  }
0x1c: {  	p1 =	slt.u32 s9, $0xF7A;
	s5 =	simm.s32 @!p2 $0x0  }
0x1d: {  	s5 =	simm.s32 @p1 $0x1;
	p0 =	seq.s32 s7, s2  }
0x1e: {  	s7 =	smul.u32 @!p0 $0xF7A, s2;
	p2 =	seq.s32 @!p0 s5, $0x0  }
0x1f: {  	s9 =	smul.u32 $0xF7A, s1;
	s8 =	simm.s32 @!p0 $0x1BF5;
	p2 =	por !p2, p0  }
0x20: {  	[sflag:s8] =	ssyncset.s32 @!p0 $0xFFFFF086;
	s6 =	sadd.s32 @!p0 s3, s7;
	s7 =	simm.s32 @!p0 $0x108  }
0x21: {  	s3 =	sadd.s32 s3, s9;
	s6 =	sadd.s32 @!p0 $0x88, s6;
	s7 =	simm.s32 @p2 $0x1082  }
0x22: {  	[simem:s7], [sflag:s8] =	dma.local @!p0 [hbm:s6], $0xF7A  }
0x23: {  	s9 =	sor.u32 $0xD0000000, s2;
	s6 =	simm.s32 $0x108;
	_ =	swait.ge @!p0 [sflag:s8], $0x0  }
0x24: {  	s3 =	sadd.s32 $0x88, s3;
	s6 =	simm.s32 @!p1 $0x1082;
	[sflag:s4] =	ssyncset.s32 $0xFFFFF086  }
0x25: {  	[simem:s6], [sflag:s4] =	dma.local [hbm:s3], $0xF7A  }
0x26: {  	[smem:$0x3F8A] =	sst s1;
	(tag) =	ssettag s2;
	_ =	strace s9  }
0x27: {  	s1 =	sld [smem:$0x3F9A]  }
0x28: {  	s2 =	sld [smem:$0x3F9B]  }
0x29: {  	s4 =	sld [smem:$0x3F9D]  }
0x2a: {  	p0 =	seq.s32 s5, $0x0;
	s5 =	sld [smem:$0x3F9E]  }
0x2b: {  	s6 =	sld [smem:$0x3F9F]  }
0x2c: {  	s7 =	sld [smem:$0x3FA0]  }
0x2d: {  	s3 =	simm.s32 $0x108;
	s8 =	sld [smem:$0x3FA1]  }
0x2e: {  	s3 =	simm.s32 @!p0 $0x1082;
	s9 =	sld [smem:$0x3FA2]  }
0x2f: {  	lr =	sadd.s32 s0, s3;
	s0 =	sld [smem:$0x3F99]  }
0x30: {  	s3 =	sld [smem:$0x3F9C]  }
0x31: {  	[smem:$0x3FA5] =	sst s10  }
0x32: {  	s10 =	sld [smem:$0x3FA3];
	_ =	sdelay $0x3  }
0x33: {  	p0 =	seq.s32 s10, $0x1;
	s10 =	sld [smem:$0x3FA5];
	_ =	sdelay $0x3  }
0x34: {  	[smem:$0x3FA5] =	sst s10  }
0x35: {  	s10 =	sld [smem:$0x3FA4];
	_ =	sdelay $0x3  }
0x36: {  	p1 =	seq.s32 s10, $0x1;
	s10 =	sld [smem:$0x3FA5];
	_ =	sdelay $0x3  }
0x37: {  	[smem:$0x3FA5] =	sst s10  }
0x38: {  	s10 =	sld [smem:$0x3FA6]  }
0x39: {  	_ = 	snop;
	(pc) =	sbr.ind lr, $3  }
0x3a: {  	_ = 	snop  }
0x3b: {  	_ = 	snop  }
0x3c: {  	p2 =	seq.s32 s10, $0x1;
	s10 =	sld [smem:$0x3FA5]  }
0x3d: {  	_ =	shalt  }
0x3e: {  	_ =	shalt  }
0x3f: {  	_ =	shalt  }
0x40: {  	_ =	shalt  }
0x41: {  	_ =	shalt  }
0x42: {  	_ =	shalt  }
0x43: {  	_ =	shalt  }
0x44: {  	_ =	shalt  }
0x45: {  	_ =	shalt  }
0x46: {  	_ =	shalt  }
0x47: {  	_ =	shalt  }
0x48: {  	_ =	shalt  }
0x49: {  	_ =	shalt  }
0x4a: {  	_ =	shalt  }
0x4b: {  	_ =	shalt  }
0x4c: {  	_ =	shalt  }
0x4d: {  	_ =	shalt  }
0x4e: {  	_ =	shalt  }
0x4f: {  	_ =	shalt  }
0x50: {  	_ =	shalt  }
0x51: {  	_ =	shalt  }
0x52: {  	_ =	shalt  }
0x53: {  	_ =	shalt  }
0x54: {  	_ =	shalt  }
0x55: {  	_ =	shalt  }
0x56: {  	_ =	shalt  }
0x57: {  	_ =	shalt  }
0x58: {  	_ =	shalt  }
0x59: {  	_ =	shalt  }
0x5a: {  	_ =	shalt  }
0x5b: {  	_ =	shalt  }
0x5c: {  	_ =	shalt  }
0x5d: {  	_ =	shalt  }
0x5e: {  	_ =	shalt  }
0x5f: {  	_ =	shalt  }
0x60: {  	_ =	shalt  }
0x61: {  	_ =	shalt  }
0x62: {  	_ =	shalt  }
0x63: {  	_ =	shalt  }
0x64: {  	_ =	shalt  }
0x65: {  	_ =	shalt  }
0x66: {  	_ =	shalt  }
0x67: {  	_ =	shalt  }
0x68: {  	_ =	shalt  }
0x69: {  	_ =	shalt  }
0x6a: {  	_ =	shalt  }
0x6b: {  	_ =	shalt  }
0x6c: {  	_ =	shalt  }
0x6d: {  	_ =	shalt  }
0x6e: {  	_ =	shalt  }
0x6f: {  	_ =	shalt  }
0x70: {  	_ =	shalt  }
0x71: {  	_ =	shalt  }
0x72: {  	_ =	shalt  }
0x73: {  	_ =	shalt  }
0x74: {  	_ =	shalt  }
0x75: {  	_ =	shalt  }
0x76: {  	_ =	shalt  }
0x77: {  	_ =	shalt  }
0x78: {  	_ =	shalt  }
0x79: {  	_ =	shalt  }
0x7a: {  	_ =	shalt  }
0x7b: {  	_ =	shalt  }
0x7c: {  	_ =	shalt  }
0x7d: {  	_ =	shalt  }
0x7e: {  	_ =	shalt  }
0x7f: {  	_ =	shalt  }
0x80: {  	_ =	shalt  }
0x81: {  	_ =	shalt  }
0x82: {  	_ =	shalt  }
0x83: {  	_ =	shalt  }
0x84: {  	_ =	shalt  }
0x85: {  	_ =	shalt  }
0x86: {  	_ =	shalt  }
0x87: {  	_ =	shalt  }
.Lfunc_end0:
.L_simem_size_0:
called_computation_lowered:
.L_overlay_start_0:
0x88: {  	s2 =	sld [smem:$0x3FD9]  }
0x89: {  	s3 =	sld [smem:$0x3FFE];
	_ =	sdelay $0x1  }
0x8a: {  	s1 =	srdreg.scid  }
0x8b: {  	s0 =	sand.u32 $0x1, s1  }
0x8c: {  	s14 =	sshll.u32 s0, $0xA;
	s2 =	sadd.s32 s3, s2  }
0x8d: {  	s2 =	sadd.s32 s2, s14  }
0x8e: {  	[smem:$0x3FB1] =	sst s2  }
0x8f: {  	_ = 	snop  }
0x90: {  	s2 =	sld [smem:$0x3FD0];
	_ =	sdelay $0x2  }
0x91: {  	s15 =	simm.s32 $0xA;
	s4 =	simm.s32 $0x10  }
0x92: {  	[smem:s4], [sflag:s15] =	dma.local [hbm:s2], $0x1  }
0x93: {  	_ =	swait.eq [sflag:s15], $0x1  }
0x94: {  	[sflag:s15] =	ssyncset.done $0x0  }
0x95: {  	s16 =	sld [smem:$0x10];
	[sflag:s15] =	ssyncadd.s32 $0xFFFFFFFF  }
0x96: {  	s17 =	sld [smem:$0x11];
	(tm) =	ssettm $0x1  }
0x97: {  	s18 =	sld [smem:$0x3FFB];
	_ =	sdelay $0x3  }
0x98: {  	_ =	strace s18  }
0x99: {  	s4 =	sld [smem:$0x3FFC];
	_ =	sdelay $0x3  }
0x9a: {  	_ =	strace s4  }
0x9b: {  	s4 =	sld [smem:$0x3FFD];
	_ =	sdelay $0x3  }
0x9c: {  	_ =	strace s4  }
0x9d: {  	_ =	strace $0x8FFFFFFF  }
0x9e: {  	s19 =	sld [smem:$0x3FDB];
	_ =	sdelay $0x1  }
0x9f: {  	s5 =	simm.s32 $_scs_section_size  }
0xa0: {  	s6 =	simm.s32 $_size__tile_overlayer_lowered;
	s7 =	simm.s32 $_tile_overlayer_lowered  }
0xa1: {  	s22 =	simm.s32 $0x1BFF;
	s21 =	sshll.u32 s7, $0x1;
	s4 =	sadd.s32 s5, s19  }
0xa2: {  	s8 =	simm.s32 $0x0;
	s20 =	sshll.u32 s6, $0x1;
	s6 =	sadd.s32 s21, s4  }
0xa3: {  	[timem:s8], [sflag:s22] =	dma.local [hbm:s6], s20  }
0xa4: {  	_ =	swait.ge [sflag:s22], s20  }
0xa5: {  	s5 =	ssub.s32 $0x0, s20;
	[sflag:s22] =	ssyncset.done $0x0  }
0xa6: {  	[sflag:s22] =	ssyncadd.s32 s5;
	_ =	sdelay $0x1  }
0xa7: {  	s23 =	simm.s32 $0x1B8B  }
0xa8: {  	_ =	swait.ge [sflag:s23], $0x1  }
0xa9: {  	[sflag:s23] =	ssyncset.done $0x0  }
0xaa: {  	s25 =	simm.s32 $0x1B8E;
	s24 =	sld [smem:$0x3FFE];
	[sflag:s23] =	ssyncadd.s32 $0xFFFFFFFF  }
0xab: {  	s26 =	simm.s32 $execute0_lowered;
	[smem:$0x3FD2] =	sst s25  }
0xac: {  	s6 =	sshll.u32 s26, $0x1;
	_ =	strace $0x80000046;
	[dreg:$0x1] =	wrdreg $0xFFFFFFFF  }
0xad: {  	s28 =	simm.s32 $_size_execute0_lowered;
	s4 =	sadd.s32 s4, s6;
	[dreg:$0x0] =	wrdreg $0x0  }
0xae: {  	s6 =	sshll.u32 s28, $0x1;
	[dreg:$0x2] =	wrdreg s4  }
0xaf: {  	[dreg:$0x3] =	wrdreg s6  }
0xb0: {  	[dreg:$0x4] =	wrdreg $0xC0  }
0xb1: {  	_ =	task [dreg:s8], $0x5FFFF  }
0xb2: {  	[dreg:$0x1] =	wrdreg $0xFFFFFFFF  }
0xb3: {  	[dreg:$0x0] =	wrdreg $0x60  }
0xb4: {  	[dreg:$0x2] =	wrdreg s24  }
0xb5: {  	[dreg:$0x3] =	wrdreg s16  }
0xb6: {  	[dreg:$0x4] =	wrdreg s17  }
0xb7: {  	[dreg:$0x5] =	wrdreg $0x41800  }
0xb8: {  	[dreg:$0x6] =	wrdreg $0x181800  }
0xb9: {  	[dreg:$0x7] =	wrdreg $0x9  }
0xba: {  	_ =	task.clear_ibuf [dreg:s8], $0x8FFFF;
	_ =	strace $0x90000046  }
0xbb: {  	s29 =	simm.s32 $0x9;
	_ =	strace $0x80000048  }
0xbc: {  	_ =	swait.ge [sflag:s29], $0x1  }
0xbd: {  	[sflag:s29] =	ssyncadd.s32 $0xFFFFFFFF  }
0xbe: {  	_ =	strace $0x90000048  }
0xbf: {  	_ =	sfence  }
0xc0: {  	s30 =	sld [smem:$0x0];
	_ =	sdelay $0x2  }
0xc1: {  	s31 =	sshll.u32 s1, $0xD;
	s1 =	sshrl.u32 s1, $0x2  }
0xc2: {  	s3 =	sand.u32 $0x4000, s31;
	s1 =	sadd.s32 s1, s30  }
0xc3: {  	s0 =	sor.u32 s3, s0;
	s1 =	sshll.u32 s1, $0x11  }
0xc4: {  	s0 =	sor.u32 s1, s0  }
0xc5: {  	s0 =	sadd.s32 $0x8F2B, s0  }
0xc6: {  	[sflag:s0] =	ssyncadd.remote.s32 $0x1  }
0xc7: {  	_ =	sfence.sel $0xFFFF  }
0xc8: {  	[dreg:$0x0] =	wrdreg $0xFFFFFFFF;
	(pc) =	sbr.abs _section_cstart, $3  }
0xc9: {  	[dreg:$0x1] =	wrdreg $0xFFFFFFFF  }
0xca: {  	_ =	task.clear_ibuf [dreg:s8], $0x2FFFF;
	_ =	strace $0x9FFFFFFF  }
0xcb: {  	(tm) =	ssettm $0x7FFFFFFF  }
tec
execute0_lowered:
.L_overlay_start_1:
0x0: {  	(tag) =	ssettag $0x1  }
0x1: {  	s9 =	rddreg [dreg:$0x0]  }
0x2: {  	s1 =	rddreg [dreg:$0x1]  }
0x3: {  	s2 =	rddreg [dreg:$0x2]  }
0x4: {  	s4 =	rddreg [dreg:$0x3];
	s0 =	stileid.u32  }
0x5: {  	s3 =	srdreg.scid;
	s5 =	rddreg [dreg:$0x4];
	s6 =	simm.s32 $0x0  }
0x6: {  	s19 =	simm.s32 $0x80;
	s20 =	simm.s32 $0x100;
	s21 =	simm.s32 $0x1  }
0x7: {  	s22 =	simm.s32 $0x20;
	s23 =	simm.s32 $0x10;
	s10 =	smul.u32 $0x500, s0  }
0x8: {  	s11 =	sand.u32 $0x1, s3;
	s3 =	rddreg [dreg:$0x5];
	s13 =	smul.u32 $0x14000, s0  }
0x9: {  	s24 =	simm.s32 $0x0;
	[smem:$0x7FF] =	sst s6;
	s26 =	smul.u32 $0x50000, s0  }
0xa: {  	s7 =	sadd.s32 $0x12A00, s9;
	s8 =	sadd.s32 $0x3AA00, s9;
	s17 =	smul.u32 $0xA00, s0  }
0xb: {  	s29 =	sshll.u32 s0, $0x6;
	s12 =	smul.u32 $0x140000, s11;
	_ =	strace $0x80000047  }
0xc: {  	s25 =	sshll.u32 s11, $0x7;
	s15 =	ssub.s32 $0x2, s11;
	s31 =	smul.u32 $0x280, s11  }
0xd: {  	s14 =	sadd.s32 s10, s9;
	s10 =	sor.u32 s25, s10;
	s16 =	sshrl.u32 s15, $0x1  }
0xe: {  	s30 =	sshrl.u32 s17, $0x2;
	s12 =	sadd.s32 s13, s12;
	s10 =	sshrl.u32 s10, $0x3  }
0xf: {  	s13 =	sshrl.u32 s26, $0x2;
	s15 =	ssub.s32 s15, s16;
	s17 =	sadd.s32 s30, s5  }
0x10: {  	s14 =	sadd.s32 s31, s14;
	s16 =	simm.s32 $0x2;
	s12 =	sshrl.u32 s12, $0x3  }
0x11: {  	s18 =	sadd.s32 s10, s9;
	s28 =	sadd.s32 s13, s4;
	s13 =	sadd.s32 $0xDA00, s14  }
0x12: {  	s14 =	sadd.s32 $0x8A00, s14;
	s17 =	sshrl.u32 s17, $0x3;
	s12 =	sadd.s32 s12, s9  }
0x13: {  	s9 =	sor.u32 $0x1C02, s29;
	s11 =	sadd.s32 $0x8D200, s18;
	s18 =	simm.s32 $0x4100  }
0x14: {  	s10 =	sadd.s32 $0x3D200, s12;
	s12 =	smax.u32 s15, $0x1;
	s15 =	sshrl.u32 s28, $0x3  }
.LBB2_1:
0x15: {  	[spmem:s15], [sflag:s9] =	dma.local [hbm:s8], $0x2800  }
0x16: {  	_ =	swait.ge [sflag:s16], $0x2800  }
0x17: {  	[sflag:s16] =	ssyncset.done $0x0  }
0x18: {  	[sflag:s16] =	ssyncadd.s32 $0xFFFFD800  }
0x19: {  	[spmem:s17], [sflag:s9] =	dma.local [hbm:s1], $0x50  }
0x1a: {  	_ =	swait.ge [sflag:s16], $0x50  }
0x1b: {  	[sflag:s16] =	ssyncset.done $0x0  }
0x1c: {  	[sflag:s16] =	ssyncadd.s32 $0xFFFFFFB0  }
0x1d: {  	[tilespmem:s18], [sflag:$0x2] =	stream.linear.gather [hbm4b:s2+s6], $0x80, $0x38;
	[tilespmem:$0x18400] =	vst v63  }
0x1e: {  	_ =	swait.ge [sflag:s16], $0x80  }
0x1f: {  	[sflag:s16] =	ssyncset.done $0x0  }
0x20: {  	[sflag:s16] =	ssyncadd.s32 $0xFFFFFF80  }
0x21: {  	s25 =	sadd.s32 $0x0, s14;
	[bflag:$0x0] =	sbarrier.arrive $0xFFFF  }
0x22: {  	[tilespmem:s6], [sflag:$0x2] =	stream.linear.gather [hbm4b:s25+s6], $0x80, $0x38;
	[tilespmem:$0x18400] =	vst v63  }
0x23: {  	_ =	swait.ge [sflag:s16], $0x80  }
0x24: {  	[sflag:s16] =	ssyncset.done $0x0  }
0x25: {  	s31 =	sadd.s32 $0x0, s13;
	[sflag:s16] =	ssyncadd.s32 $0xFFFFFF80  }
0x26: {  	[tilespmem:s19], [sflag:$0x2] =	stream.linear.gather [hbm4b:s31+s6], $0x80, $0x38;
	[tilespmem:$0x18400] =	vst v63  }
0x27: {  	_ =	swait.ge [sflag:s16], $0x80  }
0x28: {  	[sflag:s16] =	ssyncset.done $0x0  }
0x29: {  	[sflag:s16] =	ssyncadd.s32 $0xFFFFFF80  }
0x2a: {  	[tilespmem:s20], [sflag:$0x1] =	stream.indirect.gather [hbm4b:s7+s19], $0x80, s6, s19, $0xb8;
	[tilespmem:$0x18400] =	vst v63  }
0x2b: {  	_ =	swait.ge [sflag:s21], $0x4000  }
0x2c: {  	[sflag:s21] =	ssyncset.done $0x0  }
0x2d: {  	[sflag:s21] =	ssyncadd.s32 $0xFFFFC000  }
0x2e: {  	[spmem:s4] =	stream.indirect.scatter.add.f32 [tilespmem:s20], [sflag:$0x2], $0x80, s19, s19, $0xb8;
	[tilespmem:$0x18400] =	vst v63  }
0x2f: {  	_ =	swait.ge [sflag:s16], $0x4000  }
0x30: {  	[sflag:s16] =	ssyncset.done $0x0  }
0x31: {  	[sflag:s16] =	ssyncadd.s32 $0xFFFFC000  }
0x32: {  	[spmem:s5] =	stream.indirect.scatter.add.f32 [tilespmem:s18], [sflag:$0x2], $0x1, s19, s19, $0xb8;
	[tilespmem:$0x18400] =	vst v63  }
0x33: {  	_ =	swait.ge [sflag:s16], $0x80  }
0x34: {  	s26 =	simm.s32 $0x20;
	s25 =	simm.s32 $0x10;
	[sflag:s16] =	ssyncset.done $0x0  }
.LBB2_2:
0x35: {  	s28 =	sadd.s32 s25, s14  }
0x36: {  	[sflag:s16] =	ssyncadd.s32 $0xFFFFFF80;
	s29 =	smov.u32 s26;
	s30 =	sadd.s32 $0x10, s26  }
0x37: {  	[tilespmem:s6], [sflag:$0x2] =	stream.linear.gather [hbm4b:s28+s6], $0x80, $0x38;
	[tilespmem:$0x18400] =	vst v63  }
0x38: {  	p0 =	sne.s32 s26, $0x270;
	_ =	swait.ge [sflag:s16], $0x80  }
0x39: {  	[sflag:s16] =	ssyncset.done $0x0  }
0x3a: {  	s26 =	sadd.s32 s25, s13;
	s25 =	smov.u32 s29;
	[sflag:s16] =	ssyncadd.s32 $0xFFFFFF80  }
0x3b: {  	[tilespmem:s19], [sflag:$0x2] =	stream.linear.gather [hbm4b:s26+s6], $0x80, $0x38;
	[tilespmem:$0x18400] =	vst v63  }
0x3c: {  	_ =	swait.ge [sflag:s16], $0x80  }
0x3d: {  	[sflag:s16] =	ssyncset.done $0x0  }
0x3e: {  	[sflag:s16] =	ssyncadd.s32 $0xFFFFFF80  }
0x3f: {  	[tilespmem:s20], [sflag:$0x1] =	stream.indirect.gather [hbm4b:s7+s19], $0x80, s6, s19, $0xb8;
	[tilespmem:$0x18400] =	vst v63  }
0x40: {  	_ =	swait.ge [sflag:s21], $0x4000  }
0x41: {  	[sflag:s21] =	ssyncset.done $0x0  }
0x42: {  	[sflag:s21] =	ssyncadd.s32 $0xFFFFC000  }
0x43: {  	[spmem:s4] =	stream.indirect.scatter.add.f32 [tilespmem:s20], [sflag:$0x2], $0x80, s19, s19, $0xb8;
	[tilespmem:$0x18400] =	vst v63  }
0x44: {  	_ =	swait.ge [sflag:s16], $0x4000  }
.Ltmp0:
0x45: {  	[sflag:s16] =	ssyncset.done $0x0;
	(pc) =	sbr.rel @p0 .LBB2_2-.Ltmp0, $4  }
0x46: {  	[sflag:s16] =	ssyncadd.s32 $0xFFFFC000  }
0x47: {  	[spmem:s5] =	stream.indirect.scatter.add.f32 [tilespmem:s18], [sflag:$0x2], $0x1, s19, s19, $0xb8;
	[tilespmem:$0x18400] =	vst v63  }
0x48: {  	_ =	swait.ge [sflag:s16], $0x80  }
0x49: {  	s26 =	smov.u32 s30;
	[sflag:s16] =	ssyncset.done $0x0  }
0x4a: {  	s26 =	sadd.s32 s25, s14;
	[sflag:s16] =	ssyncadd.s32 $0xFFFFFF80  }
0x4b: {  	[tilespmem:s6], [sflag:$0x2] =	stream.linear.gather [hbm4b:s26+s6], $0x80, $0x38;
	[tilespmem:$0x18400] =	vst v63  }
0x4c: {  	_ =	swait.ge [sflag:s16], $0x80  }
0x4d: {  	[sflag:s16] =	ssyncset.done $0x0  }
0x4e: {  	s31 =	sadd.s32 s25, s13;
	[sflag:s16] =	ssyncadd.s32 $0xFFFFFF80  }
0x4f: {  	[tilespmem:s19], [sflag:$0x2] =	stream.linear.gather [hbm4b:s31+s6], $0x80, $0x38;
	[tilespmem:$0x18400] =	vst v63  }
0x50: {  	_ =	swait.ge [sflag:s16], $0x80  }
0x51: {  	[sflag:s16] =	ssyncset.done $0x0  }
0x52: {  	[sflag:s16] =	ssyncadd.s32 $0xFFFFFF80  }
0x53: {  	[tilespmem:s20], [sflag:$0x1] =	stream.indirect.gather [hbm4b:s7+s19], $0x80, s6, s19, $0xb8;
	[tilespmem:$0x18400] =	vst v63  }
0x54: {  	_ =	swait.ge [sflag:s21], $0x4000  }
0x55: {  	[sflag:s21] =	ssyncset.done $0x0  }
0x56: {  	[sflag:s21] =	ssyncadd.s32 $0xFFFFC000  }
0x57: {  	[spmem:s4] =	stream.indirect.scatter.add.f32 [tilespmem:s20], [sflag:$0x2], $0x80, s19, s19, $0xb8;
	[tilespmem:$0x18400] =	vst v63  }
0x58: {  	_ =	swait.ge [sflag:s16], $0x4000  }
0x59: {  	[sflag:s16] =	ssyncset.done $0x0  }
0x5a: {  	[sflag:s16] =	ssyncadd.s32 $0xFFFFC000  }
0x5b: {  	[spmem:s5] =	stream.indirect.scatter.add.f32 [tilespmem:s18], [sflag:$0x2], $0x1, s19, s19, $0xb8;
	[tilespmem:$0x18400] =	vst v63  }
0x5c: {  	_ =	swait.ge [sflag:s16], $0x80  }
0x5d: {  	[sflag:s16] =	ssyncset.done $0x0  }
0x5e: {  	[sflag:s16] =	ssyncadd.s32 $0xFFFFFF80  }
0x5f: {  	[bflag:$0x0] =	sbarrier.arrive $0xFFFF  }
0x60: {  	[hbm:s10], [sflag:s9] =	dma.local [spmem:s15], $0x2800  }
0x61: {  	s24 =	sadd.s32 $0x1, s24;
	_ =	swait.ge [sflag:s16], $0x2800  }
0x62: {  	p0 =	sne.s32 s24, s12;
	[sflag:s16] =	ssyncset.done $0x0  }
.Ltmp1:
0x63: {  	[sflag:s16] =	ssyncadd.s32 $0xFFFFD800;
	(pc) =	sbr.rel @p0 .LBB2_1-.Ltmp1, $4  }
0x64: {  	[hbm:s11@s22], [sflag:s9] =	dma.strided [spmem:s17@s23], $0x50, s21, $0x10   }
0x65: {  	_ =	swait.ge [sflag:s16], $0x50  }
0x66: {  	[sflag:s16] =	ssyncset.done $0x0  }
0x67: {  	[sflag:s16] =	ssyncadd.s32 $0xFFFFFFB0  }
0x68: {  	_ =	sfence.sel $0x180000  }
0x69: {  	[bflag:$0x0] =	sbarrier.arrive $0xFFFF  }
0x6a: {  	p0 =	sne.s32 s0, $0x0;
	_ =	strace $0x90000047  }
0x6b: {  	s0 =	sadd.s32 @!p0 $0x100000, s3;
	[bflag:$0x2] =	sbarrier.arrive $0xFFFF  }
0x6c: {  	[sflag:s0] =	ssyncadd.tile.s32 @!p0 $0x1;
	_ =	shalt  }
.Lfunc_end2:
_tile_overlayer_lowered:
.L_overlay_start_2:
0x6d: {  	(tag) =	ssettag $0x2  }
0x6e: {  	s0 =	rddreg [dreg:$0x0];
	s2 =	stileid.u32  }
0x6f: {  	s1 =	rddreg [dreg:$0x1];
	p0 =	sne.s32 s2, $0x0  }
0x70: {  	s3 =	rddreg [dreg:$0x2];
	[bflag:$0x3] =	sbarrier.arrive $0xFFFF;
	s2 =	simm.s32 @!p0 $0x1C02  }
0x71: {  	[timem:s3], [sflag:s2] =	dma.local @!p0 [hbm:s0], s1  }
0x72: {  	s0 =	simm.s32 @!p0 $0x2  }
0x73: {  	_ =	swait.ge @!p0 [sflag:s0], s1  }
0x74: {  	s1 =	ssub.s32 @!p0 $0x0, s1;
	[sflag:s0] =	ssyncset.done @!p0 $0x0  }
0x75: {  	[sflag:s0] =	ssyncadd.s32 @!p0 s1  }
0x76: {  	[bflag:$0x3] =	sbarrier.arrive $0xFFFF  }
0x77: {  	_ =	shalt  }

// kernel: kernel.19.cloned.1.call-start
scs
__scs_entry_jumppad:
0x0: {  	(pc) =	sbr.rel $0x88, $3  }
0x1: {  	(tag) =	ssettag $0x0;
	lr =	simm.s32 $0x1  }
0x2: {  	[smem:$0x3F8A] =	sst lr;
	_ =	strace $0xD0000000  }
0x3: {  	_ = 	snop  }
0x4: {  	_ = 	snop  }
0x5: {  	_ = 	snop  }
0x6: {  	_ = 	snop  }
0x7: {  	_ = 	snop  }
__scs_overlays_trampoline_lowered:
0x8: {  	[smem:$0x3F99] =	sst s0  }
0x9: {  	[smem:$0x3F9A] =	sst s1  }
0xa: {  	[smem:$0x3F9B] =	sst s2  }
0xb: {  	[smem:$0x3F9C] =	sst s3  }
0xc: {  	[smem:$0x3F9D] =	sst s4  }
0xd: {  	[smem:$0x3F9E] =	sst s5  }
0xe: {  	[smem:$0x3F9F] =	sst s6  }
0xf: {  	[smem:$0x3FA0] =	sst s7  }
0x10: {  	[smem:$0x3FA1] =	sst s8  }
0x11: {  	[smem:$0x3FA2] =	sst s9;
	s0 =	simm.s32 @!p0 $0x0  }
0x12: {  	s1 =	sld [smem:$0x3F88];
	s0 =	simm.s32 @p0 $0x1  }
0x13: {  	[smem:$0x3FA3] =	sst s0;
	s0 =	simm.s32 @!p1 $0x0  }
0x14: {  	s2 =	sld [smem:$0x3F87];
	s0 =	simm.s32 @p1 $0x1  }
0x15: {  	[smem:$0x3FA4] =	sst s0;
	s0 =	simm.s32 @!p2 $0x0  }
0x16: {  	s3 =	sld [smem:$0x3FDB];
	s0 =	simm.s32 @p2 $0x1  }
0x17: {  	s4 =	simm.s32 $0x1BF5;
	[smem:$0x3FA6] =	sst s0  }
0x18: {  	s0 =	sld [smem:$0x3F89];
	_ =	swait.ge [sflag:s4], $0x0  }
0x19: {  	s7 =	sld [smem:$0x3F8A]  }
0x1a: {  	s8 =	sadd.s32 $0xFFFFE003, lr  }
0x1b: {  	s9 =	sadd.s32 $0xFFFFFEF7, lr;
	s5 =	simm.s32 $0xFFFFFFFF;
	p2 =	slt.u32 s8, $0xFFFFF086  }
0x1c: {  	p1 =	slt.u32 s9, $0xF7A;
	s5 =	simm.s32 @!p2 $0x0  }
0x1d: {  	s5 =	simm.s32 @p1 $0x1;
	p0 =	seq.s32 s7, s2  }
0x1e: {  	s7 =	smul.u32 @!p0 $0xF7A, s2;
	p2 =	seq.s32 @!p0 s5, $0x0  }
0x1f: {  	s9 =	smul.u32 $0xF7A, s1;
	s8 =	simm.s32 @!p0 $0x1BF5;
	p2 =	por !p2, p0  }
0x20: {  	[sflag:s8] =	ssyncset.s32 @!p0 $0xFFFFF086;
	s6 =	sadd.s32 @!p0 s3, s7;
	s7 =	simm.s32 @!p0 $0x108  }
0x21: {  	s3 =	sadd.s32 s3, s9;
	s6 =	sadd.s32 @!p0 $0x88, s6;
	s7 =	simm.s32 @p2 $0x1082  }
0x22: {  	[simem:s7], [sflag:s8] =	dma.local @!p0 [hbm:s6], $0xF7A  }
0x23: {  	s9 =	sor.u32 $0xD0000000, s2;
	s6 =	simm.s32 $0x108;
	_ =	swait.ge @!p0 [sflag:s8], $0x0  }
0x24: {  	s3 =	sadd.s32 $0x88, s3;
	s6 =	simm.s32 @!p1 $0x1082;
	[sflag:s4] =	ssyncset.s32 $0xFFFFF086  }
0x25: {  	[simem:s6], [sflag:s4] =	dma.local [hbm:s3], $0xF7A  }
0x26: {  	[smem:$0x3F8A] =	sst s1;
	(tag) =	ssettag s2;
	_ =	strace s9  }
0x27: {  	s1 =	sld [smem:$0x3F9A]  }
0x28: {  	s2 =	sld [smem:$0x3F9B]  }
0x29: {  	s4 =	sld [smem:$0x3F9D]  }
0x2a: {  	p0 =	seq.s32 s5, $0x0;
	s5 =	sld [smem:$0x3F9E]  }
0x2b: {  	s6 =	sld [smem:$0x3F9F]  }
0x2c: {  	s7 =	sld [smem:$0x3FA0]  }
0x2d: {  	s3 =	simm.s32 $0x108;
	s8 =	sld [smem:$0x3FA1]  }
0x2e: {  	s3 =	simm.s32 @!p0 $0x1082;
	s9 =	sld [smem:$0x3FA2]  }
0x2f: {  	lr =	sadd.s32 s0, s3;
	s0 =	sld [smem:$0x3F99]  }
0x30: {  	s3 =	sld [smem:$0x3F9C]  }
0x31: {  	[smem:$0x3FA5] =	sst s10  }
0x32: {  	s10 =	sld [smem:$0x3FA3];
	_ =	sdelay $0x3  }
0x33: {  	p0 =	seq.s32 s10, $0x1;
	s10 =	sld [smem:$0x3FA5];
	_ =	sdelay $0x3  }
0x34: {  	[smem:$0x3FA5] =	sst s10  }
0x35: {  	s10 =	sld [smem:$0x3FA4];
	_ =	sdelay $0x3  }
0x36: {  	p1 =	seq.s32 s10, $0x1;
	s10 =	sld [smem:$0x3FA5];
	_ =	sdelay $0x3  }
0x37: {  	[smem:$0x3FA5] =	sst s10  }
0x38: {  	s10 =	sld [smem:$0x3FA6]  }
0x39: {  	_ = 	snop;
	(pc) =	sbr.ind lr, $3  }
0x3a: {  	_ = 	snop  }
0x3b: {  	_ = 	snop  }
0x3c: {  	p2 =	seq.s32 s10, $0x1;
	s10 =	sld [smem:$0x3FA5]  }
0x3d: {  	_ =	shalt  }
0x3e: {  	_ =	shalt  }
0x3f: {  	_ =	shalt  }
0x40: {  	_ =	shalt  }
0x41: {  	_ =	shalt  }
0x42: {  	_ =	shalt  }
0x43: {  	_ =	shalt  }
0x44: {  	_ =	shalt  }
0x45: {  	_ =	shalt  }
0x46: {  	_ =	shalt  }
0x47: {  	_ =	shalt  }
0x48: {  	_ =	shalt  }
0x49: {  	_ =	shalt  }
0x4a: {  	_ =	shalt  }
0x4b: {  	_ =	shalt  }
0x4c: {  	_ =	shalt  }
0x4d: {  	_ =	shalt  }
0x4e: {  	_ =	shalt  }
0x4f: {  	_ =	shalt  }
0x50: {  	_ =	shalt  }
0x51: {  	_ =	shalt  }
0x52: {  	_ =	shalt  }
0x53: {  	_ =	shalt  }
0x54: {  	_ =	shalt  }
0x55: {  	_ =	shalt  }
0x56: {  	_ =	shalt  }
0x57: {  	_ =	shalt  }
0x58: {  	_ =	shalt  }
0x59: {  	_ =	shalt  }
0x5a: {  	_ =	shalt  }
0x5b: {  	_ =	shalt  }
0x5c: {  	_ =	shalt  }
0x5d: {  	_ =	shalt  }
0x5e: {  	_ =	shalt  }
0x5f: {  	_ =	shalt  }
0x60: {  	_ =	shalt  }
0x61: {  	_ =	shalt  }
0x62: {  	_ =	shalt  }
0x63: {  	_ =	shalt  }
0x64: {  	_ =	shalt  }
0x65: {  	_ =	shalt  }
0x66: {  	_ =	shalt  }
0x67: {  	_ =	shalt  }
0x68: {  	_ =	shalt  }
0x69: {  	_ =	shalt  }
0x6a: {  	_ =	shalt  }
0x6b: {  	_ =	shalt  }
0x6c: {  	_ =	shalt  }
0x6d: {  	_ =	shalt  }
0x6e: {  	_ =	shalt  }
0x6f: {  	_ =	shalt  }
0x70: {  	_ =	shalt  }
0x71: {  	_ =	shalt  }
0x72: {  	_ =	shalt  }
0x73: {  	_ =	shalt  }
0x74: {  	_ =	shalt  }
0x75: {  	_ =	shalt  }
0x76: {  	_ =	shalt  }
0x77: {  	_ =	shalt  }
0x78: {  	_ =	shalt  }
0x79: {  	_ =	shalt  }
0x7a: {  	_ =	shalt  }
0x7b: {  	_ =	shalt  }
0x7c: {  	_ =	shalt  }
0x7d: {  	_ =	shalt  }
0x7e: {  	_ =	shalt  }
0x7f: {  	_ =	shalt  }
0x80: {  	_ =	shalt  }
0x81: {  	_ =	shalt  }
0x82: {  	_ =	shalt  }
0x83: {  	_ =	shalt  }
0x84: {  	_ =	shalt  }
0x85: {  	_ =	shalt  }
0x86: {  	_ =	shalt  }
0x87: {  	_ =	shalt  }
.Lfunc_end0:
.L_simem_size_0:
called_computation.1_lowered:
.L_overlay_start_0:
0x88: {  	s2 =	sld [smem:$0x3FD9]  }
0x89: {  	s3 =	sld [smem:$0x3FFE];
	_ =	sdelay $0x1  }
0x8a: {  	s1 =	srdreg.scid  }
0x8b: {  	s0 =	sand.u32 $0x1, s1  }
0x8c: {  	s16 =	sshll.u32 s0, $0xA;
	s2 =	sadd.s32 s3, s2  }
0x8d: {  	s2 =	sadd.s32 s2, s16  }
0x8e: {  	[smem:$0x3FB1] =	sst s2  }
0x8f: {  	_ = 	snop  }
0x90: {  	(tm) =	ssettm $0x1  }
0x91: {  	s17 =	sld [smem:$0x3FFB];
	_ =	sdelay $0x3  }
0x92: {  	_ =	strace s17  }
0x93: {  	s2 =	sld [smem:$0x3FFC];
	_ =	sdelay $0x3  }
0x94: {  	_ =	strace s2  }
0x95: {  	s2 =	sld [smem:$0x3FFD];
	_ =	sdelay $0x3  }
0x96: {  	_ =	strace s2  }
0x97: {  	_ =	strace $0x8FFFFFFF  }
0x98: {  	s18 =	sld [smem:$0x3FDB];
	_ =	sdelay $0x1  }
0x99: {  	s19 =	simm.s32 $_scs_section_size  }
0x9a: {  	s4 =	simm.s32 $_size__tile_overlayer_lowered;
	s5 =	simm.s32 $_tile_overlayer_lowered  }
0x9b: {  	s22 =	simm.s32 $0x1BFF;
	s21 =	sshll.u32 s5, $0x1;
	s2 =	sadd.s32 s19, s18  }
0x9c: {  	s6 =	simm.s32 $0x0;
	s20 =	sshll.u32 s4, $0x1;
	s4 =	sadd.s32 s21, s2  }
0x9d: {  	[timem:s6], [sflag:s22] =	dma.local [hbm:s4], s20  }
0x9e: {  	_ =	swait.ge [sflag:s22], s20  }
0x9f: {  	s3 =	ssub.s32 $0x0, s20;
	[sflag:s22] =	ssyncset.done $0x0  }
0xa0: {  	[sflag:s22] =	ssyncadd.s32 s3;
	_ =	sdelay $0x1  }
0xa1: {  	s23 =	simm.s32 $0x1B8B  }
0xa2: {  	_ =	swait.ge [sflag:s23], $0x1  }
0xa3: {  	[sflag:s23] =	ssyncset.done $0x0  }
0xa4: {  	s25 =	simm.s32 $0x1B8E;
	s24 =	sld [smem:$0x3FFE];
	[sflag:s23] =	ssyncadd.s32 $0xFFFFFFFF  }
0xa5: {  	s26 =	simm.s32 $execute0_lowered;
	[smem:$0x3FD2] =	sst s25  }
0xa6: {  	s4 =	sshll.u32 s26, $0x1;
	_ =	strace $0x80000049;
	[dreg:$0x1] =	wrdreg $0xFFFFFFFF  }
0xa7: {  	s28 =	simm.s32 $_size_execute0_lowered;
	s2 =	sadd.s32 s2, s4;
	[dreg:$0x0] =	wrdreg $0x0  }
0xa8: {  	s4 =	sshll.u32 s28, $0x1;
	[dreg:$0x2] =	wrdreg s2  }
0xa9: {  	[dreg:$0x3] =	wrdreg s4  }
0xaa: {  	[dreg:$0x4] =	wrdreg $0xC0  }
0xab: {  	_ =	task [dreg:s6], $0x5FFFF  }
0xac: {  	[dreg:$0x1] =	wrdreg $0xFFFFFFFF  }
0xad: {  	[dreg:$0x0] =	wrdreg $0x60  }
0xae: {  	[dreg:$0x2] =	wrdreg s24  }
0xaf: {  	[dreg:$0x3] =	wrdreg $0x41000  }
0xb0: {  	[dreg:$0x4] =	wrdreg $0x9  }
0xb1: {  	_ =	task.clear_ibuf [dreg:s6], $0x5FFFF;
	_ =	strace $0x90000049  }
0xb2: {  	s29 =	simm.s32 $0x9;
	_ =	strace $0x8000004B  }
0xb3: {  	_ =	swait.ge [sflag:s29], $0x1  }
0xb4: {  	[sflag:s29] =	ssyncadd.s32 $0xFFFFFFFF  }
0xb5: {  	_ =	strace $0x9000004B  }
0xb6: {  	_ =	sfence  }
0xb7: {  	s30 =	sld [smem:$0x0];
	_ =	sdelay $0x2  }
0xb8: {  	s31 =	sshll.u32 s1, $0xD;
	s1 =	sshrl.u32 s1, $0x2  }
0xb9: {  	s3 =	sand.u32 $0x4000, s31;
	s1 =	sadd.s32 s1, s30  }
0xba: {  	s0 =	sor.u32 s3, s0;
	s1 =	sshll.u32 s1, $0x11  }
0xbb: {  	s0 =	sor.u32 s1, s0  }
0xbc: {  	s0 =	sadd.s32 $0x8F2B, s0  }
0xbd: {  	[sflag:s0] =	ssyncadd.remote.s32 $0x1  }
0xbe: {  	_ =	sfence.sel $0xFFFF  }
0xbf: {  	[dreg:$0x0] =	wrdreg $0xFFFFFFFF;
	(pc) =	sbr.abs _section_cstart, $3  }
0xc0: {  	[dreg:$0x1] =	wrdreg $0xFFFFFFFF  }
0xc1: {  	_ =	task.clear_ibuf [dreg:s6], $0x2FFFF;
	_ =	strace $0x9FFFFFFF  }
0xc2: {  	(tm) =	ssettm $0x7FFFFFFF  }
0xc3: {  	_ =	shalt  }
tec
execute0_lowered:
.L_overlay_start_1:
0x0: {  	(tag) =	ssettag $0x1  }
0x1: {  	s6 =	rddreg [dreg:$0x0];
	s0 =	srdreg.scid  }
0x2: {  	s2 =	rddreg [dreg:$0x1];
	s1 =	stileid.u32;
	s3 =	simm.s32 $0x0  }
0x3: {  	s14 =	simm.s32 $0x100;
	s15 =	simm.s32 $0x1;
	s8 =	smul.u32 $0x14000, s1  }
0x4: {  	s7 =	sand.u32 $0x1, s0;
	s0 =	rddreg [dreg:$0x2];
	s9 =	smul.u32 $0x500, s1  }
0x5: {  	s16 =	simm.s32 $0x0;
	[smem:$0x7FF] =	sst s3;
	s10 =	smul.u32 $0x50000, s1  }
0x6: {  	s4 =	sadd.s32 $0x12A00, s6;
	s30 =	sshll.u32 s1, $0x6;
	s5 =	smul.u32 $0x140000, s7  }
0x7: {  	_ =	strace $0x8000004A;
	s29 =	ssub.s32 $0x2, s7;
	s12 =	smul.u32 $0x280, s7  }
0x8: {  	s26 =	sadd.s32 s9, s6;
	s11 =	sshrl.u32 s29, $0x1;
	s10 =	sshrl.u32 s10, $0x2  }
0x9: {  	s5 =	sadd.s32 s8, s5;
	s11 =	ssub.s32 s29, s11;
	s13 =	sadd.s32 s10, s2  }
0xa: {  	s31 =	sadd.s32 s12, s26;
	s12 =	simm.s32 $0x2;
	s28 =	sshrl.u32 s5, $0x3  }
0xb: {  	s5 =	sadd.s32 $0x3AA00, s6;
	s8 =	smax.u32 s11, $0x1;
	s10 =	sadd.s32 $0x8A00, s31  }
0xc: {  	s11 =	sshrl.u32 s13, $0x3;
	s13 =	simm.s32 $0x80;
	s9 =	sadd.s32 s28, s6  }
0xd: {  	s6 =	sor.u32 $0x1C02, s30;
	s7 =	sadd.s32 $0x65200, s9;
	s9 =	sadd.s32 $0xDA00, s31  }
.LBB2_1:
0xe: {  	[spmem:s11], [sflag:s6] =	dma.local [hbm:s5], $0x2800  }
0xf: {  	_ =	swait.ge [sflag:s12], $0x2800  }
0x10: {  	[sflag:s12] =	ssyncset.done $0x0  }
0x11: {  	[sflag:s12] =	ssyncadd.s32 $0xFFFFD800  }
0x12: {  	s17 =	sadd.s32 $0x0, s10;
	[bflag:$0x0] =	sbarrier.arrive $0xFFFF  }
0x13: {  	[tilespmem:s3], [sflag:$0x2] =	stream.linear.gather [hbm4b:s17+s3], $0x80, $0x38;
	[tilespmem:$0x18100] =	vst v63  }
0x14: {  	_ =	swait.ge [sflag:s12], $0x80  }
0x15: {  	[sflag:s12] =	ssyncset.done $0x0  }
0x16: {  	s31 =	sadd.s32 $0x0, s9;
	[sflag:s12] =	ssyncadd.s32 $0xFFFFFF80  }
0x17: {  	[tilespmem:s13], [sflag:$0x2] =	stream.linear.gather [hbm4b:s31+s3], $0x80, $0x38;
	[tilespmem:$0x18100] =	vst v63  }
0x18: {  	_ =	swait.ge [sflag:s12], $0x80  }
0x19: {  	[sflag:s12] =	ssyncset.done $0x0  }
0x1a: {  	[sflag:s12] =	ssyncadd.s32 $0xFFFFFF80  }
0x1b: {  	[tilespmem:s14], [sflag:$0x1] =	stream.indirect.gather [hbm4b:s4+s13], $0x80, s3, s13, $0xb8;
	[tilespmem:$0x18100] =	vst v63  }
0x1c: {  	_ =	swait.ge [sflag:s15], $0x4000  }
0x1d: {  	[sflag:s15] =	ssyncset.done $0x0  }
0x1e: {  	[sflag:s15] =	ssyncadd.s32 $0xFFFFC000  }
0x1f: {  	[spmem:s2] =	stream.indirect.scatter.add.f32 [tilespmem:s14], [sflag:$0x2], $0x80, s13, s13, $0xb8;
	[tilespmem:$0x18100] =	vst v63  }
0x20: {  	_ =	swait.ge [sflag:s12], $0x4000  }
0x21: {  	s18 =	simm.s32 $0x20;
	s17 =	simm.s32 $0x10;
	[sflag:s12] =	ssyncset.done $0x0  }
.LBB2_2:
0x22: {  	s19 =	sadd.s32 s17, s10  }
0x23: {  	[sflag:s12] =	ssyncadd.s32 $0xFFFFC000;
	s20 =	smov.u32 s18;
	s21 =	sadd.s32 $0x10, s18  }
0x24: {  	[tilespmem:s3], [sflag:$0x2] =	stream.linear.gather [hbm4b:s19+s3], $0x80, $0x38;
	[tilespmem:$0x18100] =	vst v63  }
0x25: {  	p0 =	sne.s32 s18, $0x270;
	_ =	swait.ge [sflag:s12], $0x80  }
0x26: {  	[sflag:s12] =	ssyncset.done $0x0  }
0x27: {  	s18 =	sadd.s32 s17, s9;
	s17 =	smov.u32 s20;
	[sflag:s12] =	ssyncadd.s32 $0xFFFFFF80  }
0x28: {  	[tilespmem:s13], [sflag:$0x2] =	stream.linear.gather [hbm4b:s18+s3], $0x80, $0x38;
	[tilespmem:$0x18100] =	vst v63  }
0x29: {  	_ =	swait.ge [sflag:s12], $0x80  }
0x2a: {  	[sflag:s12] =	ssyncset.done $0x0  }
0x2b: {  	[sflag:s12] =	ssyncadd.s32 $0xFFFFFF80  }
0x2c: {  	[tilespmem:s14], [sflag:$0x1] =	stream.indirect.gather [hbm4b:s4+s13], $0x80, s3, s13, $0xb8;
	[tilespmem:$0x18100] =	vst v63  }
0x2d: {  	_ =	swait.ge [sflag:s15], $0x4000  }
.Ltmp0:
0x2e: {  	[sflag:s15] =	ssyncset.done $0x0;
	(pc) =	sbr.rel @p0 .LBB2_2-.Ltmp0, $4  }
0x2f: {  	[sflag:s15] =	ssyncadd.s32 $0xFFFFC000  }
0x30: {  	[spmem:s2] =	stream.indirect.scatter.add.f32 [tilespmem:s14], [sflag:$0x2], $0x80, s13, s13, $0xb8;
	[tilespmem:$0x18100] =	vst v63  }
0x31: {  	_ =	swait.ge [sflag:s12], $0x4000  }
0x32: {  	s18 =	smov.u32 s21;
	[sflag:s12] =	ssyncset.done $0x0  }
0x33: {  	s18 =	sadd.s32 s17, s10;
	[sflag:s12] =	ssyncadd.s32 $0xFFFFC000  }
0x34: {  	[tilespmem:s3], [sflag:$0x2] =	stream.linear.gather [hbm4b:s18+s3], $0x80, $0x38;
	[tilespmem:$0x18100] =	vst v63  }
0x35: {  	_ =	swait.ge [sflag:s12], $0x80  }
0x36: {  	[sflag:s12] =	ssyncset.done $0x0  }
0x37: {  	s31 =	sadd.s32 s17, s9;
	[sflag:s12] =	ssyncadd.s32 $0xFFFFFF80  }
0x38: {  	[tilespmem:s13], [sflag:$0x2] =	stream.linear.gather [hbm4b:s31+s3], $0x80, $0x38;
	[tilespmem:$0x18100] =	vst v63  }
0x39: {  	_ =	swait.ge [sflag:s12], $0x80  }
0x3a: {  	[sflag:s12] =	ssyncset.done $0x0  }
0x3b: {  	[sflag:s12] =	ssyncadd.s32 $0xFFFFFF80  }
0x3c: {  	[tilespmem:s14], [sflag:$0x1] =	stream.indirect.gather [hbm4b:s4+s13], $0x80, s3, s13, $0xb8;
	[tilespmem:$0x18100] =	vst v63  }
0x3d: {  	_ =	swait.ge [sflag:s15], $0x4000  }
0x3e: {  	[sflag:s15] =	ssyncset.done $0x0  }
0x3f: {  	[sflag:s15] =	ssyncadd.s32 $0xFFFFC000  }
0x40: {  	[spmem:s2] =	stream.indirect.scatter.add.f32 [tilespmem:s14], [sflag:$0x2], $0x80, s13, s13, $0xb8;
	[tilespmem:$0x18100] =	vst v63  }
0x41: {  	_ =	swait.ge [sflag:s12], $0x4000  }
0x42: {  	s16 =	sadd.s32 $0x1, s16;
	[sflag:s12] =	ssyncset.done $0x0  }
0x43: {  	p0 =	sne.s32 s16, s8;
	[sflag:s12] =	ssyncadd.s32 $0xFFFFC000  }
.Ltmp1:
0x44: {  	[bflag:$0x0] =	sbarrier.arrive $0xFFFF;
	(pc) =	sbr.rel @p0 .LBB2_1-.Ltmp1, $4  }
0x45: {  	[hbm:s7], [sflag:s6] =	dma.local [spmem:s11], $0x2800  }
0x46: {  	_ =	swait.ge [sflag:s12], $0x2800  }
0x47: {  	[sflag:s12] =	ssyncset.done $0x0  }
0x48: {  	[sflag:s12] =	ssyncadd.s32 $0xFFFFD800  }
0x49: {  	_ =	sfence.sel $0x180000  }
0x4a: {  	[bflag:$0x0] =	sbarrier.arrive $0xFFFF  }
0x4b: {  	p0 =	sne.s32 s1, $0x0;
	_ =	strace $0x9000004A  }
0x4c: {  	s0 =	sadd.s32 @!p0 $0x100000, s0;
	[bflag:$0x2] =	sbarrier.arrive $0xFFFF  }
0x4d: {  	[sflag:s0] =	ssyncadd.tile.s32 @!p0 $0x1;
	_ =	shalt  }
.Lfunc_end2:
_tile_overlayer_lowered:
.L_overlay_start_2:
0x4e: {  	(tag) =	ssettag $0x2  }
0x4f: {  	s0 =	rddreg [dreg:$0x0];
	s2 =	stileid.u32  }
0x50: {  	s1 =	rddreg [dreg:$0x1];
	p0 =	sne.s32 s2, $0x0  }
0x51: {  	s3 =	rddreg [dreg:$0x2];
	[bflag:$0x3] =	sbarrier.arrive $0xFFFF;
	s2 =	simm.s32 @!p0 $0x1C02  }
0x52: {  	[timem:s3], [sflag:s2] =	dma.local @!p0 [hbm:s0], s1  }
0x53: {  	s0 =	simm.s32 @!p0 $0x2  }
0x54: {  	_ =	swait.ge @!p0 [sflag:s0], s1  }
0x55: {  	s1 =	ssub.s32 @!p0 $0x0, s1;
	[sflag:s0] =	ssyncset.done @!p0 $0x0  }
0x56: {  	[sflag:s0] =	ssyncadd.s32 @!p0 s1  }
0x57: {  	[bflag:$0x3] =	sbarrier.arrive $0xFFFF  }
0x58: {  	_ =	shalt  }

// kernel: kernel.22.cloned.1.call-start
scs
__scs_entry_jumppad:
0x0: {  	(pc) =	sbr.rel $0x88, $3  }
0x1: {  	(tag) =	ssettag $0x0;
	lr =	simm.s32 $0x1  }
0x2: {  	[smem:$0x3F8A] =	sst lr;
	_ =	strace $0xD0000000  }
0x3: {  	_ = 	snop  }
0x4: {  	_ = 	snop  }
0x5: {  	_ = 	snop  }
0x6: {  	_ = 	snop  }
0x7: {  	_ = 	snop  }
__scs_overlays_trampoline_lowered:
0x8: {  	[smem:$0x3F99] =	sst s0  }
0x9: {  	[smem:$0x3F9A] =	sst s1  }
0xa: {  	[smem:$0x3F9B] =	sst s2  }
0xb: {  	[smem:$0x3F9C] =	sst s3  }
0xc: {  	[smem:$0x3F9D] =	sst s4  }
0xd: {  	[smem:$0x3F9E] =	sst s5  }
0xe: {  	[smem:$0x3F9F] =	sst s6  }
0xf: {  	[smem:$0x3FA0] =	sst s7  }
0x10: {  	[smem:$0x3FA1] =	sst s8  }
0x11: {  	[smem:$0x3FA2] =	sst s9;
	s0 =	simm.s32 @!p0 $0x0  }
0x12: {  	s1 =	sld [smem:$0x3F88];
	s0 =	simm.s32 @p0 $0x1  }
0x13: {  	[smem:$0x3FA3] =	sst s0;
	s0 =	simm.s32 @!p1 $0x0  }
0x14: {  	s2 =	sld [smem:$0x3F87];
	s0 =	simm.s32 @p1 $0x1  }
0x15: {  	[smem:$0x3FA4] =	sst s0;
	s0 =	simm.s32 @!p2 $0x0  }
0x16: {  	s3 =	sld [smem:$0x3FDB];
	s0 =	simm.s32 @p2 $0x1  }
0x17: {  	s4 =	simm.s32 $0x1BF5;
	[smem:$0x3FA6] =	sst s0  }
0x18: {  	s0 =	sld [smem:$0x3F89];
	_ =	swait.ge [sflag:s4], $0x0  }
0x19: {  	s7 =	sld [smem:$0x3F8A]  }
0x1a: {  	s8 =	sadd.s32 $0xFFFFE003, lr  }
0x1b: {  	s9 =	sadd.s32 $0xFFFFFEF7, lr;
	s5 =	simm.s32 $0xFFFFFFFF;
	p2 =	slt.u32 s8, $0xFFFFF086  }
0x1c: {  	p1 =	slt.u32 s9, $0xF7A;
	s5 =	simm.s32 @!p2 $0x0  }
0x1d: {  	s5 =	simm.s32 @p1 $0x1;
	p0 =	seq.s32 s7, s2  }
0x1e: {  	s7 =	smul.u32 @!p0 $0xF7A, s2;
	p2 =	seq.s32 @!p0 s5, $0x0  }
0x1f: {  	s9 =	smul.u32 $0xF7A, s1;
	s8 =	simm.s32 @!p0 $0x1BF5;
	p2 =	por !p2, p0  }
0x20: {  	[sflag:s8] =	ssyncset.s32 @!p0 $0xFFFFF086;
	s6 =	sadd.s32 @!p0 s3, s7;
	s7 =	simm.s32 @!p0 $0x108  }
0x21: {  	s3 =	sadd.s32 s3, s9;
	s6 =	sadd.s32 @!p0 $0x88, s6;
	s7 =	simm.s32 @p2 $0x1082  }
0x22: {  	[simem:s7], [sflag:s8] =	dma.local @!p0 [hbm:s6], $0xF7A  }
0x23: {  	s9 =	sor.u32 $0xD0000000, s2;
	s6 =	simm.s32 $0x108;
	_ =	swait.ge @!p0 [sflag:s8], $0x0  }
0x24: {  	s3 =	sadd.s32 $0x88, s3;
	s6 =	simm.s32 @!p1 $0x1082;
	[sflag:s4] =	ssyncset.s32 $0xFFFFF086  }
0x25: {  	[simem:s6], [sflag:s4] =	dma.local [hbm:s3], $0xF7A  }
0x26: {  	[smem:$0x3F8A] =	sst s1;
	(tag) =	ssettag s2;
	_ =	strace s9  }
0x27: {  	s1 =	sld [smem:$0x3F9A]  }
0x28: {  	s2 =	sld [smem:$0x3F9B]  }
0x29: {  	s4 =	sld [smem:$0x3F9D]  }
0x2a: {  	p0 =	seq.s32 s5, $0x0;
	s5 =	sld [smem:$0x3F9E]  }
0x2b: {  	s6 =	sld [smem:$0x3F9F]  }
0x2c: {  	s7 =	sld [smem:$0x3FA0]  }
0x2d: {  	s3 =	simm.s32 $0x108;
	s8 =	sld [smem:$0x3FA1]  }
0x2e: {  	s3 =	simm.s32 @!p0 $0x1082;
	s9 =	sld [smem:$0x3FA2]  }
0x2f: {  	lr =	sadd.s32 s0, s3;
	s0 =	sld [smem:$0x3F99]  }
0x30: {  	s3 =	sld [smem:$0x3F9C]  }
0x31: {  	[smem:$0x3FA5] =	sst s10  }
0x32: {  	s10 =	sld [smem:$0x3FA3];
	_ =	sdelay $0x3  }
0x33: {  	p0 =	seq.s32 s10, $0x1;
	s10 =	sld [smem:$0x3FA5];
	_ =	sdelay $0x3  }
0x34: {  	[smem:$0x3FA5] =	sst s10  }
0x35: {  	s10 =	sld [smem:$0x3FA4];
	_ =	sdelay $0x3  }
0x36: {  	p1 =	seq.s32 s10, $0x1;
	s10 =	sld [smem:$0x3FA5];
	_ =	sdelay $0x3  }
0x37: {  	[smem:$0x3FA5] =	sst s10  }
0x38: {  	s10 =	sld [smem:$0x3FA6]  }
0x39: {  	_ = 	snop;
	(pc) =	sbr.ind lr, $3  }
0x3a: {  	_ = 	snop  }
0x3b: {  	_ = 	snop  }
0x3c: {  	p2 =	seq.s32 s10, $0x1;
	s10 =	sld [smem:$0x3FA5]  }
0x3d: {  	_ =	shalt  }
0x3e: {  	_ =	shalt  }
0x3f: {  	_ =	shalt  }
0x40: {  	_ =	shalt  }
0x41: {  	_ =	shalt  }
0x42: {  	_ =	shalt  }
0x43: {  	_ =	shalt  }
0x44: {  	_ =	shalt  }
0x45: {  	_ =	shalt  }
0x46: {  	_ =	shalt  }
0x47: {  	_ =	shalt  }
0x48: {  	_ =	shalt  }
0x49: {  	_ =	shalt  }
0x4a: {  	_ =	shalt  }
0x4b: {  	_ =	shalt  }
0x4c: {  	_ =	shalt  }
0x4d: {  	_ =	shalt  }
0x4e: {  	_ =	shalt  }
0x4f: {  	_ =	shalt  }
0x50: {  	_ =	shalt  }
0x51: {  	_ =	shalt  }
0x52: {  	_ =	shalt  }
0x53: {  	_ =	shalt  }
0x54: {  	_ =	shalt  }
0x55: {  	_ =	shalt  }
0x56: {  	_ =	shalt  }
0x57: {  	_ =	shalt  }
0x58: {  	_ =	shalt  }
0x59: {  	_ =	shalt  }
0x5a: {  	_ =	shalt  }
0x5b: {  	_ =	shalt  }
0x5c: {  	_ =	shalt  }
0x5d: {  	_ =	shalt  }
0x5e: {  	_ =	shalt  }
0x5f: {  	_ =	shalt  }
0x60: {  	_ =	shalt  }
0x61: {  	_ =	shalt  }
0x62: {  	_ =	shalt  }
0x63: {  	_ =	shalt  }
0x64: {  	_ =	shalt  }
0x65: {  	_ =	shalt  }
0x66: {  	_ =	shalt  }
0x67: {  	_ =	shalt  }
0x68: {  	_ =	shalt  }
0x69: {  	_ =	shalt  }
0x6a: {  	_ =	shalt  }
0x6b: {  	_ =	shalt  }
0x6c: {  	_ =	shalt  }
0x6d: {  	_ =	shalt  }
0x6e: {  	_ =	shalt  }
0x6f: {  	_ =	shalt  }
0x70: {  	_ =	shalt  }
0x71: {  	_ =	shalt  }
0x72: {  	_ =	shalt  }
0x73: {  	_ =	shalt  }
0x74: {  	_ =	shalt  }
0x75: {  	_ =	shalt  }
0x76: {  	_ =	shalt  }
0x77: {  	_ =	shalt  }
0x78: {  	_ =	shalt  }
0x79: {  	_ =	shalt  }
0x7a: {  	_ =	shalt  }
0x7b: {  	_ =	shalt  }
0x7c: {  	_ =	shalt  }
0x7d: {  	_ =	shalt  }
0x7e: {  	_ =	shalt  }
0x7f: {  	_ =	shalt  }
0x80: {  	_ =	shalt  }
0x81: {  	_ =	shalt  }
0x82: {  	_ =	shalt  }
0x83: {  	_ =	shalt  }
0x84: {  	_ =	shalt  }
0x85: {  	_ =	shalt  }
0x86: {  	_ =	shalt  }
0x87: {  	_ =	shalt  }
.Lfunc_end0:
.L_simem_size_0:
called_computation.2_lowered:
.L_overlay_start_0:
0x88: {  	s2 =	sld [smem:$0x3FD9]  }
0x89: {  	s3 =	sld [smem:$0x3FFE];
	_ =	sdelay $0x1  }
0x8a: {  	s1 =	srdreg.scid  }
0x8b: {  	s0 =	sand.u32 $0x1, s1  }
0x8c: {  	s16 =	sshll.u32 s0, $0xA;
	s2 =	sadd.s32 s3, s2  }
0x8d: {  	s2 =	sadd.s32 s2, s16  }
0x8e: {  	[smem:$0x3FB1] =	sst s2  }
0x8f: {  	_ = 	snop  }
0x90: {  	(tm) =	ssettm $0x1  }
0x91: {  	s17 =	sld [smem:$0x3FFB];
	_ =	sdelay $0x3  }
0x92: {  	_ =	strace s17  }
0x93: {  	s2 =	sld [smem:$0x3FFC];
	_ =	sdelay $0x3  }
0x94: {  	_ =	strace s2  }
0x95: {  	s2 =	sld [smem:$0x3FFD];
	_ =	sdelay $0x3  }
0x96: {  	_ =	strace s2  }
0x97: {  	_ =	strace $0x8FFFFFFF  }
0x98: {  	s18 =	sld [smem:$0x3FDB];
	_ =	sdelay $0x1  }
0x99: {  	s19 =	simm.s32 $_scs_section_size  }
0x9a: {  	s4 =	simm.s32 $_size__tile_overlayer_lowered;
	s5 =	simm.s32 $_tile_overlayer_lowered  }
0x9b: {  	s22 =	simm.s32 $0x1BFF;
	s21 =	sshll.u32 s5, $0x1;
	s2 =	sadd.s32 s19, s18  }
0x9c: {  	s6 =	simm.s32 $0x0;
	s20 =	sshll.u32 s4, $0x1;
	s4 =	sadd.s32 s21, s2  }
0x9d: {  	[timem:s6], [sflag:s22] =	dma.local [hbm:s4], s20  }
0x9e: {  	_ =	swait.ge [sflag:s22], s20  }
0x9f: {  	s3 =	ssub.s32 $0x0, s20;
	[sflag:s22] =	ssyncset.done $0x0  }
0xa0: {  	[sflag:s22] =	ssyncadd.s32 s3;
	_ =	sdelay $0x1  }
0xa1: {  	s23 =	simm.s32 $0x1B8B  }
0xa2: {  	_ =	swait.ge [sflag:s23], $0x1  }
0xa3: {  	[sflag:s23] =	ssyncset.done $0x0  }
0xa4: {  	s25 =	simm.s32 $0x1B8E;
	s24 =	sld [smem:$0x3FFE];
	[sflag:s23] =	ssyncadd.s32 $0xFFFFFFFF  }
0xa5: {  	s26 =	simm.s32 $execute0_lowered;
	[smem:$0x3FD2] =	sst s25  }
0xa6: {  	s4 =	sshll.u32 s26, $0x1;
	_ =	strace $0x8000004C;
	[dreg:$0x1] =	wrdreg $0xFFFFFFFF  }
0xa7: {  	s28 =	simm.s32 $_size_execute0_lowered;
	s2 =	sadd.s32 s2, s4;
	[dreg:$0x0] =	wrdreg $0x0  }
0xa8: {  	s4 =	sshll.u32 s28, $0x1;
	[dreg:$0x2] =	wrdreg s2  }
0xa9: {  	[dreg:$0x3] =	wrdreg s4  }
0xaa: {  	[dreg:$0x4] =	wrdreg $0xC0  }
0xab: {  	_ =	task [dreg:s6], $0x5FFFF  }
0xac: {  	[dreg:$0x1] =	wrdreg $0xFFFFFFFF  }
0xad: {  	[dreg:$0x0] =	wrdreg $0x60  }
0xae: {  	[dreg:$0x2] =	wrdreg s24  }
0xaf: {  	[dreg:$0x3] =	wrdreg $0x9  }
0xb0: {  	_ =	task.clear_ibuf [dreg:s6], $0x4FFFF;
	_ =	strace $0x9000004C  }
0xb1: {  	s29 =	simm.s32 $0x9;
	_ =	strace $0x8000004E  }
0xb2: {  	_ =	swait.ge [sflag:s29], $0x1  }
0xb3: {  	[sflag:s29] =	ssyncadd.s32 $0xFFFFFFFF  }
0xb4: {  	_ =	strace $0x9000004E  }
0xb5: {  	_ =	sfence  }
0xb6: {  	s30 =	sld [smem:$0x0];
	_ =	sdelay $0x2  }
0xb7: {  	s31 =	sshll.u32 s1, $0xD;
	s1 =	sshrl.u32 s1, $0x2  }
0xb8: {  	s3 =	sand.u32 $0x4000, s31;
	s1 =	sadd.s32 s1, s30  }
0xb9: {  	s0 =	sor.u32 s3, s0;
	s1 =	sshll.u32 s1, $0x11  }
0xba: {  	s0 =	sor.u32 s1, s0  }
0xbb: {  	s0 =	sadd.s32 $0x8F2B, s0  }
0xbc: {  	[sflag:s0] =	ssyncadd.remote.s32 $0x1  }
0xbd: {  	_ =	sfence.sel $0xFFFF  }
0xbe: {  	[dreg:$0x0] =	wrdreg $0xFFFFFFFF;
	(pc) =	sbr.abs _section_cstart, $3  }
0xbf: {  	[dreg:$0x1] =	wrdreg $0xFFFFFFFF  }
0xc0: {  	_ =	task.clear_ibuf [dreg:s6], $0x2FFFF;
	_ =	strace $0x9FFFFFFF  }
0xc1: {  	(tm) =	ssettm $0x7FFFFFFF  }
tec
execute0_lowered:
.L_overlay_start_1:
0x0: {  	(tag) =	ssettag $0x1  }
0x1: {  	s1 =	srdreg.scid  }
0x2: {  	s0 =	stileid.u32;
	s5 =	rddreg [dreg:$0x0]  }
0x3: {  	s2 =	simm.s32 $0x0;
	s10 =	simm.s32 $0x2;
	s11 =	simm.s32 $0x80  }
0x4: {  	s12 =	simm.s32 $0x100;
	s3 =	sand.u32 $0x1, s1;
	s4 =	smul.u32 $0x2800, s0  }
0x5: {  	s13 =	simm.s32 $0x180;
	s14 =	simm.s32 $0x1;
	s6 =	smul.u32 $0x1400, s3  }
0x6: {  	s15 =	simm.s32 $0x200;
	s16 =	simm.s32 $0x280;
	s17 =	simm.s32 $0x0  }
0x7: {  	s1 =	rddreg [dreg:$0x1];
	s7 =	ssub.s32 $0x2, s3;
	s3 =	sadd.s32 s6, s4  }
0x8: {  	[smem:$0x7FF] =	sst s2;
	s31 =	sshrl.u32 s7, $0x1;
	s6 =	sshrl.u32 s3, $0x3  }
0x9: {  	_ =	strace $0x8000004D;
	s7 =	ssub.s32 s7, s31;
	s9 =	sadd.s32 s6, s5  }
0xa: {  	s4 =	sadd.s32 $0x3D200, s5;
	s5 =	smax.u32 s7, $0x1;
	s6 =	sadd.s32 $0x42800, s9  }
0xb: {  	v0 =	vlaneseq.u32;
	s7 =	sadd.s32 $0x3D800, s9;
	s8 =	sadd.s32 $0xDA00, s9;
	s9 =	sadd.s32 $0x8A00, s9  }
.LBB2_1:
0xc: {  	[tilespmem:s2], [sflag:$0x2] =	stream.linear.gather [hbm4b:s9+s2], $0x80, $0x38;
	[tilespmem:$0x300] =	vst v63  }
0xd: {  	_ =	swait.ge [sflag:s10], $0x80  }
0xe: {  	[sflag:s10] =	ssyncset.done $0x0  }
0xf: {  	[sflag:s10] =	ssyncadd.s32 $0xFFFFFF80  }
0x10: {  	[tilespmem:s11], [sflag:$0x2] =	stream.linear.gather [hbm4b:s8+s2], $0x80, $0x38;
	[tilespmem:$0x300] =	vst v63  }
0x11: {  	_ =	swait.ge [sflag:s10], $0x80  }
0x12: {  	[sflag:s10] =	ssyncset.done $0x0  }
0x13: {  	[sflag:s10] =	ssyncadd.s32 $0xFFFFFF80  }
0x14: {  	[tilespmem:s12], [sflag:$0x1] =	stream.indirect.gather [hbm4b:s4+s11], $0x1, s2, s11, $0xb8;
	[tilespmem:$0x300] =	vst v63  }
0x15: {  	_ = 	snop  }
0x16: {  	[tilespmem:s13], [sflag:$0x1] =	stream.indirect.gather [hbm4b:s4+s11], $0x1, s11, s11, $0xb8;
	[tilespmem:$0x300] =	vst v63  }
0x17: {  	_ =	swait.ge [sflag:s14], $0x80  }
0x18: {  	[sflag:s14] =	ssyncset.done $0x0  }
0x19: {  	[sflag:s14] =	ssyncadd.s32 $0xFFFFFF80  }
0x1a: {  	_ =	swait.ge [sflag:s14], $0x80  }
0x1b: {  	[sflag:s14] =	ssyncset.done $0x0  }
0x1c: {  	[sflag:s14] =	ssyncadd.s32 $0xFFFFFF80  }
0x1d: {  	v1 =	vld [tilespmem:$0x1E0]  }
0x1e: {  	v2 =	vld [tilespmem:$0x160]  }
0x1f: {  	v5 =	vld [tilespmem:$0x40]  }
0x20: {  	v3 =	vld [tilespmem:$0x1D0]  }
0x21: {  	v8 =	vld [tilespmem:$0x30]  }
0x22: {  	v4 =	vld [tilespmem:$0x150]  }
0x23: {  	s20 =	simm.s32 $0x80;
	s26 =	sadd.s32 $0x0, s3;
	v7 =	vld [tilespmem:$0x1C0]  }
0x24: {  	s21 =	sadd.s32 $0x10, s9;
	s22 =	smov.u32 s6;
	s23 =	smov.u32 s7;
	v6 =	vld [tilespmem:$0xC0]  }
0x25: {  	s24 =	smov.u32 s8;
	s19 =	smov.u32 s7;
	s18 =	smov.u32 s6;
	v9 =	vld [tilespmem:$0x1B0]  }
.LBB2_2:
0x26: {  	s22 =	sadd.s32 $0x10, s22  }
0x27: {  	v10 =	vld [tilespmem:$0x80];
	s23 =	sadd.s32 $0x10, s23;
	s24 =	sadd.s32 $0x10, s24;
	s25 =	smov.u32 s20  }
0x28: {  	p0 =	sne.s32 s20, $0x1380;
	s20 =	sadd.s32 $0x80, s20;
	s28 =	sadd.s32 $0x30, s26;
	v11 =	vld [tilespmem:$0x140]  }
0x29: {  	v13 =	vor.u32 s28, v0;
	v12 =	vld [tilespmem:$0xB0]  }
0x2a: {  	s28 =	sadd.s32 $0x40, s26;
	v15 =	vmulhi.u32 $0x88888889, v13;
	v14 =	vld [tilespmem:$0x20]  }
0x2b: {  	s29 =	sadd.s32 $0x20, s26;
	v17 =	vor.u32 s28, v0;
	v16 =	vld [tilespmem:$0x130]  }
0x2c: {  	v19 =	vor.u32 s29, v0;
	v20 =	vmulhi.u32 $0x88888889, v17;
	v15 =	vshrl.u32 v15, $0x7;
	v18 =	vld [tilespmem:$0xA0]  }
0x2d: {  	v22 =	vmulhi.u32 $0x88888889, v19;
	s28 =	sadd.s32 $0x50, s26;
	v15 =	vmul.u32 $0xF0, v15;
	v21 =	vld [tilespmem:$0x1A0]  }
0x2e: {  	v23 =	vor.u32 s26, v0;
	v25 =	vor.u32 s28, v0;
	s28 =	sadd.s32 $0x60, s26;
	v20 =	vshrl.u32 v20, $0x7;
	v24 =	vld [tilespmem:$0x120]  }
0x2f: {  	v26 =	vmulhi.u32 $0x88888889, v23;
	v13 =	vsub.s32 v13, v15;
	v15 =	vmul.u32 $0xF0, v20;
	v27 =	vld [tilespmem:$0x10]  }
0x30: {  	vm0 =	veq.s32 v16, v9;
	v9 =	vadd.s32 $0x2710, v13;
	v13 =	vor.u32 s28, v0;
	v16 =	vld [tilespmem:$0x70]  }
0x31: {  	s28 =	sadd.s32 $0x10, s26;
	v20 =	vld [tilespmem:$0x110];
	v8 =	vsel vm0, v8, v9;
	v9 =	vsel vm0, v12, v9;
	v12 =	vsub.s32 v17, v15  }
0x32: {  	s26 =	sadd.s32 $0x70, s26;
	v17 =	vshrl.u32 v26, $0x7;
	vm0 =	veq.s32 v11, v7;
	v15 =	vld [tilespmem:$0x100];
	[tilespmem:$0x230] =	vst v8;
	v7 =	vadd.s32 $0x2710, v12  }
0x33: {  	v8 =	vld [tilespmem:$0x190];
	[tilespmem:$0x2B0] =	vst v9;
	v5 =	vsel vm0, v5, v7;
	v6 =	vsel vm0, v6, v7;
	v7 =	vor.u32 s26, v0  }
0x34: {  	v11 =	vor.u32 s28, v0;
	v9 =	vmul.u32 $0xF0, v17;
	[tilespmem:$0x240] =	vst v5;
	v5 =	vld [tilespmem:$0x1F0];
	v12 =	vmulhi.u32 $0x88888889, v7  }
0x35: {  	vm1 =	veq.s32 v4, v3;
	v3 =	vmulhi.u32 $0x88888889, v25;
	v17 =	vshrl.u32 v22, $0x7;
	v4 =	vld [tilespmem:$0x170]  }
0x36: {  	vm0 =	veq.s32 v2, v1;
	v9 =	vsub.s32 v23, v9;
	v23 =	vmulhi.u32 $0x88888889, v11;
	v22 =	vld [tilespmem:$0x180]  }
0x37: {  	v2 =	vshrl.u32 v3, $0x7;
	v3 =	vmulhi.u32 $0x88888889, v13;
	v12 =	vshrl.u32 v12, $0x7;
	v1 =	vld [tilespmem:$0x0]  }
0x38: {  	v9 =	vadd.s32 $0x2710, v9;
	vm2 =	veq.s32 v20, v8;
	v8 =	vmul.u32 $0xF0, v17;
	[tilespmem:$0x2C0] =	vst v6;
	v6 =	vld [tilespmem:$0xD0]  }
0x39: {  	v2 =	vmul.u32 $0xF0, v2;
	v12 =	vmul.u32 $0xF0, v12;
	v20 =	vshrl.u32 v23, $0x7;
	v17 =	vld [tilespmem:$0x90]  }
0x3a: {  	v3 =	vshrl.u32 v3, $0x7;
	v20 =	vmul.u32 $0xF0, v20;
	v23 =	vld [tilespmem:$0x50];
	vm3 =	veq.s32 v4, v5  }
0x3b: {  	v3 =	vmul.u32 $0xF0, v3;
	v5 =	vsub.s32 v7, v12;
	vm4 =	veq.s32 v15, v22;
	v4 =	vld [tilespmem:$0xF0]  }
0x3c: {  	v1 =	vsel vm4, v1, v9;
	v7 =	vsel vm4, v10, v9;
	v9 =	vsub.s32 v11, v20;
	v10 =	vld [tilespmem:$0xE0]  }
0x3d: {  	v2 =	vsub.s32 v25, v2;
	v5 =	vadd.s32 $0x2710, v5;
	[tilespmem:$0x280] =	vst v7;
	v7 =	vadd.s32 $0x2710, v9;
	v9 =	vld [tilespmem:$0x60]  }
0x3e: {  	v2 =	vadd.s32 $0x2710, v2;
	[tilespmem:$0x200] =	vst v1;
	v1 =	vsel vm2, v27, v7;
	v7 =	vsel vm2, v17, v7  }
0x3f: {  	[tilespmem:$0x210] =	vst v1;
	v1 =	vsel vm1, v23, v2;
	v2 =	vsel vm1, v6, v2;
	v6 =	vsel vm3, v16, v5  }
0x40: {  	v3 =	vsub.s32 v13, v3;
	[tilespmem:$0x290] =	vst v7;
	v7 =	vsub.s32 v19, v8;
	v4 =	vsel vm3, v4, v5  }
0x41: {  	v3 =	vadd.s32 $0x2710, v3;
	vm1 =	veq.s32 v24, v21;
	v5 =	vadd.s32 $0x2710, v7;
	[tilespmem:$0x270] =	vst v6  }
0x42: {  	v6 =	vsel vm1, v14, v5;
	[tilespmem:$0x2D0] =	vst v2;
	v2 =	vsel vm0, v9, v3;
	v3 =	vsel vm0, v10, v3  }
0x43: {  	v5 =	vsel vm1, v18, v5;
	[tilespmem:$0x220] =	vst v6  }
0x44: {  	[tilespmem:$0x2E0] =	vst v3  }
0x45: {  	[tilespmem:$0x2F0] =	vst v4  }
0x46: {  	[tilespmem:$0x250] =	vst v1  }
0x47: {  	[tilespmem:$0x2A0] =	vst v5  }
0x48: {  	[tilespmem:$0x260] =	vst v2  }
0x49: {  	[hbm4b:s19+s2] =	stream.linear.scatter [tilespmem:s15], [sflag:$0x2], $0x80, $0x38;
	[tilespmem:$0x300] =	vst v63  }
0x4a: {  	s19 =	smov.u32 s23;
	_ =	swait.ge [sflag:s10], $0x80  }
0x4b: {  	[sflag:s10] =	ssyncset.done $0x0  }
0x4c: {  	[sflag:s10] =	ssyncadd.s32 $0xFFFFFF80  }
0x4d: {  	[hbm4b:s18+s2] =	stream.linear.scatter [tilespmem:s16], [sflag:$0x2], $0x80, $0x38;
	[tilespmem:$0x300] =	vst v63  }
0x4e: {  	s18 =	smov.u32 s22;
	_ =	swait.ge [sflag:s10], $0x80  }
0x4f: {  	[sflag:s10] =	ssyncset.done $0x0  }
0x50: {  	[sflag:s10] =	ssyncadd.s32 $0xFFFFFF80  }
0x51: {  	[tilespmem:s2], [sflag:$0x2] =	stream.linear.gather [hbm4b:s21+s2], $0x80, $0x38;
	[tilespmem:$0x300] =	vst v63  }
0x52: {  	_ =	swait.ge [sflag:s10], $0x80  }
0x53: {  	[sflag:s10] =	ssyncset.done $0x0  }
0x54: {  	[sflag:s10] =	ssyncadd.s32 $0xFFFFFF80  }
0x55: {  	[tilespmem:s11], [sflag:$0x2] =	stream.linear.gather [hbm4b:s24+s2], $0x80, $0x38;
	[tilespmem:$0x300] =	vst v63  }
0x56: {  	_ =	swait.ge [sflag:s10], $0x80  }
0x57: {  	[sflag:s10] =	ssyncset.done $0x0  }
0x58: {  	[sflag:s10] =	ssyncadd.s32 $0xFFFFFF80  }
0x59: {  	[tilespmem:s12], [sflag:$0x1] =	stream.indirect.gather [hbm4b:s4+s11], $0x1, s2, s11, $0xb8;
	[tilespmem:$0x300] =	vst v63  }
0x5a: {  	_ = 	snop  }
0x5b: {  	[tilespmem:s13], [sflag:$0x1] =	stream.indirect.gather [hbm4b:s4+s11], $0x1, s11, s11, $0xb8;
	[tilespmem:$0x300] =	vst v63  }
0x5c: {  	_ =	swait.ge [sflag:s14], $0x80  }
0x5d: {  	[sflag:s14] =	ssyncset.done $0x0  }
0x5e: {  	[sflag:s14] =	ssyncadd.s32 $0xFFFFFF80  }
0x5f: {  	_ =	swait.ge [sflag:s14], $0x80  }
0x60: {  	[sflag:s14] =	ssyncset.done $0x0  }
0x61: {  	[sflag:s14] =	ssyncadd.s32 $0xFFFFFF80  }
0x62: {  	v1 =	vld [tilespmem:$0x1E0]  }
0x63: {  	v2 =	vld [tilespmem:$0x160]  }
0x64: {  	v5 =	vld [tilespmem:$0x40]  }
0x65: {  	v3 =	vld [tilespmem:$0x1D0]  }
.Ltmp0:
0x66: {  	v8 =	vld [tilespmem:$0x30];
	(pc) =	sbr.rel @p0 .LBB2_2-.Ltmp0, $4  }
0x67: {  	v4 =	vld [tilespmem:$0x150]  }
0x68: {  	v7 =	vld [tilespmem:$0x1C0]  }
0x69: {  	v6 =	vld [tilespmem:$0xC0]  }
0x6a: {  	s26 =	sadd.s32 s25, s3;
	s21 =	sadd.s32 $0x10, s21;
	v9 =	vld [tilespmem:$0x1B0]  }
0x6b: {  	s20 =	sadd.s32 $0x30, s26;
	v12 =	vld [tilespmem:$0x130];
	v20 =	vor.u32 s26, v0  }
0x6c: {  	s24 =	sadd.s32 $0x40, s26;
	v14 =	vld [tilespmem:$0x140];
	v10 =	vor.u32 s20, v0;
	v31 =	vmulhi.u32 $0x88888889, v20  }
0x6d: {  	s25 =	sadd.s32 $0x20, s26;
	v16 =	vld [tilespmem:$0xB0];
	v13 =	vor.u32 s24, v0;
	v11 =	vmulhi.u32 $0x88888889, v10  }
0x6e: {  	v18 =	vld [tilespmem:$0x80];
	s28 =	sadd.s32 $0x50, s26;
	v17 =	vor.u32 s25, v0;
	v15 =	vmulhi.u32 $0x88888889, v13  }
0x6f: {  	v35 =	vld [tilespmem:$0x100];
	s31 =	sadd.s32 $0x10, s26;
	v22 =	vor.u32 s28, v0;
	v19 =	vmulhi.u32 $0x88888889, v17  }
0x70: {  	s29 =	sadd.s32 $0x60, s26;
	s30 =	sadd.s32 $0x70, s26;
	v41 =	vld [tilespmem:$0x1F0];
	vm15 =	veq.s32 v2, v1;
	v24 =	vor.u32 s31, v0;
	v25 =	vmulhi.u32 $0x88888889, v22  }
0x71: {  	v26 =	vld [tilespmem:$0x180];
	v33 =	vor.u32 s29, v0;
	v39 =	vor.u32 s30, v0;
	v44 =	vmulhi.u32 $0x88888889, v24  }
0x72: {  	vm13 =	veq.s32 v4, v3;
	v3 =	vld [tilespmem:$0x170];
	v27 =	vmulhi.u32 $0x88888889, v33;
	v37 =	vshrl.u32 v31, $0x7  }
0x73: {  	v45 =	vld [tilespmem:$0x0];
	v11 =	vshrl.u32 v11, $0x7;
	v15 =	vshrl.u32 v15, $0x7;
	v40 =	vmul.u32 $0xF0, v37  }
0x74: {  	v21 =	vld [tilespmem:$0x1A0];
	v25 =	vshrl.u32 v25, $0x7;
	v51 =	vshrl.u32 v27, $0x7;
	v11 =	vmul.u32 $0xF0, v11  }
0x75: {  	v34 =	vld [tilespmem:$0x110];
	v30 =	vmul.u32 $0xF0, v15;
	vm0 =	veq.s32 v12, v9;
	v43 =	vsub.s32 v20, v40  }
0x76: {  	v38 =	vld [tilespmem:$0x190];
	vm12 =	veq.s32 v14, v7;
	vm3 =	veq.s32 v35, v26;
	v4 =	vadd.s32 $0x2710, v43  }
0x77: {  	v23 =	vld [tilespmem:$0x10];
	vm1 =	veq.s32 v3, v41;
	v10 =	vsub.s32 v10, v11;
	v3 =	vsel vm3, v18, v4  }
0x78: {  	v61 =	vld [tilespmem:$0x50];
	v7 =	vshrl.u32 v44, $0x7;
	v32 =	vadd.s32 $0x2710, v10;
	v4 =	vsel vm3, v45, v4;
	[tilespmem:$0x280] =	vst v3  }
0x79: {  	v48 =	vld [tilespmem:$0x90];
	v49 =	vmul.u32 $0xF0, v25;
	v11 =	vsub.s32 v13, v30;
	v8 =	vsel vm0, v8, v32;
	[tilespmem:$0x200] =	vst v4  }
0x7a: {  	v50 =	vld [tilespmem:$0xD0];
	v7 =	vmul.u32 $0xF0, v7;
	v36 =	vadd.s32 $0x2710, v11;
	v9 =	vsel vm0, v16, v32;
	[tilespmem:$0x230] =	vst v8  }
0x7b: {  	v52 =	vld [tilespmem:$0x120];
	vm2 =	veq.s32 v34, v38;
	v14 =	vsub.s32 v22, v49;
	v5 =	vsel vm12, v5, v36;
	[tilespmem:$0x2B0] =	vst v9  }
0x7c: {  	v57 =	vld [tilespmem:$0xE0];
	v53 =	vsub.s32 v24, v7;
	v60 =	vadd.s32 $0x2710, v14;
	v6 =	vsel vm12, v6, v36;
	[tilespmem:$0x240] =	vst v5  }
0x7d: {  	v1 =	vld [tilespmem:$0x60];
	v55 =	vmul.u32 $0xF0, v51;
	v3 =	vadd.s32 $0x2710, v53;
	v4 =	vsel vm13, v61, v60;
	[tilespmem:$0x2C0] =	vst v6  }
0x7e: {  	v54 =	vld [tilespmem:$0x20];
	v42 =	vmulhi.u32 $0x88888889, v39;
	v19 =	vshrl.u32 v19, $0x7;
	v58 =	vsel vm2, v23, v3;
	[tilespmem:$0x250] =	vst v4  }
0x7f: {  	v62 =	vld [tilespmem:$0xA0];
	v47 =	vmul.u32 $0xF0, v19;
	v10 =	vsub.s32 v33, v55;
	v3 =	vsel vm2, v48, v3;
	[tilespmem:$0x210] =	vst v58  }
0x80: {  	v46 =	vld [tilespmem:$0x70];
	v16 =	vshrl.u32 v42, $0x7;
	v2 =	vadd.s32 $0x2710, v10;
	v5 =	vsel vm13, v50, v60;
	[tilespmem:$0x290] =	vst v3  }
0x81: {  	v59 =	vld [tilespmem:$0xF0];
	v16 =	vmul.u32 $0xF0, v16;
	v63 =	vsel vm15, v57, v2;
	v3 =	vsub.s32 v17, v47;
	[tilespmem:$0x2D0] =	vst v5  }
0x82: {  	vm14 =	veq.s32 v52, v21;
	v1 =	vsel vm15, v1, v2;
	[tilespmem:$0x2E0] =	vst v63;
	v3 =	vadd.s32 $0x2710, v3  }
0x83: {  	[tilespmem:$0x260] =	vst v1;
	v56 =	vsub.s32 v39, v16;
	v7 =	vsel vm14, v54, v3  }
0x84: {  	v6 =	vadd.s32 $0x2710, v56;
	v3 =	vsel vm14, v62, v3;
	[tilespmem:$0x220] =	vst v7  }
0x85: {  	v8 =	vsel vm1, v46, v6;
	[tilespmem:$0x2A0] =	vst v3  }
0x86: {  	v6 =	vsel vm1, v59, v6;
	[tilespmem:$0x270] =	vst v8  }
0x87: {  	[tilespmem:$0x2F0] =	vst v6  }
0x88: {  	[hbm4b:s19+s2] =	stream.linear.scatter [tilespmem:s15], [sflag:$0x2], $0x80, $0x38;
	[tilespmem:$0x300] =	vst v63  }
0x89: {  	s17 =	sadd.s32 $0x1, s17;
	_ =	swait.ge [sflag:s10], $0x80  }
0x8a: {  	p0 =	sne.s32 s17, s5;
	[sflag:s10] =	ssyncset.done $0x0  }
.Ltmp1:
0x8b: {  	[sflag:s10] =	ssyncadd.s32 $0xFFFFFF80;
	(pc) =	sbr.rel @p0 .LBB2_1-.Ltmp1, $4  }
0x8c: {  	[hbm4b:s18+s2] =	stream.linear.scatter [tilespmem:s16], [sflag:$0x2], $0x80, $0x38;
	[tilespmem:$0x300] =	vst v63  }
0x8d: {  	_ =	swait.ge [sflag:s10], $0x80  }
0x8e: {  	[sflag:s10] =	ssyncset.done $0x0  }
0x8f: {  	[sflag:s10] =	ssyncadd.s32 $0xFFFFFF80  }
0x90: {  	_ =	sfence.sel $0x180000  }
0x91: {  	[bflag:$0x0] =	sbarrier.arrive $0xFFFF  }
0x92: {  	p0 =	sne.s32 s0, $0x0;
	_ =	strace $0x9000004D  }
0x93: {  	s0 =	sadd.s32 @!p0 $0x100000, s1;
	[bflag:$0x2] =	sbarrier.arrive $0xFFFF  }
0x94: {  	[sflag:s0] =	ssyncadd.tile.s32 @!p0 $0x1;
	_ =	shalt  }
.Lfunc_end2:
_tile_overlayer_lowered:
.L_overlay_start_2:
0x95: {  	(tag) =	ssettag $0x2  }
0x96: {  	s0 =	rddreg [dreg:$0x0];
	s2 =	stileid.u32  }
0x97: {  	s1 =	rddreg [dreg:$0x1];
	p0 =	sne.s32 s2, $0x0  }
0x98: {  	s3 =	rddreg [dreg:$0x2];
	[bflag:$0x3] =	sbarrier.arrive $0xFFFF;
	s2 =	simm.s32 @!p0 $0x1C02  }
0x99: {  	[timem:s3], [sflag:s2] =	dma.local @!p0 [hbm:s0], s1  }
0x9a: {  	s0 =	simm.s32 @!p0 $0x2  }
0x9b: {  	_ =	swait.ge @!p0 [sflag:s0], s1  }
0x9c: {  	s1 =	ssub.s32 @!p0 $0x0, s1;
	[sflag:s0] =	ssyncset.done @!p0 $0x0  }
0x9d: {  	[sflag:s0] =	ssyncadd.s32 @!p0 s1  }
0x9e: {  	[bflag:$0x3] =	sbarrier.arrive $0xFFFF  }
0x9f: {  	_ =	shalt  }

// kernel: kernel.25.cloned.1.call-start
scs
__scs_entry_jumppad:
0x0: {  	(pc) =	sbr.rel $0x88, $3  }
0x1: {  	(tag) =	ssettag $0x0;
	lr =	simm.s32 $0x1  }
0x2: {  	[smem:$0x3F8A] =	sst lr;
	_ =	strace $0xD0000000  }
0x3: {  	_ = 	snop  }
0x4: {  	_ = 	snop  }
0x5: {  	_ = 	snop  }
0x6: {  	_ = 	snop  }
0x7: {  	_ = 	snop  }
__scs_overlays_trampoline_lowered:
0x8: {  	[smem:$0x3F99] =	sst s0  }
0x9: {  	[smem:$0x3F9A] =	sst s1  }
0xa: {  	[smem:$0x3F9B] =	sst s2  }
0xb: {  	[smem:$0x3F9C] =	sst s3  }
0xc: {  	[smem:$0x3F9D] =	sst s4  }
0xd: {  	[smem:$0x3F9E] =	sst s5  }
0xe: {  	[smem:$0x3F9F] =	sst s6  }
0xf: {  	[smem:$0x3FA0] =	sst s7  }
0x10: {  	[smem:$0x3FA1] =	sst s8  }
0x11: {  	[smem:$0x3FA2] =	sst s9;
	s0 =	simm.s32 @!p0 $0x0  }
0x12: {  	s1 =	sld [smem:$0x3F88];
	s0 =	simm.s32 @p0 $0x1  }
0x13: {  	[smem:$0x3FA3] =	sst s0;
	s0 =	simm.s32 @!p1 $0x0  }
0x14: {  	s2 =	sld [smem:$0x3F87];
	s0 =	simm.s32 @p1 $0x1  }
0x15: {  	[smem:$0x3FA4] =	sst s0;
	s0 =	simm.s32 @!p2 $0x0  }
0x16: {  	s3 =	sld [smem:$0x3FDB];
	s0 =	simm.s32 @p2 $0x1  }
0x17: {  	s4 =	simm.s32 $0x1BF5;
	[smem:$0x3FA6] =	sst s0  }
0x18: {  	s0 =	sld [smem:$0x3F89];
	_ =	swait.ge [sflag:s4], $0x0  }
0x19: {  	s7 =	sld [smem:$0x3F8A]  }
0x1a: {  	s8 =	sadd.s32 $0xFFFFE003, lr  }
0x1b: {  	s9 =	sadd.s32 $0xFFFFFEF7, lr;
	s5 =	simm.s32 $0xFFFFFFFF;
	p2 =	slt.u32 s8, $0xFFFFF086  }
0x1c: {  	p1 =	slt.u32 s9, $0xF7A;
	s5 =	simm.s32 @!p2 $0x0  }
0x1d: {  	s5 =	simm.s32 @p1 $0x1;
	p0 =	seq.s32 s7, s2  }
0x1e: {  	s7 =	smul.u32 @!p0 $0xF7A, s2;
	p2 =	seq.s32 @!p0 s5, $0x0  }
0x1f: {  	s9 =	smul.u32 $0xF7A, s1;
	s8 =	simm.s32 @!p0 $0x1BF5;
	p2 =	por !p2, p0  }
0x20: {  	[sflag:s8] =	ssyncset.s32 @!p0 $0xFFFFF086;
	s6 =	sadd.s32 @!p0 s3, s7;
	s7 =	simm.s32 @!p0 $0x108  }
0x21: {  	s3 =	sadd.s32 s3, s9;
	s6 =	sadd.s32 @!p0 $0x88, s6;
	s7 =	simm.s32 @p2 $0x1082  }
0x22: {  	[simem:s7], [sflag:s8] =	dma.local @!p0 [hbm:s6], $0xF7A  }
0x23: {  	s9 =	sor.u32 $0xD0000000, s2;
	s6 =	simm.s32 $0x108;
	_ =	swait.ge @!p0 [sflag:s8], $0x0  }
0x24: {  	s3 =	sadd.s32 $0x88, s3;
	s6 =	simm.s32 @!p1 $0x1082;
	[sflag:s4] =	ssyncset.s32 $0xFFFFF086  }
0x25: {  	[simem:s6], [sflag:s4] =	dma.local [hbm:s3], $0xF7A  }
0x26: {  	[smem:$0x3F8A] =	sst s1;
	(tag) =	ssettag s2;
	_ =	strace s9  }
0x27: {  	s1 =	sld [smem:$0x3F9A]  }
0x28: {  	s2 =	sld [smem:$0x3F9B]  }
0x29: {  	s4 =	sld [smem:$0x3F9D]  }
0x2a: {  	p0 =	seq.s32 s5, $0x0;
	s5 =	sld [smem:$0x3F9E]  }
0x2b: {  	s6 =	sld [smem:$0x3F9F]  }
0x2c: {  	s7 =	sld [smem:$0x3FA0]  }
0x2d: {  	s3 =	simm.s32 $0x108;
	s8 =	sld [smem:$0x3FA1]  }
0x2e: {  	s3 =	simm.s32 @!p0 $0x1082;
	s9 =	sld [smem:$0x3FA2]  }
0x2f: {  	lr =	sadd.s32 s0, s3;
	s0 =	sld [smem:$0x3F99]  }
0x30: {  	s3 =	sld [smem:$0x3F9C]  }
0x31: {  	[smem:$0x3FA5] =	sst s10  }
0x32: {  	s10 =	sld [smem:$0x3FA3];
	_ =	sdelay $0x3  }
0x33: {  	p0 =	seq.s32 s10, $0x1;
	s10 =	sld [smem:$0x3FA5];
	_ =	sdelay $0x3  }
0x34: {  	[smem:$0x3FA5] =	sst s10  }
0x35: {  	s10 =	sld [smem:$0x3FA4];
	_ =	sdelay $0x3  }
0x36: {  	p1 =	seq.s32 s10, $0x1;
	s10 =	sld [smem:$0x3FA5];
	_ =	sdelay $0x3  }
0x37: {  	[smem:$0x3FA5] =	sst s10  }
0x38: {  	s10 =	sld [smem:$0x3FA6]  }
0x39: {  	_ = 	snop;
	(pc) =	sbr.ind lr, $3  }
0x3a: {  	_ = 	snop  }
0x3b: {  	_ = 	snop  }
0x3c: {  	p2 =	seq.s32 s10, $0x1;
	s10 =	sld [smem:$0x3FA5]  }
0x3d: {  	_ =	shalt  }
0x3e: {  	_ =	shalt  }
0x3f: {  	_ =	shalt  }
0x40: {  	_ =	shalt  }
0x41: {  	_ =	shalt  }
0x42: {  	_ =	shalt  }
0x43: {  	_ =	shalt  }
0x44: {  	_ =	shalt  }
0x45: {  	_ =	shalt  }
0x46: {  	_ =	shalt  }
0x47: {  	_ =	shalt  }
0x48: {  	_ =	shalt  }
0x49: {  	_ =	shalt  }
0x4a: {  	_ =	shalt  }
0x4b: {  	_ =	shalt  }
0x4c: {  	_ =	shalt  }
0x4d: {  	_ =	shalt  }
0x4e: {  	_ =	shalt  }
0x4f: {  	_ =	shalt  }
0x50: {  	_ =	shalt  }
0x51: {  	_ =	shalt  }
0x52: {  	_ =	shalt  }
0x53: {  	_ =	shalt  }
0x54: {  	_ =	shalt  }
0x55: {  	_ =	shalt  }
0x56: {  	_ =	shalt  }
0x57: {  	_ =	shalt  }
0x58: {  	_ =	shalt  }
0x59: {  	_ =	shalt  }
0x5a: {  	_ =	shalt  }
0x5b: {  	_ =	shalt  }
0x5c: {  	_ =	shalt  }
0x5d: {  	_ =	shalt  }
0x5e: {  	_ =	shalt  }
0x5f: {  	_ =	shalt  }
0x60: {  	_ =	shalt  }
0x61: {  	_ =	shalt  }
0x62: {  	_ =	shalt  }
0x63: {  	_ =	shalt  }
0x64: {  	_ =	shalt  }
0x65: {  	_ =	shalt  }
0x66: {  	_ =	shalt  }
0x67: {  	_ =	shalt  }
0x68: {  	_ =	shalt  }
0x69: {  	_ =	shalt  }
0x6a: {  	_ =	shalt  }
0x6b: {  	_ =	shalt  }
0x6c: {  	_ =	shalt  }
0x6d: {  	_ =	shalt  }
0x6e: {  	_ =	shalt  }
0x6f: {  	_ =	shalt  }
0x70: {  	_ =	shalt  }
0x71: {  	_ =	shalt  }
0x72: {  	_ =	shalt  }
0x73: {  	_ =	shalt  }
0x74: {  	_ =	shalt  }
0x75: {  	_ =	shalt  }
0x76: {  	_ =	shalt  }
0x77: {  	_ =	shalt  }
0x78: {  	_ =	shalt  }
0x79: {  	_ =	shalt  }
0x7a: {  	_ =	shalt  }
0x7b: {  	_ =	shalt  }
0x7c: {  	_ =	shalt  }
0x7d: {  	_ =	shalt  }
0x7e: {  	_ =	shalt  }
0x7f: {  	_ =	shalt  }
0x80: {  	_ =	shalt  }
0x81: {  	_ =	shalt  }
0x82: {  	_ =	shalt  }
0x83: {  	_ =	shalt  }
0x84: {  	_ =	shalt  }
0x85: {  	_ =	shalt  }
0x86: {  	_ =	shalt  }
0x87: {  	_ =	shalt  }
.Lfunc_end0:
.L_simem_size_0:
called_computation.3_lowered:
.L_overlay_start_0:
0x88: {  	s2 =	sld [smem:$0x3FD9]  }
0x89: {  	s3 =	sld [smem:$0x3FFE];
	_ =	sdelay $0x1  }
0x8a: {  	s1 =	srdreg.scid  }
0x8b: {  	s0 =	sand.u32 $0x1, s1  }
0x8c: {  	s16 =	sshll.u32 s0, $0xA;
	s2 =	sadd.s32 s3, s2  }
0x8d: {  	s2 =	sadd.s32 s2, s16  }
0x8e: {  	[smem:$0x3FB1] =	sst s2  }
0x8f: {  	_ = 	snop  }
0x90: {  	(tm) =	ssettm $0x1  }
0x91: {  	s17 =	sld [smem:$0x3FFB];
	_ =	sdelay $0x3  }
0x92: {  	_ =	strace s17  }
0x93: {  	s2 =	sld [smem:$0x3FFC];
	_ =	sdelay $0x3  }
0x94: {  	_ =	strace s2  }
0x95: {  	s2 =	sld [smem:$0x3FFD];
	_ =	sdelay $0x3  }
0x96: {  	_ =	strace s2  }
0x97: {  	_ =	strace $0x8FFFFFFF  }
0x98: {  	s18 =	sld [smem:$0x3FDB];
	_ =	sdelay $0x1  }
0x99: {  	s19 =	simm.s32 $_scs_section_size  }
0x9a: {  	s4 =	simm.s32 $_size__tile_overlayer_lowered;
	s5 =	simm.s32 $_tile_overlayer_lowered  }
0x9b: {  	s22 =	simm.s32 $0x1BFF;
	s21 =	sshll.u32 s5, $0x1;
	s2 =	sadd.s32 s19, s18  }
0x9c: {  	s6 =	simm.s32 $0x0;
	s20 =	sshll.u32 s4, $0x1;
	s4 =	sadd.s32 s21, s2  }
0x9d: {  	[timem:s6], [sflag:s22] =	dma.local [hbm:s4], s20  }
0x9e: {  	_ =	swait.ge [sflag:s22], s20  }
0x9f: {  	s3 =	ssub.s32 $0x0, s20;
	[sflag:s22] =	ssyncset.done $0x0  }
0xa0: {  	[sflag:s22] =	ssyncadd.s32 s3;
	_ =	sdelay $0x1  }
0xa1: {  	s23 =	simm.s32 $0x1B8B  }
0xa2: {  	_ =	swait.ge [sflag:s23], $0x1  }
0xa3: {  	[sflag:s23] =	ssyncset.done $0x0  }
0xa4: {  	s25 =	simm.s32 $0x1B8E;
	s24 =	sld [smem:$0x3FFE];
	[sflag:s23] =	ssyncadd.s32 $0xFFFFFFFF  }
0xa5: {  	s26 =	simm.s32 $execute0_lowered;
	[smem:$0x3FD2] =	sst s25  }
0xa6: {  	s4 =	sshll.u32 s26, $0x1;
	_ =	strace $0x8000004F;
	[dreg:$0x1] =	wrdreg $0xFFFFFFFF  }
0xa7: {  	s28 =	simm.s32 $_size_execute0_lowered;
	s2 =	sadd.s32 s2, s4;
	[dreg:$0x0] =	wrdreg $0x0  }
0xa8: {  	s4 =	sshll.u32 s28, $0x1;
	[dreg:$0x2] =	wrdreg s2  }
0xa9: {  	[dreg:$0x3] =	wrdreg s4  }
0xaa: {  	[dreg:$0x4] =	wrdreg $0xC0  }
0xab: {  	_ =	task [dreg:s6], $0x5FFFF  }
0xac: {  	[dreg:$0x1] =	wrdreg $0xFFFFFFFF  }
0xad: {  	[dreg:$0x0] =	wrdreg $0x60  }
0xae: {  	[dreg:$0x2] =	wrdreg s24  }
0xaf: {  	[dreg:$0x3] =	wrdreg $0x41000  }
0xb0: {  	[dreg:$0x4] =	wrdreg $0x9  }
0xb1: {  	_ =	task.clear_ibuf [dreg:s6], $0x5FFFF;
	_ =	strace $0x9000004F  }
0xb2: {  	s29 =	simm.s32 $0x9;
	_ =	strace $0x80000051  }
0xb3: {  	_ =	swait.ge [sflag:s29], $0x1  }
0xb4: {  	[sflag:s29] =	ssyncadd.s32 $0xFFFFFFFF  }
0xb5: {  	_ =	strace $0x90000051  }
0xb6: {  	_ =	sfence  }
0xb7: {  	s30 =	sld [smem:$0x0];
	_ =	sdelay $0x2  }
0xb8: {  	s31 =	sshll.u32 s1, $0xD;
	s1 =	sshrl.u32 s1, $0x2  }
0xb9: {  	s3 =	sand.u32 $0x4000, s31;
	s1 =	sadd.s32 s1, s30  }
0xba: {  	s0 =	sor.u32 s3, s0;
	s1 =	sshll.u32 s1, $0x11  }
0xbb: {  	s0 =	sor.u32 s1, s0  }
0xbc: {  	s0 =	sadd.s32 $0x8F2B, s0  }
0xbd: {  	[sflag:s0] =	ssyncadd.remote.s32 $0x1  }
0xbe: {  	_ =	sfence.sel $0xFFFF  }
0xbf: {  	[dreg:$0x0] =	wrdreg $0xFFFFFFFF;
	(pc) =	sbr.abs _section_cstart, $3  }
0xc0: {  	[dreg:$0x1] =	wrdreg $0xFFFFFFFF  }
0xc1: {  	_ =	task.clear_ibuf [dreg:s6], $0x2FFFF;
	_ =	strace $0x9FFFFFFF  }
0xc2: {  	(tm) =	ssettm $0x7FFFFFFF  }
0xc3: {  	_ =	shalt  }
tec
execute0_lowered:
.L_overlay_start_1:
0x0: {  	(tag) =	ssettag $0x1  }
0x1: {  	s6 =	rddreg [dreg:$0x0];
	s0 =	srdreg.scid  }
0x2: {  	s2 =	rddreg [dreg:$0x1];
	s1 =	stileid.u32;
	s3 =	simm.s32 $0x0  }
0x3: {  	s14 =	simm.s32 $0x100;
	s15 =	simm.s32 $0x1;
	s8 =	smul.u32 $0x14000, s1  }
0x4: {  	s7 =	sand.u32 $0x1, s0;
	s0 =	rddreg [dreg:$0x2];
	s9 =	smul.u32 $0x500, s1  }
0x5: {  	s16 =	simm.s32 $0x0;
	[smem:$0x7FF] =	sst s3;
	s10 =	smul.u32 $0x50000, s1  }
0x6: {  	s4 =	sadd.s32 $0x12A00, s6;
	s30 =	sshll.u32 s1, $0x6;
	s5 =	smul.u32 $0x140000, s7  }
0x7: {  	_ =	strace $0x80000050;
	s29 =	ssub.s32 $0x2, s7;
	s12 =	smul.u32 $0x280, s7  }
0x8: {  	s26 =	sadd.s32 s9, s6;
	s11 =	sshrl.u32 s29, $0x1;
	s10 =	sshrl.u32 s10, $0x2  }
0x9: {  	s5 =	sadd.s32 s8, s5;
	s11 =	ssub.s32 s29, s11;
	s13 =	sadd.s32 s10, s2  }
0xa: {  	s31 =	sadd.s32 s12, s26;
	s12 =	simm.s32 $0x2;
	s28 =	sshrl.u32 s5, $0x3  }
0xb: {  	s5 =	sadd.s32 $0x3AA00, s6;
	s8 =	smax.u32 s11, $0x1;
	s10 =	sadd.s32 $0x3D800, s31  }
0xc: {  	s11 =	sshrl.u32 s13, $0x3;
	s13 =	simm.s32 $0x80;
	s9 =	sadd.s32 s28, s6  }
0xd: {  	s6 =	sor.u32 $0x1C02, s30;
	s7 =	sadd.s32 $0x47800, s9;
	s9 =	sadd.s32 $0x42800, s31  }
.LBB2_1:
0xe: {  	[spmem:s11], [sflag:s6] =	dma.local [hbm:s5], $0x2800  }
0xf: {  	_ =	swait.ge [sflag:s12], $0x2800  }
0x10: {  	[sflag:s12] =	ssyncset.done $0x0  }
0x11: {  	[sflag:s12] =	ssyncadd.s32 $0xFFFFD800  }
0x12: {  	s17 =	sadd.s32 $0x0, s10;
	[bflag:$0x0] =	sbarrier.arrive $0xFFFF  }
0x13: {  	[tilespmem:s3], [sflag:$0x2] =	stream.linear.gather [hbm4b:s17+s3], $0x80, $0x38;
	[tilespmem:$0x18100] =	vst v63  }
0x14: {  	_ =	swait.ge [sflag:s12], $0x80  }
0x15: {  	[sflag:s12] =	ssyncset.done $0x0  }
0x16: {  	s31 =	sadd.s32 $0x0, s9;
	[sflag:s12] =	ssyncadd.s32 $0xFFFFFF80  }
0x17: {  	[tilespmem:s13], [sflag:$0x2] =	stream.linear.gather [hbm4b:s31+s3], $0x80, $0x38;
	[tilespmem:$0x18100] =	vst v63  }
0x18: {  	_ =	swait.ge [sflag:s12], $0x80  }
0x19: {  	[sflag:s12] =	ssyncset.done $0x0  }
0x1a: {  	[sflag:s12] =	ssyncadd.s32 $0xFFFFFF80  }
0x1b: {  	[tilespmem:s14], [sflag:$0x1] =	stream.indirect.gather [hbm4b:s4+s13], $0x80, s3, s13, $0xb8;
	[tilespmem:$0x18100] =	vst v63  }
0x1c: {  	_ =	swait.ge [sflag:s15], $0x4000  }
0x1d: {  	[sflag:s15] =	ssyncset.done $0x0  }
0x1e: {  	[sflag:s15] =	ssyncadd.s32 $0xFFFFC000  }
0x1f: {  	[spmem:s2] =	stream.indirect.scatter.add.f32 [tilespmem:s14], [sflag:$0x2], $0x80, s13, s13, $0xb8;
	[tilespmem:$0x18100] =	vst v63  }
0x20: {  	_ =	swait.ge [sflag:s12], $0x4000  }
0x21: {  	s18 =	simm.s32 $0x20;
	s17 =	simm.s32 $0x10;
	[sflag:s12] =	ssyncset.done $0x0  }
.LBB2_2:
0x22: {  	s19 =	sadd.s32 s17, s10  }
0x23: {  	[sflag:s12] =	ssyncadd.s32 $0xFFFFC000;
	s20 =	smov.u32 s18;
	s21 =	sadd.s32 $0x10, s18  }
0x24: {  	[tilespmem:s3], [sflag:$0x2] =	stream.linear.gather [hbm4b:s19+s3], $0x80, $0x38;
	[tilespmem:$0x18100] =	vst v63  }
0x25: {  	p0 =	sne.s32 s18, $0x270;
	_ =	swait.ge [sflag:s12], $0x80  }
0x26: {  	[sflag:s12] =	ssyncset.done $0x0  }
0x27: {  	s18 =	sadd.s32 s17, s9;
	s17 =	smov.u32 s20;
	[sflag:s12] =	ssyncadd.s32 $0xFFFFFF80  }
0x28: {  	[tilespmem:s13], [sflag:$0x2] =	stream.linear.gather [hbm4b:s18+s3], $0x80, $0x38;
	[tilespmem:$0x18100] =	vst v63  }
0x29: {  	_ =	swait.ge [sflag:s12], $0x80  }
0x2a: {  	[sflag:s12] =	ssyncset.done $0x0  }
0x2b: {  	[sflag:s12] =	ssyncadd.s32 $0xFFFFFF80  }
0x2c: {  	[tilespmem:s14], [sflag:$0x1] =	stream.indirect.gather [hbm4b:s4+s13], $0x80, s3, s13, $0xb8;
	[tilespmem:$0x18100] =	vst v63  }
0x2d: {  	_ =	swait.ge [sflag:s15], $0x4000  }
.Ltmp0:
0x2e: {  	[sflag:s15] =	ssyncset.done $0x0;
	(pc) =	sbr.rel @p0 .LBB2_2-.Ltmp0, $4  }
0x2f: {  	[sflag:s15] =	ssyncadd.s32 $0xFFFFC000  }
0x30: {  	[spmem:s2] =	stream.indirect.scatter.add.f32 [tilespmem:s14], [sflag:$0x2], $0x80, s13, s13, $0xb8;
	[tilespmem:$0x18100] =	vst v63  }
0x31: {  	_ =	swait.ge [sflag:s12], $0x4000  }
0x32: {  	s18 =	smov.u32 s21;
	[sflag:s12] =	ssyncset.done $0x0  }
0x33: {  	s18 =	sadd.s32 s17, s10;
	[sflag:s12] =	ssyncadd.s32 $0xFFFFC000  }
0x34: {  	[tilespmem:s3], [sflag:$0x2] =	stream.linear.gather [hbm4b:s18+s3], $0x80, $0x38;
	[tilespmem:$0x18100] =	vst v63  }
0x35: {  	_ =	swait.ge [sflag:s12], $0x80  }
0x36: {  	[sflag:s12] =	ssyncset.done $0x0  }
0x37: {  	s31 =	sadd.s32 s17, s9;
	[sflag:s12] =	ssyncadd.s32 $0xFFFFFF80  }
0x38: {  	[tilespmem:s13], [sflag:$0x2] =	stream.linear.gather [hbm4b:s31+s3], $0x80, $0x38;
	[tilespmem:$0x18100] =	vst v63  }
0x39: {  	_ =	swait.ge [sflag:s12], $0x80  }
0x3a: {  	[sflag:s12] =	ssyncset.done $0x0  }
0x3b: {  	[sflag:s12] =	ssyncadd.s32 $0xFFFFFF80  }
0x3c: {  	[tilespmem:s14], [sflag:$0x1] =	stream.indirect.gather [hbm4b:s4+s13], $0x80, s3, s13, $0xb8;
	[tilespmem:$0x18100] =	vst v63  }
0x3d: {  	_ =	swait.ge [sflag:s15], $0x4000  }
0x3e: {  	[sflag:s15] =	ssyncset.done $0x0  }
0x3f: {  	[sflag:s15] =	ssyncadd.s32 $0xFFFFC000  }
0x40: {  	[spmem:s2] =	stream.indirect.scatter.add.f32 [tilespmem:s14], [sflag:$0x2], $0x80, s13, s13, $0xb8;
	[tilespmem:$0x18100] =	vst v63  }
0x41: {  	_ =	swait.ge [sflag:s12], $0x4000  }
0x42: {  	s16 =	sadd.s32 $0x1, s16;
	[sflag:s12] =	ssyncset.done $0x0  }
0x43: {  	p0 =	sne.s32 s16, s8;
	[sflag:s12] =	ssyncadd.s32 $0xFFFFC000  }
.Ltmp1:
0x44: {  	[bflag:$0x0] =	sbarrier.arrive $0xFFFF;
	(pc) =	sbr.rel @p0 .LBB2_1-.Ltmp1, $4  }
0x45: {  	[hbm:s7], [sflag:s6] =	dma.local [spmem:s11], $0x2800  }
0x46: {  	_ =	swait.ge [sflag:s12], $0x2800  }
0x47: {  	[sflag:s12] =	ssyncset.done $0x0  }
0x48: {  	[sflag:s12] =	ssyncadd.s32 $0xFFFFD800  }
0x49: {  	_ =	sfence.sel $0x180000  }
0x4a: {  	[bflag:$0x0] =	sbarrier.arrive $0xFFFF  }
0x4b: {  	p0 =	sne.s32 s1, $0x0;
	_ =	strace $0x90000050  }
0x4c: {  	s0 =	sadd.s32 @!p0 $0x100000, s0;
	[bflag:$0x2] =	sbarrier.arrive $0xFFFF  }
0x4d: {  	[sflag:s0] =	ssyncadd.tile.s32 @!p0 $0x1;
	_ =	shalt  }
.Lfunc_end2:
_tile_overlayer_lowered:
.L_overlay_start_2:
0x4e: {  	(tag) =	ssettag $0x2  }
0x4f: {  	s0 =	rddreg [dreg:$0x0];
	s2 =	stileid.u32  }
0x50: {  	s1 =	rddreg [dreg:$0x1];
	p0 =	sne.s32 s2, $0x0  }
0x51: {  	s3 =	rddreg [dreg:$0x2];
	[bflag:$0x3] =	sbarrier.arrive $0xFFFF;
	s2 =	simm.s32 @!p0 $0x1C02  }
0x52: {  	[timem:s3], [sflag:s2] =	dma.local @!p0 [hbm:s0], s1  }
0x53: {  	s0 =	simm.s32 @!p0 $0x2  }
0x54: {  	_ =	swait.ge @!p0 [sflag:s0], s1  }
0x55: {  	s1 =	ssub.s32 @!p0 $0x0, s1;
	[sflag:s0] =	ssyncset.done @!p0 $0x0  }
0x56: {  	[sflag:s0] =	ssyncadd.s32 @!p0 s1  }
0x57: {  	[bflag:$0x3] =	sbarrier.arrive $0xFFFF  }
0x58: {  	_ =	shalt  }

// kernel: kernel.28.cloned.1.call-start
scs
__scs_entry_jumppad:
0x0: {  	(pc) =	sbr.rel $0x88, $3  }
0x1: {  	(tag) =	ssettag $0x0;
	lr =	simm.s32 $0x1  }
0x2: {  	[smem:$0x3F8A] =	sst lr;
	_ =	strace $0xD0000000  }
0x3: {  	_ = 	snop  }
0x4: {  	_ = 	snop  }
0x5: {  	_ = 	snop  }
0x6: {  	_ = 	snop  }
0x7: {  	_ = 	snop  }
__scs_overlays_trampoline_lowered:
0x8: {  	[smem:$0x3F99] =	sst s0  }
0x9: {  	[smem:$0x3F9A] =	sst s1  }
0xa: {  	[smem:$0x3F9B] =	sst s2  }
0xb: {  	[smem:$0x3F9C] =	sst s3  }
0xc: {  	[smem:$0x3F9D] =	sst s4  }
0xd: {  	[smem:$0x3F9E] =	sst s5  }
0xe: {  	[smem:$0x3F9F] =	sst s6  }
0xf: {  	[smem:$0x3FA0] =	sst s7  }
0x10: {  	[smem:$0x3FA1] =	sst s8  }
0x11: {  	[smem:$0x3FA2] =	sst s9;
	s0 =	simm.s32 @!p0 $0x0  }
0x12: {  	s1 =	sld [smem:$0x3F88];
	s0 =	simm.s32 @p0 $0x1  }
0x13: {  	[smem:$0x3FA3] =	sst s0;
	s0 =	simm.s32 @!p1 $0x0  }
0x14: {  	s2 =	sld [smem:$0x3F87];
	s0 =	simm.s32 @p1 $0x1  }
0x15: {  	[smem:$0x3FA4] =	sst s0;
	s0 =	simm.s32 @!p2 $0x0  }
0x16: {  	s3 =	sld [smem:$0x3FDB];
	s0 =	simm.s32 @p2 $0x1  }
0x17: {  	s4 =	simm.s32 $0x1BF5;
	[smem:$0x3FA6] =	sst s0  }
0x18: {  	s0 =	sld [smem:$0x3F89];
	_ =	swait.ge [sflag:s4], $0x0  }
0x19: {  	s7 =	sld [smem:$0x3F8A]  }
0x1a: {  	s8 =	sadd.s32 $0xFFFFE003, lr  }
0x1b: {  	s9 =	sadd.s32 $0xFFFFFEF7, lr;
	s5 =	simm.s32 $0xFFFFFFFF;
	p2 =	slt.u32 s8, $0xFFFFF086  }
0x1c: {  	p1 =	slt.u32 s9, $0xF7A;
	s5 =	simm.s32 @!p2 $0x0  }
0x1d: {  	s5 =	simm.s32 @p1 $0x1;
	p0 =	seq.s32 s7, s2  }
0x1e: {  	s7 =	smul.u32 @!p0 $0xF7A, s2;
	p2 =	seq.s32 @!p0 s5, $0x0  }
0x1f: {  	s9 =	smul.u32 $0xF7A, s1;
	s8 =	simm.s32 @!p0 $0x1BF5;
	p2 =	por !p2, p0  }
0x20: {  	[sflag:s8] =	ssyncset.s32 @!p0 $0xFFFFF086;
	s6 =	sadd.s32 @!p0 s3, s7;
	s7 =	simm.s32 @!p0 $0x108  }
0x21: {  	s3 =	sadd.s32 s3, s9;
	s6 =	sadd.s32 @!p0 $0x88, s6;
	s7 =	simm.s32 @p2 $0x1082  }
0x22: {  	[simem:s7], [sflag:s8] =	dma.local @!p0 [hbm:s6], $0xF7A  }
0x23: {  	s9 =	sor.u32 $0xD0000000, s2;
	s6 =	simm.s32 $0x108;
	_ =	swait.ge @!p0 [sflag:s8], $0x0  }
0x24: {  	s3 =	sadd.s32 $0x88, s3;
	s6 =	simm.s32 @!p1 $0x1082;
	[sflag:s4] =	ssyncset.s32 $0xFFFFF086  }
0x25: {  	[simem:s6], [sflag:s4] =	dma.local [hbm:s3], $0xF7A  }
0x26: {  	[smem:$0x3F8A] =	sst s1;
	(tag) =	ssettag s2;
	_ =	strace s9  }
0x27: {  	s1 =	sld [smem:$0x3F9A]  }
0x28: {  	s2 =	sld [smem:$0x3F9B]  }
0x29: {  	s4 =	sld [smem:$0x3F9D]  }
0x2a: {  	p0 =	seq.s32 s5, $0x0;
	s5 =	sld [smem:$0x3F9E]  }
0x2b: {  	s6 =	sld [smem:$0x3F9F]  }
0x2c: {  	s7 =	sld [smem:$0x3FA0]  }
0x2d: {  	s3 =	simm.s32 $0x108;
	s8 =	sld [smem:$0x3FA1]  }
0x2e: {  	s3 =	simm.s32 @!p0 $0x1082;
	s9 =	sld [smem:$0x3FA2]  }
0x2f: {  	lr =	sadd.s32 s0, s3;
	s0 =	sld [smem:$0x3F99]  }
0x30: {  	s3 =	sld [smem:$0x3F9C]  }
0x31: {  	[smem:$0x3FA5] =	sst s10  }
0x32: {  	s10 =	sld [smem:$0x3FA3];
	_ =	sdelay $0x3  }
0x33: {  	p0 =	seq.s32 s10, $0x1;
	s10 =	sld [smem:$0x3FA5];
	_ =	sdelay $0x3  }
0x34: {  	[smem:$0x3FA5] =	sst s10  }
0x35: {  	s10 =	sld [smem:$0x3FA4];
	_ =	sdelay $0x3  }
0x36: {  	p1 =	seq.s32 s10, $0x1;
	s10 =	sld [smem:$0x3FA5];
	_ =	sdelay $0x3  }
0x37: {  	[smem:$0x3FA5] =	sst s10  }
0x38: {  	s10 =	sld [smem:$0x3FA6]  }
0x39: {  	_ = 	snop;
	(pc) =	sbr.ind lr, $3  }
0x3a: {  	_ = 	snop  }
0x3b: {  	_ = 	snop  }
0x3c: {  	p2 =	seq.s32 s10, $0x1;
	s10 =	sld [smem:$0x3FA5]  }
0x3d: {  	_ =	shalt  }
0x3e: {  	_ =	shalt  }
0x3f: {  	_ =	shalt  }
0x40: {  	_ =	shalt  }
0x41: {  	_ =	shalt  }
0x42: {  	_ =	shalt  }
0x43: {  	_ =	shalt  }
0x44: {  	_ =	shalt  }
0x45: {  	_ =	shalt  }
0x46: {  	_ =	shalt  }
0x47: {  	_ =	shalt  }
0x48: {  	_ =	shalt  }
0x49: {  	_ =	shalt  }
0x4a: {  	_ =	shalt  }
0x4b: {  	_ =	shalt  }
0x4c: {  	_ =	shalt  }
0x4d: {  	_ =	shalt  }
0x4e: {  	_ =	shalt  }
0x4f: {  	_ =	shalt  }
0x50: {  	_ =	shalt  }
0x51: {  	_ =	shalt  }
0x52: {  	_ =	shalt  }
0x53: {  	_ =	shalt  }
0x54: {  	_ =	shalt  }
0x55: {  	_ =	shalt  }
0x56: {  	_ =	shalt  }
0x57: {  	_ =	shalt  }
0x58: {  	_ =	shalt  }
0x59: {  	_ =	shalt  }
0x5a: {  	_ =	shalt  }
0x5b: {  	_ =	shalt  }
0x5c: {  	_ =	shalt  }
0x5d: {  	_ =	shalt  }
0x5e: {  	_ =	shalt  }
0x5f: {  	_ =	shalt  }
0x60: {  	_ =	shalt  }
0x61: {  	_ =	shalt  }
0x62: {  	_ =	shalt  }
0x63: {  	_ =	shalt  }
0x64: {  	_ =	shalt  }
0x65: {  	_ =	shalt  }
0x66: {  	_ =	shalt  }
0x67: {  	_ =	shalt  }
0x68: {  	_ =	shalt  }
0x69: {  	_ =	shalt  }
0x6a: {  	_ =	shalt  }
0x6b: {  	_ =	shalt  }
0x6c: {  	_ =	shalt  }
0x6d: {  	_ =	shalt  }
0x6e: {  	_ =	shalt  }
0x6f: {  	_ =	shalt  }
0x70: {  	_ =	shalt  }
0x71: {  	_ =	shalt  }
0x72: {  	_ =	shalt  }
0x73: {  	_ =	shalt  }
0x74: {  	_ =	shalt  }
0x75: {  	_ =	shalt  }
0x76: {  	_ =	shalt  }
0x77: {  	_ =	shalt  }
0x78: {  	_ =	shalt  }
0x79: {  	_ =	shalt  }
0x7a: {  	_ =	shalt  }
0x7b: {  	_ =	shalt  }
0x7c: {  	_ =	shalt  }
0x7d: {  	_ =	shalt  }
0x7e: {  	_ =	shalt  }
0x7f: {  	_ =	shalt  }
0x80: {  	_ =	shalt  }
0x81: {  	_ =	shalt  }
0x82: {  	_ =	shalt  }
0x83: {  	_ =	shalt  }
0x84: {  	_ =	shalt  }
0x85: {  	_ =	shalt  }
0x86: {  	_ =	shalt  }
0x87: {  	_ =	shalt  }
.Lfunc_end0:
.L_simem_size_0:
called_computation.4_lowered:
.L_overlay_start_0:
0x88: {  	s2 =	sld [smem:$0x3FD9]  }
0x89: {  	s3 =	sld [smem:$0x3FFE];
	_ =	sdelay $0x1  }
0x8a: {  	s1 =	srdreg.scid  }
0x8b: {  	s0 =	sand.u32 $0x1, s1  }
0x8c: {  	s16 =	sshll.u32 s0, $0xA;
	s2 =	sadd.s32 s3, s2  }
0x8d: {  	s2 =	sadd.s32 s2, s16  }
0x8e: {  	[smem:$0x3FB1] =	sst s2  }
0x8f: {  	_ = 	snop  }
0x90: {  	(tm) =	ssettm $0x1  }
0x91: {  	s17 =	sld [smem:$0x3FFB];
	_ =	sdelay $0x3  }
0x92: {  	_ =	strace s17  }
0x93: {  	s2 =	sld [smem:$0x3FFC];
	_ =	sdelay $0x3  }
0x94: {  	_ =	strace s2  }
0x95: {  	s2 =	sld [smem:$0x3FFD];
	_ =	sdelay $0x3  }
0x96: {  	_ =	strace s2  }
0x97: {  	_ =	strace $0x8FFFFFFF  }
0x98: {  	s18 =	sld [smem:$0x3FDB];
	_ =	sdelay $0x1  }
0x99: {  	s19 =	simm.s32 $_scs_section_size  }
0x9a: {  	s4 =	simm.s32 $_size__tile_overlayer_lowered;
	s5 =	simm.s32 $_tile_overlayer_lowered  }
0x9b: {  	s22 =	simm.s32 $0x1BFF;
	s21 =	sshll.u32 s5, $0x1;
	s2 =	sadd.s32 s19, s18  }
0x9c: {  	s6 =	simm.s32 $0x0;
	s20 =	sshll.u32 s4, $0x1;
	s4 =	sadd.s32 s21, s2  }
0x9d: {  	[timem:s6], [sflag:s22] =	dma.local [hbm:s4], s20  }
0x9e: {  	_ =	swait.ge [sflag:s22], s20  }
0x9f: {  	s3 =	ssub.s32 $0x0, s20;
	[sflag:s22] =	ssyncset.done $0x0  }
0xa0: {  	[sflag:s22] =	ssyncadd.s32 s3;
	_ =	sdelay $0x1  }
0xa1: {  	s23 =	simm.s32 $0x1B8B  }
0xa2: {  	_ =	swait.ge [sflag:s23], $0x1  }
0xa3: {  	[sflag:s23] =	ssyncset.done $0x0  }
0xa4: {  	s25 =	simm.s32 $0x1B8E;
	s24 =	sld [smem:$0x3FFE];
	[sflag:s23] =	ssyncadd.s32 $0xFFFFFFFF  }
0xa5: {  	s26 =	simm.s32 $execute0_lowered;
	[smem:$0x3FD2] =	sst s25  }
0xa6: {  	s4 =	sshll.u32 s26, $0x1;
	_ =	strace $0x80000052;
	[dreg:$0x1] =	wrdreg $0xFFFFFFFF  }
0xa7: {  	s28 =	simm.s32 $_size_execute0_lowered;
	s2 =	sadd.s32 s2, s4;
	[dreg:$0x0] =	wrdreg $0x0  }
0xa8: {  	s4 =	sshll.u32 s28, $0x1;
	[dreg:$0x2] =	wrdreg s2  }
0xa9: {  	[dreg:$0x3] =	wrdreg s4  }
0xaa: {  	[dreg:$0x4] =	wrdreg $0xC0  }
0xab: {  	_ =	task [dreg:s6], $0x5FFFF  }
0xac: {  	[dreg:$0x1] =	wrdreg $0xFFFFFFFF  }
0xad: {  	[dreg:$0x0] =	wrdreg $0x60  }
0xae: {  	[dreg:$0x2] =	wrdreg s24  }
0xaf: {  	[dreg:$0x3] =	wrdreg $0x41000  }
0xb0: {  	[dreg:$0x4] =	wrdreg $0x9  }
0xb1: {  	_ =	task.clear_ibuf [dreg:s6], $0x5FFFF;
	_ =	strace $0x90000052  }
0xb2: {  	s29 =	simm.s32 $0x9;
	_ =	strace $0x80000054  }
0xb3: {  	_ =	swait.ge [sflag:s29], $0x1  }
0xb4: {  	[sflag:s29] =	ssyncadd.s32 $0xFFFFFFFF  }
0xb5: {  	_ =	strace $0x90000054  }
0xb6: {  	_ =	sfence  }
0xb7: {  	s30 =	sld [smem:$0x0];
	_ =	sdelay $0x2  }
0xb8: {  	s31 =	sshll.u32 s1, $0xD;
	s1 =	sshrl.u32 s1, $0x2  }
0xb9: {  	s3 =	sand.u32 $0x4000, s31;
	s1 =	sadd.s32 s1, s30  }
0xba: {  	s0 =	sor.u32 s3, s0;
	s1 =	sshll.u32 s1, $0x11  }
0xbb: {  	s0 =	sor.u32 s1, s0  }
0xbc: {  	s0 =	sadd.s32 $0x8F2B, s0  }
0xbd: {  	[sflag:s0] =	ssyncadd.remote.s32 $0x1  }
0xbe: {  	_ =	sfence.sel $0xFFFF  }
0xbf: {  	[dreg:$0x0] =	wrdreg $0xFFFFFFFF;
	(pc) =	sbr.abs _section_cstart, $3  }
0xc0: {  	[dreg:$0x1] =	wrdreg $0xFFFFFFFF  }
0xc1: {  	_ =	task.clear_ibuf [dreg:s6], $0x2FFFF;
	_ =	strace $0x9FFFFFFF  }
0xc2: {  	(tm) =	ssettm $0x7FFFFFFF  }
0xc3: {  	_ =	shalt  }
tec
execute0_lowered:
.L_overlay_start_1:
0x0: {  	(tag) =	ssettag $0x1  }
0x1: {  	s6 =	rddreg [dreg:$0x0];
	s0 =	srdreg.scid  }
0x2: {  	s2 =	rddreg [dreg:$0x1];
	s1 =	stileid.u32;
	s3 =	simm.s32 $0x0  }
0x3: {  	s14 =	simm.s32 $0x100;
	s15 =	simm.s32 $0x1;
	s8 =	smul.u32 $0x14000, s1  }
0x4: {  	s7 =	sand.u32 $0x1, s0;
	s0 =	rddreg [dreg:$0x2];
	s9 =	smul.u32 $0x500, s1  }
0x5: {  	s16 =	simm.s32 $0x0;
	[smem:$0x7FF] =	sst s3;
	s10 =	smul.u32 $0x50000, s1  }
0x6: {  	s4 =	sadd.s32 $0x8A00, s6;
	s30 =	sshll.u32 s1, $0x6;
	s5 =	smul.u32 $0x140000, s7  }
0x7: {  	_ =	strace $0x80000053;
	s29 =	ssub.s32 $0x2, s7;
	s12 =	smul.u32 $0x280, s7  }
0x8: {  	s26 =	sadd.s32 s9, s6;
	s11 =	sshrl.u32 s29, $0x1;
	s10 =	sshrl.u32 s10, $0x2  }
0x9: {  	s5 =	sadd.s32 s8, s5;
	s11 =	ssub.s32 s29, s11;
	s13 =	sadd.s32 s10, s2  }
0xa: {  	s31 =	sadd.s32 s12, s26;
	s12 =	simm.s32 $0x2;
	s28 =	sshrl.u32 s5, $0x3  }
0xb: {  	s5 =	sadd.s32 $0x3AA00, s6;
	s8 =	smax.u32 s11, $0x1;
	s10 =	sadd.s32 $0x3D800, s31  }
0xc: {  	s11 =	sshrl.u32 s13, $0x3;
	s13 =	simm.s32 $0x80;
	s9 =	sadd.s32 s28, s6  }
0xd: {  	s6 =	sor.u32 $0x1C02, s30;
	s7 =	sadd.s32 $0x47800, s9;
	s9 =	sadd.s32 $0x42800, s31  }
.LBB2_1:
0xe: {  	[spmem:s11], [sflag:s6] =	dma.local [hbm:s5], $0x2800  }
0xf: {  	_ =	swait.ge [sflag:s12], $0x2800  }
0x10: {  	[sflag:s12] =	ssyncset.done $0x0  }
0x11: {  	[sflag:s12] =	ssyncadd.s32 $0xFFFFD800  }
0x12: {  	s17 =	sadd.s32 $0x0, s10;
	[bflag:$0x0] =	sbarrier.arrive $0xFFFF  }
0x13: {  	[tilespmem:s3], [sflag:$0x2] =	stream.linear.gather [hbm4b:s17+s3], $0x80, $0x38;
	[tilespmem:$0x18100] =	vst v63  }
0x14: {  	_ =	swait.ge [sflag:s12], $0x80  }
0x15: {  	[sflag:s12] =	ssyncset.done $0x0  }
0x16: {  	s31 =	sadd.s32 $0x0, s9;
	[sflag:s12] =	ssyncadd.s32 $0xFFFFFF80  }
0x17: {  	[tilespmem:s13], [sflag:$0x2] =	stream.linear.gather [hbm4b:s31+s3], $0x80, $0x38;
	[tilespmem:$0x18100] =	vst v63  }
0x18: {  	_ =	swait.ge [sflag:s12], $0x80  }
0x19: {  	[sflag:s12] =	ssyncset.done $0x0  }
0x1a: {  	[sflag:s12] =	ssyncadd.s32 $0xFFFFFF80  }
0x1b: {  	[tilespmem:s14], [sflag:$0x1] =	stream.indirect.gather [hbm4b:s4+s13], $0x80, s3, s13, $0xb8;
	[tilespmem:$0x18100] =	vst v63  }
0x1c: {  	_ =	swait.ge [sflag:s15], $0x4000  }
0x1d: {  	[sflag:s15] =	ssyncset.done $0x0  }
0x1e: {  	[sflag:s15] =	ssyncadd.s32 $0xFFFFC000  }
0x1f: {  	[spmem:s2] =	stream.indirect.scatter.add.f32 [tilespmem:s14], [sflag:$0x2], $0x80, s13, s13, $0xb8;
	[tilespmem:$0x18100] =	vst v63  }
0x20: {  	_ =	swait.ge [sflag:s12], $0x4000  }
0x21: {  	s18 =	simm.s32 $0x20;
	s17 =	simm.s32 $0x10;
	[sflag:s12] =	ssyncset.done $0x0  }
.LBB2_2:
0x22: {  	s19 =	sadd.s32 s17, s10  }
0x23: {  	[sflag:s12] =	ssyncadd.s32 $0xFFFFC000;
	s20 =	smov.u32 s18;
	s21 =	sadd.s32 $0x10, s18  }
0x24: {  	[tilespmem:s3], [sflag:$0x2] =	stream.linear.gather [hbm4b:s19+s3], $0x80, $0x38;
	[tilespmem:$0x18100] =	vst v63  }
0x25: {  	p0 =	sne.s32 s18, $0x270;
	_ =	swait.ge [sflag:s12], $0x80  }
0x26: {  	[sflag:s12] =	ssyncset.done $0x0  }
0x27: {  	s18 =	sadd.s32 s17, s9;
	s17 =	smov.u32 s20;
	[sflag:s12] =	ssyncadd.s32 $0xFFFFFF80  }
0x28: {  	[tilespmem:s13], [sflag:$0x2] =	stream.linear.gather [hbm4b:s18+s3], $0x80, $0x38;
	[tilespmem:$0x18100] =	vst v63  }
0x29: {  	_ =	swait.ge [sflag:s12], $0x80  }
0x2a: {  	[sflag:s12] =	ssyncset.done $0x0  }
0x2b: {  	[sflag:s12] =	ssyncadd.s32 $0xFFFFFF80  }
0x2c: {  	[tilespmem:s14], [sflag:$0x1] =	stream.indirect.gather [hbm4b:s4+s13], $0x80, s3, s13, $0xb8;
	[tilespmem:$0x18100] =	vst v63  }
0x2d: {  	_ =	swait.ge [sflag:s15], $0x4000  }
.Ltmp0:
0x2e: {  	[sflag:s15] =	ssyncset.done $0x0;
	(pc) =	sbr.rel @p0 .LBB2_2-.Ltmp0, $4  }
0x2f: {  	[sflag:s15] =	ssyncadd.s32 $0xFFFFC000  }
0x30: {  	[spmem:s2] =	stream.indirect.scatter.add.f32 [tilespmem:s14], [sflag:$0x2], $0x80, s13, s13, $0xb8;
	[tilespmem:$0x18100] =	vst v63  }
0x31: {  	_ =	swait.ge [sflag:s12], $0x4000  }
0x32: {  	s18 =	smov.u32 s21;
	[sflag:s12] =	ssyncset.done $0x0  }
0x33: {  	s18 =	sadd.s32 s17, s10;
	[sflag:s12] =	ssyncadd.s32 $0xFFFFC000  }
0x34: {  	[tilespmem:s3], [sflag:$0x2] =	stream.linear.gather [hbm4b:s18+s3], $0x80, $0x38;
	[tilespmem:$0x18100] =	vst v63  }
0x35: {  	_ =	swait.ge [sflag:s12], $0x80  }
0x36: {  	[sflag:s12] =	ssyncset.done $0x0  }
0x37: {  	s31 =	sadd.s32 s17, s9;
	[sflag:s12] =	ssyncadd.s32 $0xFFFFFF80  }
0x38: {  	[tilespmem:s13], [sflag:$0x2] =	stream.linear.gather [hbm4b:s31+s3], $0x80, $0x38;
	[tilespmem:$0x18100] =	vst v63  }
0x39: {  	_ =	swait.ge [sflag:s12], $0x80  }
0x3a: {  	[sflag:s12] =	ssyncset.done $0x0  }
0x3b: {  	[sflag:s12] =	ssyncadd.s32 $0xFFFFFF80  }
0x3c: {  	[tilespmem:s14], [sflag:$0x1] =	stream.indirect.gather [hbm4b:s4+s13], $0x80, s3, s13, $0xb8;
	[tilespmem:$0x18100] =	vst v63  }
0x3d: {  	_ =	swait.ge [sflag:s15], $0x4000  }
0x3e: {  	[sflag:s15] =	ssyncset.done $0x0  }
0x3f: {  	[sflag:s15] =	ssyncadd.s32 $0xFFFFC000  }
0x40: {  	[spmem:s2] =	stream.indirect.scatter.add.f32 [tilespmem:s14], [sflag:$0x2], $0x80, s13, s13, $0xb8;
	[tilespmem:$0x18100] =	vst v63  }
0x41: {  	_ =	swait.ge [sflag:s12], $0x4000  }
0x42: {  	s16 =	sadd.s32 $0x1, s16;
	[sflag:s12] =	ssyncset.done $0x0  }
0x43: {  	p0 =	sne.s32 s16, s8;
	[sflag:s12] =	ssyncadd.s32 $0xFFFFC000  }
.Ltmp1:
0x44: {  	[bflag:$0x0] =	sbarrier.arrive $0xFFFF;
	(pc) =	sbr.rel @p0 .LBB2_1-.Ltmp1, $4  }
0x45: {  	[hbm:s7], [sflag:s6] =	dma.local [spmem:s11], $0x2800  }
0x46: {  	_ =	swait.ge [sflag:s12], $0x2800  }
0x47: {  	[sflag:s12] =	ssyncset.done $0x0  }
0x48: {  	[sflag:s12] =	ssyncadd.s32 $0xFFFFD800  }
0x49: {  	_ =	sfence.sel $0x180000  }
0x4a: {  	[bflag:$0x0] =	sbarrier.arrive $0xFFFF  }
0x4b: {  	p0 =	sne.s32 s1, $0x0;
	_ =	strace $0x90000053  }
0x4c: {  	s0 =	sadd.s32 @!p0 $0x100000, s0;
	[bflag:$0x2] =	sbarrier.arrive $0xFFFF  }
0x4d: {  	[sflag:s0] =	ssyncadd.tile.s32 @!p0 $0x1;
	_ =	shalt  }
.Lfunc_end2:
_tile_overlayer_lowered:
.L_overlay_start_2:
0x4e: {  	(tag) =	ssettag $0x2  }
0x4f: {  	s0 =	rddreg [dreg:$0x0];
	s2 =	stileid.u32  }
0x50: {  	s1 =	rddreg [dreg:$0x1];
	p0 =	sne.s32 s2, $0x0  }
0x51: {  	s3 =	rddreg [dreg:$0x2];
	[bflag:$0x3] =	sbarrier.arrive $0xFFFF;
	s2 =	simm.s32 @!p0 $0x1C02  }
0x52: {  	[timem:s3], [sflag:s2] =	dma.local @!p0 [hbm:s0], s1  }
0x53: {  	s0 =	simm.s32 @!p0 $0x2  }
0x54: {  	_ =	swait.ge @!p0 [sflag:s0], s1  }
0x55: {  	s1 =	ssub.s32 @!p0 $0x0, s1;
	[sflag:s0] =	ssyncset.done @!p0 $0x0  }
0x56: {  	[sflag:s0] =	ssyncadd.s32 @!p0 s1  }
0x57: {  	[bflag:$0x3] =	sbarrier.arrive $0xFFFF  }
0x58: {  	_ =	shalt  }

// kernel: kernel.31.cloned.1.call-start
scs
__scs_entry_jumppad:
0x0: {  	(pc) =	sbr.rel $0x88, $3  }
0x1: {  	(tag) =	ssettag $0x0;
	lr =	simm.s32 $0x1  }
0x2: {  	[smem:$0x3F8A] =	sst lr;
	_ =	strace $0xD0000000  }
0x3: {  	_ = 	snop  }
0x4: {  	_ = 	snop  }
0x5: {  	_ = 	snop  }
0x6: {  	_ = 	snop  }
0x7: {  	_ = 	snop  }
__scs_overlays_trampoline_lowered:
0x8: {  	[smem:$0x3F99] =	sst s0  }
0x9: {  	[smem:$0x3F9A] =	sst s1  }
0xa: {  	[smem:$0x3F9B] =	sst s2  }
0xb: {  	[smem:$0x3F9C] =	sst s3  }
0xc: {  	[smem:$0x3F9D] =	sst s4  }
0xd: {  	[smem:$0x3F9E] =	sst s5  }
0xe: {  	[smem:$0x3F9F] =	sst s6  }
0xf: {  	[smem:$0x3FA0] =	sst s7  }
0x10: {  	[smem:$0x3FA1] =	sst s8  }
0x11: {  	[smem:$0x3FA2] =	sst s9;
	s0 =	simm.s32 @!p0 $0x0  }
0x12: {  	s1 =	sld [smem:$0x3F88];
	s0 =	simm.s32 @p0 $0x1  }
0x13: {  	[smem:$0x3FA3] =	sst s0;
	s0 =	simm.s32 @!p1 $0x0  }
0x14: {  	s2 =	sld [smem:$0x3F87];
	s0 =	simm.s32 @p1 $0x1  }
0x15: {  	[smem:$0x3FA4] =	sst s0;
	s0 =	simm.s32 @!p2 $0x0  }
0x16: {  	s3 =	sld [smem:$0x3FDB];
	s0 =	simm.s32 @p2 $0x1  }
0x17: {  	s4 =	simm.s32 $0x1BF5;
	[smem:$0x3FA6] =	sst s0  }
0x18: {  	s0 =	sld [smem:$0x3F89];
	_ =	swait.ge [sflag:s4], $0x0  }
0x19: {  	s7 =	sld [smem:$0x3F8A]  }
0x1a: {  	s8 =	sadd.s32 $0xFFFFE003, lr  }
0x1b: {  	s9 =	sadd.s32 $0xFFFFFEF7, lr;
	s5 =	simm.s32 $0xFFFFFFFF;
	p2 =	slt.u32 s8, $0xFFFFF086  }
0x1c: {  	p1 =	slt.u32 s9, $0xF7A;
	s5 =	simm.s32 @!p2 $0x0  }
0x1d: {  	s5 =	simm.s32 @p1 $0x1;
	p0 =	seq.s32 s7, s2  }
0x1e: {  	s7 =	smul.u32 @!p0 $0xF7A, s2;
	p2 =	seq.s32 @!p0 s5, $0x0  }
0x1f: {  	s9 =	smul.u32 $0xF7A, s1;
	s8 =	simm.s32 @!p0 $0x1BF5;
	p2 =	por !p2, p0  }
0x20: {  	[sflag:s8] =	ssyncset.s32 @!p0 $0xFFFFF086;
	s6 =	sadd.s32 @!p0 s3, s7;
	s7 =	simm.s32 @!p0 $0x108  }
0x21: {  	s3 =	sadd.s32 s3, s9;
	s6 =	sadd.s32 @!p0 $0x88, s6;
	s7 =	simm.s32 @p2 $0x1082  }
0x22: {  	[simem:s7], [sflag:s8] =	dma.local @!p0 [hbm:s6], $0xF7A  }
0x23: {  	s9 =	sor.u32 $0xD0000000, s2;
	s6 =	simm.s32 $0x108;
	_ =	swait.ge @!p0 [sflag:s8], $0x0  }
0x24: {  	s3 =	sadd.s32 $0x88, s3;
	s6 =	simm.s32 @!p1 $0x1082;
	[sflag:s4] =	ssyncset.s32 $0xFFFFF086  }
0x25: {  	[simem:s6], [sflag:s4] =	dma.local [hbm:s3], $0xF7A  }
0x26: {  	[smem:$0x3F8A] =	sst s1;
	(tag) =	ssettag s2;
	_ =	strace s9  }
0x27: {  	s1 =	sld [smem:$0x3F9A]  }
0x28: {  	s2 =	sld [smem:$0x3F9B]  }
0x29: {  	s4 =	sld [smem:$0x3F9D]  }
0x2a: {  	p0 =	seq.s32 s5, $0x0;
	s5 =	sld [smem:$0x3F9E]  }
0x2b: {  	s6 =	sld [smem:$0x3F9F]  }
0x2c: {  	s7 =	sld [smem:$0x3FA0]  }
0x2d: {  	s3 =	simm.s32 $0x108;
	s8 =	sld [smem:$0x3FA1]  }
0x2e: {  	s3 =	simm.s32 @!p0 $0x1082;
	s9 =	sld [smem:$0x3FA2]  }
0x2f: {  	lr =	sadd.s32 s0, s3;
	s0 =	sld [smem:$0x3F99]  }
0x30: {  	s3 =	sld [smem:$0x3F9C]  }
0x31: {  	[smem:$0x3FA5] =	sst s10  }
0x32: {  	s10 =	sld [smem:$0x3FA3];
	_ =	sdelay $0x3  }
0x33: {  	p0 =	seq.s32 s10, $0x1;
	s10 =	sld [smem:$0x3FA5];
	_ =	sdelay $0x3  }
0x34: {  	[smem:$0x3FA5] =	sst s10  }
0x35: {  	s10 =	sld [smem:$0x3FA4];
	_ =	sdelay $0x3  }
0x36: {  	p1 =	seq.s32 s10, $0x1;
	s10 =	sld [smem:$0x3FA5];
	_ =	sdelay $0x3  }
0x37: {  	[smem:$0x3FA5] =	sst s10  }
0x38: {  	s10 =	sld [smem:$0x3FA6]  }
0x39: {  	_ = 	snop;
	(pc) =	sbr.ind lr, $3  }
0x3a: {  	_ = 	snop  }
0x3b: {  	_ = 	snop  }
0x3c: {  	p2 =	seq.s32 s10, $0x1;
	s10 =	sld [smem:$0x3FA5]  }
0x3d: {  	_ =	shalt  }
0x3e: {  	_ =	shalt  }
0x3f: {  	_ =	shalt  }
0x40: {  	_ =	shalt  }
0x41: {  	_ =	shalt  }
0x42: {  	_ =	shalt  }
0x43: {  	_ =	shalt  }
0x44: {  	_ =	shalt  }
0x45: {  	_ =	shalt  }
0x46: {  	_ =	shalt  }
0x47: {  	_ =	shalt  }
0x48: {  	_ =	shalt  }
0x49: {  	_ =	shalt  }
0x4a: {  	_ =	shalt  }
0x4b: {  	_ =	shalt  }
0x4c: {  	_ =	shalt  }
0x4d: {  	_ =	shalt  }
0x4e: {  	_ =	shalt  }
0x4f: {  	_ =	shalt  }
0x50: {  	_ =	shalt  }
0x51: {  	_ =	shalt  }
0x52: {  	_ =	shalt  }
0x53: {  	_ =	shalt  }
0x54: {  	_ =	shalt  }
0x55: {  	_ =	shalt  }
0x56: {  	_ =	shalt  }
0x57: {  	_ =	shalt  }
0x58: {  	_ =	shalt  }
0x59: {  	_ =	shalt  }
0x5a: {  	_ =	shalt  }
0x5b: {  	_ =	shalt  }
0x5c: {  	_ =	shalt  }
0x5d: {  	_ =	shalt  }
0x5e: {  	_ =	shalt  }
0x5f: {  	_ =	shalt  }
0x60: {  	_ =	shalt  }
0x61: {  	_ =	shalt  }
0x62: {  	_ =	shalt  }
0x63: {  	_ =	shalt  }
0x64: {  	_ =	shalt  }
0x65: {  	_ =	shalt  }
0x66: {  	_ =	shalt  }
0x67: {  	_ =	shalt  }
0x68: {  	_ =	shalt  }
0x69: {  	_ =	shalt  }
0x6a: {  	_ =	shalt  }
0x6b: {  	_ =	shalt  }
0x6c: {  	_ =	shalt  }
0x6d: {  	_ =	shalt  }
0x6e: {  	_ =	shalt  }
0x6f: {  	_ =	shalt  }
0x70: {  	_ =	shalt  }
0x71: {  	_ =	shalt  }
0x72: {  	_ =	shalt  }
0x73: {  	_ =	shalt  }
0x74: {  	_ =	shalt  }
0x75: {  	_ =	shalt  }
0x76: {  	_ =	shalt  }
0x77: {  	_ =	shalt  }
0x78: {  	_ =	shalt  }
0x79: {  	_ =	shalt  }
0x7a: {  	_ =	shalt  }
0x7b: {  	_ =	shalt  }
0x7c: {  	_ =	shalt  }
0x7d: {  	_ =	shalt  }
0x7e: {  	_ =	shalt  }
0x7f: {  	_ =	shalt  }
0x80: {  	_ =	shalt  }
0x81: {  	_ =	shalt  }
0x82: {  	_ =	shalt  }
0x83: {  	_ =	shalt  }
0x84: {  	_ =	shalt  }
0x85: {  	_ =	shalt  }
0x86: {  	_ =	shalt  }
0x87: {  	_ =	shalt  }
.Lfunc_end0:
.L_simem_size_0:
called_computation.5_lowered:
.L_overlay_start_0:
0x88: {  	s2 =	sld [smem:$0x3FD9]  }
0x89: {  	s3 =	sld [smem:$0x3FFE];
	_ =	sdelay $0x1  }
0x8a: {  	s1 =	srdreg.scid  }
0x8b: {  	s0 =	sand.u32 $0x1, s1  }
0x8c: {  	s16 =	sshll.u32 s0, $0xA;
	s2 =	sadd.s32 s3, s2  }
0x8d: {  	s2 =	sadd.s32 s2, s16  }
0x8e: {  	[smem:$0x3FB1] =	sst s2  }
0x8f: {  	_ = 	snop  }
0x90: {  	(tm) =	ssettm $0x1  }
0x91: {  	s17 =	sld [smem:$0x3FFB];
	_ =	sdelay $0x3  }
0x92: {  	_ =	strace s17  }
0x93: {  	s2 =	sld [smem:$0x3FFC];
	_ =	sdelay $0x3  }
0x94: {  	_ =	strace s2  }
0x95: {  	s2 =	sld [smem:$0x3FFD];
	_ =	sdelay $0x3  }
0x96: {  	_ =	strace s2  }
0x97: {  	_ =	strace $0x8FFFFFFF  }
0x98: {  	s18 =	sld [smem:$0x3FDB];
	_ =	sdelay $0x1  }
0x99: {  	s19 =	simm.s32 $_scs_section_size  }
0x9a: {  	s4 =	simm.s32 $_size__tile_overlayer_lowered;
	s5 =	simm.s32 $_tile_overlayer_lowered  }
0x9b: {  	s22 =	simm.s32 $0x1BFF;
	s21 =	sshll.u32 s5, $0x1;
	s2 =	sadd.s32 s19, s18  }
0x9c: {  	s6 =	simm.s32 $0x0;
	s20 =	sshll.u32 s4, $0x1;
	s4 =	sadd.s32 s21, s2  }
0x9d: {  	[timem:s6], [sflag:s22] =	dma.local [hbm:s4], s20  }
0x9e: {  	_ =	swait.ge [sflag:s22], s20  }
0x9f: {  	s3 =	ssub.s32 $0x0, s20;
	[sflag:s22] =	ssyncset.done $0x0  }
0xa0: {  	[sflag:s22] =	ssyncadd.s32 s3;
	_ =	sdelay $0x1  }
0xa1: {  	s23 =	simm.s32 $0x1B8B  }
0xa2: {  	_ =	swait.ge [sflag:s23], $0x1  }
0xa3: {  	[sflag:s23] =	ssyncset.done $0x0  }
0xa4: {  	s25 =	simm.s32 $0x1B8E;
	s24 =	sld [smem:$0x3FFE];
	[sflag:s23] =	ssyncadd.s32 $0xFFFFFFFF  }
0xa5: {  	s26 =	simm.s32 $execute0_lowered;
	[smem:$0x3FD2] =	sst s25  }
0xa6: {  	s4 =	sshll.u32 s26, $0x1;
	_ =	strace $0x80000055;
	[dreg:$0x1] =	wrdreg $0xFFFFFFFF  }
0xa7: {  	s28 =	simm.s32 $_size_execute0_lowered;
	s2 =	sadd.s32 s2, s4;
	[dreg:$0x0] =	wrdreg $0x0  }
0xa8: {  	s4 =	sshll.u32 s28, $0x1;
	[dreg:$0x2] =	wrdreg s2  }
0xa9: {  	[dreg:$0x3] =	wrdreg s4  }
0xaa: {  	[dreg:$0x4] =	wrdreg $0xC0  }
0xab: {  	_ =	task [dreg:s6], $0x5FFFF  }
0xac: {  	[dreg:$0x1] =	wrdreg $0xFFFFFFFF  }
0xad: {  	[dreg:$0x0] =	wrdreg $0x60  }
0xae: {  	[dreg:$0x2] =	wrdreg s24  }
0xaf: {  	[dreg:$0x3] =	wrdreg $0x41000  }
0xb0: {  	[dreg:$0x4] =	wrdreg $0x9  }
0xb1: {  	_ =	task.clear_ibuf [dreg:s6], $0x5FFFF;
	_ =	strace $0x90000055  }
0xb2: {  	s29 =	simm.s32 $0x9;
	_ =	strace $0x80000057  }
0xb3: {  	_ =	swait.ge [sflag:s29], $0x1  }
0xb4: {  	[sflag:s29] =	ssyncadd.s32 $0xFFFFFFFF  }
0xb5: {  	_ =	strace $0x90000057  }
0xb6: {  	_ =	sfence  }
0xb7: {  	s30 =	sld [smem:$0x0];
	_ =	sdelay $0x2  }
0xb8: {  	s31 =	sshll.u32 s1, $0xD;
	s1 =	sshrl.u32 s1, $0x2  }
0xb9: {  	s3 =	sand.u32 $0x4000, s31;
	s1 =	sadd.s32 s1, s30  }
0xba: {  	s0 =	sor.u32 s3, s0;
	s1 =	sshll.u32 s1, $0x11  }
0xbb: {  	s0 =	sor.u32 s1, s0  }
0xbc: {  	s0 =	sadd.s32 $0x8F2B, s0  }
0xbd: {  	[sflag:s0] =	ssyncadd.remote.s32 $0x1  }
0xbe: {  	_ =	sfence.sel $0xFFFF  }
0xbf: {  	[dreg:$0x0] =	wrdreg $0xFFFFFFFF;
	(pc) =	sbr.abs _section_cstart, $3  }
0xc0: {  	[dreg:$0x1] =	wrdreg $0xFFFFFFFF  }
0xc1: {  	_ =	task.clear_ibuf [dreg:s6], $0x2FFFF;
	_ =	strace $0x9FFFFFFF  }
0xc2: {  	(tm) =	ssettm $0x7FFFFFFF  }
0xc3: {  	_ =	shalt  }
tec
execute0_lowered:
.L_overlay_start_1:
0x0: {  	(tag) =	ssettag $0x1  }
0x1: {  	s6 =	rddreg [dreg:$0x0];
	s0 =	srdreg.scid  }
0x2: {  	s2 =	rddreg [dreg:$0x1];
	s1 =	stileid.u32;
	s3 =	simm.s32 $0x0  }
0x3: {  	s14 =	simm.s32 $0x100;
	s15 =	simm.s32 $0x1;
	s8 =	smul.u32 $0x14000, s1  }
0x4: {  	s7 =	sand.u32 $0x1, s0;
	s0 =	rddreg [dreg:$0x2];
	s9 =	smul.u32 $0x500, s1  }
0x5: {  	s16 =	simm.s32 $0x0;
	[smem:$0x7FF] =	sst s3;
	s10 =	smul.u32 $0x50000, s1  }
0x6: {  	s4 =	sadd.s32 $0x8A00, s6;
	s30 =	sshll.u32 s1, $0x6;
	s5 =	smul.u32 $0x140000, s7  }
0x7: {  	_ =	strace $0x80000056;
	s29 =	ssub.s32 $0x2, s7;
	s12 =	smul.u32 $0x280, s7  }
0x8: {  	s26 =	sadd.s32 s9, s6;
	s11 =	sshrl.u32 s29, $0x1;
	s10 =	sshrl.u32 s10, $0x2  }
0x9: {  	s5 =	sadd.s32 s8, s5;
	s11 =	ssub.s32 s29, s11;
	s13 =	sadd.s32 s10, s2  }
0xa: {  	s31 =	sadd.s32 s12, s26;
	s12 =	simm.s32 $0x2;
	s28 =	sshrl.u32 s5, $0x3  }
0xb: {  	s5 =	sadd.s32 $0x3AA00, s6;
	s8 =	smax.u32 s11, $0x1;
	s10 =	sadd.s32 $0x3D800, s31  }
0xc: {  	s11 =	sshrl.u32 s13, $0x3;
	s13 =	simm.s32 $0x80;
	s9 =	sadd.s32 s28, s6  }
0xd: {  	s6 =	sor.u32 $0x1C02, s30;
	s7 =	sadd.s32 $0x47800, s9;
	s9 =	sadd.s32 $0x42800, s31  }
.LBB2_1:
0xe: {  	[spmem:s11], [sflag:s6] =	dma.local [hbm:s5], $0x2800  }
0xf: {  	_ =	swait.ge [sflag:s12], $0x2800  }
0x10: {  	[sflag:s12] =	ssyncset.done $0x0  }
0x11: {  	[sflag:s12] =	ssyncadd.s32 $0xFFFFD800  }
0x12: {  	s17 =	sadd.s32 $0x0, s10;
	[bflag:$0x0] =	sbarrier.arrive $0xFFFF  }
0x13: {  	[tilespmem:s3], [sflag:$0x2] =	stream.linear.gather [hbm4b:s17+s3], $0x80, $0x38;
	[tilespmem:$0x18100] =	vst v63  }
0x14: {  	_ =	swait.ge [sflag:s12], $0x80  }
0x15: {  	[sflag:s12] =	ssyncset.done $0x0  }
0x16: {  	s31 =	sadd.s32 $0x0, s9;
	[sflag:s12] =	ssyncadd.s32 $0xFFFFFF80  }
0x17: {  	[tilespmem:s13], [sflag:$0x2] =	stream.linear.gather [hbm4b:s31+s3], $0x80, $0x38;
	[tilespmem:$0x18100] =	vst v63  }
0x18: {  	_ =	swait.ge [sflag:s12], $0x80  }
0x19: {  	[sflag:s12] =	ssyncset.done $0x0  }
0x1a: {  	[sflag:s12] =	ssyncadd.s32 $0xFFFFFF80  }
0x1b: {  	[tilespmem:s14], [sflag:$0x1] =	stream.indirect.gather [hbm4b:s4+s13], $0x80, s3, s13, $0xb8;
	[tilespmem:$0x18100] =	vst v63  }
0x1c: {  	_ =	swait.ge [sflag:s15], $0x4000  }
0x1d: {  	[sflag:s15] =	ssyncset.done $0x0  }
0x1e: {  	[sflag:s15] =	ssyncadd.s32 $0xFFFFC000  }
0x1f: {  	[spmem:s2] =	stream.indirect.scatter.add.f32 [tilespmem:s14], [sflag:$0x2], $0x80, s13, s13, $0xb8;
	[tilespmem:$0x18100] =	vst v63  }
0x20: {  	_ =	swait.ge [sflag:s12], $0x4000  }
0x21: {  	s18 =	simm.s32 $0x20;
	s17 =	simm.s32 $0x10;
	[sflag:s12] =	ssyncset.done $0x0  }
.LBB2_2:
0x22: {  	s19 =	sadd.s32 s17, s10  }
0x23: {  	[sflag:s12] =	ssyncadd.s32 $0xFFFFC000;
	s20 =	smov.u32 s18;
	s21 =	sadd.s32 $0x10, s18  }
0x24: {  	[tilespmem:s3], [sflag:$0x2] =	stream.linear.gather [hbm4b:s19+s3], $0x80, $0x38;
	[tilespmem:$0x18100] =	vst v63  }
0x25: {  	p0 =	sne.s32 s18, $0x270;
	_ =	swait.ge [sflag:s12], $0x80  }
0x26: {  	[sflag:s12] =	ssyncset.done $0x0  }
0x27: {  	s18 =	sadd.s32 s17, s9;
	s17 =	smov.u32 s20;
	[sflag:s12] =	ssyncadd.s32 $0xFFFFFF80  }
0x28: {  	[tilespmem:s13], [sflag:$0x2] =	stream.linear.gather [hbm4b:s18+s3], $0x80, $0x38;
	[tilespmem:$0x18100] =	vst v63  }
0x29: {  	_ =	swait.ge [sflag:s12], $0x80  }
0x2a: {  	[sflag:s12] =	ssyncset.done $0x0  }
0x2b: {  	[sflag:s12] =	ssyncadd.s32 $0xFFFFFF80  }
0x2c: {  	[tilespmem:s14], [sflag:$0x1] =	stream.indirect.gather [hbm4b:s4+s13], $0x80, s3, s13, $0xb8;
	[tilespmem:$0x18100] =	vst v63  }
0x2d: {  	_ =	swait.ge [sflag:s15], $0x4000  }
.Ltmp0:
0x2e: {  	[sflag:s15] =	ssyncset.done $0x0;
	(pc) =	sbr.rel @p0 .LBB2_2-.Ltmp0, $4  }
0x2f: {  	[sflag:s15] =	ssyncadd.s32 $0xFFFFC000  }
0x30: {  	[spmem:s2] =	stream.indirect.scatter.add.f32 [tilespmem:s14], [sflag:$0x2], $0x80, s13, s13, $0xb8;
	[tilespmem:$0x18100] =	vst v63  }
0x31: {  	_ =	swait.ge [sflag:s12], $0x4000  }
0x32: {  	s18 =	smov.u32 s21;
	[sflag:s12] =	ssyncset.done $0x0  }
0x33: {  	s18 =	sadd.s32 s17, s10;
	[sflag:s12] =	ssyncadd.s32 $0xFFFFC000  }
0x34: {  	[tilespmem:s3], [sflag:$0x2] =	stream.linear.gather [hbm4b:s18+s3], $0x80, $0x38;
	[tilespmem:$0x18100] =	vst v63  }
0x35: {  	_ =	swait.ge [sflag:s12], $0x80  }
0x36: {  	[sflag:s12] =	ssyncset.done $0x0  }
0x37: {  	s31 =	sadd.s32 s17, s9;
	[sflag:s12] =	ssyncadd.s32 $0xFFFFFF80  }
0x38: {  	[tilespmem:s13], [sflag:$0x2] =	stream.linear.gather [hbm4b:s31+s3], $0x80, $0x38;
	[tilespmem:$0x18100] =	vst v63  }
0x39: {  	_ =	swait.ge [sflag:s12], $0x80  }
0x3a: {  	[sflag:s12] =	ssyncset.done $0x0  }
0x3b: {  	[sflag:s12] =	ssyncadd.s32 $0xFFFFFF80  }
0x3c: {  	[tilespmem:s14], [sflag:$0x1] =	stream.indirect.gather [hbm4b:s4+s13], $0x80, s3, s13, $0xb8;
	[tilespmem:$0x18100] =	vst v63  }
0x3d: {  	_ =	swait.ge [sflag:s15], $0x4000  }
0x3e: {  	[sflag:s15] =	ssyncset.done $0x0  }
0x3f: {  	[sflag:s15] =	ssyncadd.s32 $0xFFFFC000  }
0x40: {  	[spmem:s2] =	stream.indirect.scatter.add.f32 [tilespmem:s14], [sflag:$0x2], $0x80, s13, s13, $0xb8;
	[tilespmem:$0x18100] =	vst v63  }
0x41: {  	_ =	swait.ge [sflag:s12], $0x4000  }
0x42: {  	s16 =	sadd.s32 $0x1, s16;
	[sflag:s12] =	ssyncset.done $0x0  }
0x43: {  	p0 =	sne.s32 s16, s8;
	[sflag:s12] =	ssyncadd.s32 $0xFFFFC000  }
.Ltmp1:
0x44: {  	[bflag:$0x0] =	sbarrier.arrive $0xFFFF;
	(pc) =	sbr.rel @p0 .LBB2_1-.Ltmp1, $4  }
0x45: {  	[hbm:s7], [sflag:s6] =	dma.local [spmem:s11], $0x2800  }
0x46: {  	_ =	swait.ge [sflag:s12], $0x2800  }
0x47: {  	[sflag:s12] =	ssyncset.done $0x0  }
0x48: {  	[sflag:s12] =	ssyncadd.s32 $0xFFFFD800  }
0x49: {  	_ =	sfence.sel $0x180000  }
0x4a: {  	[bflag:$0x0] =	sbarrier.arrive $0xFFFF  }
0x4b: {  	p0 =	sne.s32 s1, $0x0;
	_ =	strace $0x90000056  }
0x4c: {  	s0 =	sadd.s32 @!p0 $0x100000, s0;
	[bflag:$0x2] =	sbarrier.arrive $0xFFFF  }
0x4d: {  	[sflag:s0] =	ssyncadd.tile.s32 @!p0 $0x1;
	_ =	shalt  }
.Lfunc_end2:
_tile_overlayer_lowered:
.L_overlay_start_2:
0x4e: {  	(tag) =	ssettag $0x2  }
0x4f: {  	s0 =	rddreg [dreg:$0x0];
	s2 =	stileid.u32  }
0x50: {  	s1 =	rddreg [dreg:$0x1];
	p0 =	sne.s32 s2, $0x0  }
0x51: {  	s3 =	rddreg [dreg:$0x2];
	[bflag:$0x3] =	sbarrier.arrive $0xFFFF;
	s2 =	simm.s32 @!p0 $0x1C02  }
0x52: {  	[timem:s3], [sflag:s2] =	dma.local @!p0 [hbm:s0], s1  }
0x53: {  	s0 =	simm.s32 @!p0 $0x2  }
0x54: {  	_ =	swait.ge @!p0 [sflag:s0], s1  }
0x55: {  	s1 =	ssub.s32 @!p0 $0x0, s1;
	[sflag:s0] =	ssyncset.done @!p0 $0x0  }
0x56: {  	[sflag:s0] =	ssyncadd.s32 @!p0 s1  }
0x57: {  	[bflag:$0x3] =	sbarrier.arrive $0xFFFF  }
0x58: {  	_ =	shalt  }

</sc_bundles>
